<compile_context>
chip_gen: v7x
topology: tpu7x:2x2x1
jax: 0.10.2.dev20260603
libtpu: 0.0.44.dev20260713+nightly
codegen_flags: <defaults>
</compile_context>

<pallas_src>
import functools

import jax
import jax.numpy as jnp
from jax import lax
from jax.experimental import pallas as pl
from jax.experimental.pallas import tpu as pltpu
from jax.experimental.pallas import tpu_sc as plsc

N = 10000
E = 160000
D = 256
H = 128
NC = 2
NS = 16
CH = 128
EP = 163840
PCH = EP // CH
NCHUNK = E // CH
CPT = PCH // NS
HALF = CPT // 2
NP = N + 128
RPT = 624
TAIL = N - NS * RPT
ZR = 104

_MESH = plsc.VectorSubcoreMesh(core_axis_name="c", subcore_axis_name="s",
                               num_cores=NC, num_subcores=NS)


def _sc_agg_body(t_hbm, src2_hbm, dst_hbm, agg_hbm, srcv, dstv,
                 srcv1, dstv1, rows0, rows1, acc, gsem0, gsem1,
                 isem0, isem1):
    c = lax.axis_index("c")
    s = lax.axis_index("s")

    z16 = jnp.zeros((16,), jnp.float32)

    def zfill(r, _):
        for k in range(H // 16):
            rows0[r, pl.ds(k * 16, 16)] = z16
        return 0
    lax.fori_loop(0, ZR, zfill, 0)
    for j in range(RPT // ZR):
        pltpu.sync_copy(rows0.at[pl.ds(0, ZR)],
                        acc.at[pl.ds(s * RPT + j * ZR, ZR)])

    @pl.when(s == 0)
    def _():
        pltpu.sync_copy(rows0.at[pl.ds(0, TAIL)],
                        acc.at[pl.ds(NS * RPT, TAIL)])

    plsc.subcore_barrier()

    JMAX = NCHUNK // NS

    def ldidx(ch, sv, dv, isem):
        base = ch * CH
        pltpu.async_copy(src2_hbm.at[pl.ds(c * E + base, CH)], sv, isem)
        pltpu.async_copy(dst_hbm.at[pl.ds(base, CH)], dv, isem)

    def wtidx(sv, dv, isem):
        pltpu.make_async_copy(src2_hbm.at[pl.ds(0, CH)], sv, isem).wait()
        pltpu.make_async_copy(dst_hbm.at[pl.ds(0, CH)], dv, isem).wait()

    ldidx(s, srcv, dstv, isem0)
    wtidx(srcv, dstv, isem0)
    pltpu.async_copy(t_hbm.at[srcv], rows0, gsem0)
    ldidx(NS + s, srcv1, dstv1, isem1)

    def pair(k, _):
        ch0 = (2 * k) * NS + s
        pltpu.make_async_copy(t_hbm.at[srcv], rows0, gsem0).wait()
        wtidx(srcv1, dstv1, isem1)
        pltpu.async_copy(t_hbm.at[srcv1], rows1, gsem1)
        pltpu.sync_copy(rows0, acc.at[dstv], add=True)

        @pl.when(k < JMAX // 2 - 1)
        def _():
            ldidx(ch0 + 2 * NS, srcv, dstv, isem0)
            wtidx(srcv, dstv, isem0)
            pltpu.async_copy(t_hbm.at[srcv], rows0, gsem0)
        pltpu.make_async_copy(t_hbm.at[srcv1], rows1, gsem1).wait()
        pltpu.sync_copy(rows1, acc.at[dstv1], add=True)

        @pl.when(k < JMAX // 2 - 1)
        def _():
            ldidx(ch0 + 3 * NS, srcv1, dstv1, isem1)
        return 0
    lax.fori_loop(0, JMAX // 2, pair, 0)

    @pl.when(JMAX * NS + s < NCHUNK)
    def _():
        ldidx(JMAX * NS + s, srcv, dstv, isem0)
        wtidx(srcv, dstv, isem0)
        pltpu.async_copy(t_hbm.at[srcv], rows0, gsem0).wait()
        pltpu.sync_copy(rows0, acc.at[dstv], add=True)

    plsc.subcore_barrier()

    pltpu.sync_copy(acc.at[pl.ds(s * RPT, RPT)],
                    agg_hbm.at[pl.ds(c * N + s * RPT, RPT)])

    @pl.when(s == 0)
    def _():
        pltpu.sync_copy(acc.at[pl.ds(NS * RPT, TAIL)],
                        agg_hbm.at[pl.ds(c * N + NS * RPT, TAIL)])


_sc_agg = pl.kernel(
    _sc_agg_body,
    out_type=jax.ShapeDtypeStruct((NC * N, H), jnp.float32),
    mesh=_MESH,
    scratch_types=[
        pltpu.VMEM((CH,), jnp.int32),
        pltpu.VMEM((CH,), jnp.int32),
        pltpu.VMEM((CH,), jnp.int32),
        pltpu.VMEM((CH,), jnp.int32),
        pltpu.VMEM((CH, H), jnp.float32),
        pltpu.VMEM((CH, H), jnp.float32),
        pltpu.VMEM_SHARED((NP, H), jnp.float32),
        pltpu.SemaphoreType.DMA,
        pltpu.SemaphoreType.DMA,
        pltpu.SemaphoreType.DMA,
        pltpu.SemaphoreType.DMA,
    ],
)

DW = 128
DEG_CPT = PCH // (NC * NS)


def _sc_deg_body(dst2d_hbm, deg_hbm, dslab, ones, degacc, dsem):
    c = lax.axis_index("c")
    s = lax.axis_index("s")
    w = s * NC + c

    one16 = jnp.full((16,), 1.0, jnp.float32)
    z16 = jnp.zeros((16,), jnp.float32)

    def zfill(r, _):
        for k in range(DW // 16):
            ones[r, pl.ds(k * 16, 16)] = z16
        return 0
    lax.fori_loop(0, ZR, zfill, 0)
    for j in range(RPT // ZR):
        pltpu.sync_copy(ones.at[pl.ds(0, ZR)],
                        degacc.at[pl.ds(s * RPT + j * ZR, ZR)])

    @pl.when(s == 0)
    def _():
        pltpu.sync_copy(ones.at[pl.ds(0, TAIL)],
                        degacc.at[pl.ds(NS * RPT, TAIL)])

    def ofill(r, _):
        for k in range(DW // 16):
            ones[r, pl.ds(k * 16, 16)] = one16
        return 0
    lax.fori_loop(0, CH, ofill, 0)

    pltpu.sync_copy(dst2d_hbm.at[pl.ds(w * DEG_CPT, DEG_CPT)], dslab)

    plsc.subcore_barrier()

    def batch(b, _):
        for j in range(8):
            pltpu.async_copy(ones, degacc.at[dslab.at[b * 8 + j]], dsem,
                             add=True)
        for j in range(8):
            pltpu.make_async_copy(ones, degacc.at[dslab.at[b * 8]],
                                  dsem).wait()
        return 0
    lax.fori_loop(0, DEG_CPT // 8, batch, 0)

    plsc.subcore_barrier()

    pltpu.sync_copy(degacc.at[pl.ds(s * RPT, RPT)],
                    deg_hbm.at[pl.ds(c * N + s * RPT, RPT)])

    @pl.when(s == 0)
    def _():
        pltpu.sync_copy(degacc.at[pl.ds(NS * RPT, TAIL)],
                        deg_hbm.at[pl.ds(c * N + NS * RPT, TAIL)])


_sc_deg = pl.kernel(
    _sc_deg_body,
    out_type=jax.ShapeDtypeStruct((NC * N, DW), jnp.float32),
    mesh=_MESH,
    scratch_types=[
        pltpu.VMEM((DEG_CPT, CH), jnp.int32),
        pltpu.VMEM((CH, DW), jnp.float32),
        pltpu.VMEM_SHARED((NP, DW), jnp.float32),
        pltpu.SemaphoreType.DMA,
    ],
)


def _dot(a, b):
    return jnp.dot(a, b, preferred_element_type=jnp.float32,
                   precision=lax.Precision.HIGHEST)


_RB = 1000
_GRID = N // _RB


def _tc_lin0_body(x_ref, wl_ref, wr_ref, t_ref, r_ref):
    xb = x_ref[...]
    y = _dot(xb, wl_ref[...])
    t_ref[0] = y[:, :H]
    t_ref[1] = y[:, H:]
    r_ref[...] = _dot(xb, wr_ref[...])


def _tc_lin0(x, W_l, W_r):
    return pl.pallas_call(
        _tc_lin0_body,
        grid=(_GRID,),
        in_specs=[
            pl.BlockSpec((_RB, D), lambda i: (i, 0)),
            pl.BlockSpec((D, D), lambda i: (0, 0)),
            pl.BlockSpec((D, D), lambda i: (0, 0)),
        ],
        out_specs=[
            pl.BlockSpec((NC, _RB, H), lambda i: (0, i, 0)),
            pl.BlockSpec((_RB, D), lambda i: (i, 0)),
        ],
        out_shape=[
            jax.ShapeDtypeStruct((NC, N, H), jnp.float32),
            jax.ShapeDtypeStruct((N, D), jnp.float32),
        ],
    )(x, W_l, W_r)


def _tc_mid_body(agg_ref, deg_ref, b_ref, r_ref, wl_ref, wr_ref,
                 t_ref, r1_ref):
    deg = jnp.maximum(deg_ref[0, :, 0:1] + deg_ref[1, :, 0:1], 1.0)
    y = jnp.concatenate([agg_ref[0], agg_ref[1]], axis=1)
    h = jnp.maximum(y / deg + b_ref[...] + r_ref[...], 0.0)
    y1 = _dot(h, wl_ref[...])
    t_ref[0] = y1[:, :H]
    t_ref[1] = y1[:, H:]
    r1_ref[...] = _dot(h, wr_ref[...])


def _tc_mid(agg, degt, b, r, W_l, W_r):
    return pl.pallas_call(
        _tc_mid_body,
        grid=(_GRID,),
        in_specs=[
            pl.BlockSpec((NC, _RB, H), lambda i: (0, i, 0)),
            pl.BlockSpec((NC, _RB, DW), lambda i: (0, i, 0)),
            pl.BlockSpec((1, D), lambda i: (0, 0)),
            pl.BlockSpec((_RB, D), lambda i: (i, 0)),
            pl.BlockSpec((D, D), lambda i: (0, 0)),
            pl.BlockSpec((D, D), lambda i: (0, 0)),
        ],
        out_specs=[
            pl.BlockSpec((NC, _RB, H), lambda i: (0, i, 0)),
            pl.BlockSpec((_RB, D), lambda i: (i, 0)),
        ],
        out_shape=[
            jax.ShapeDtypeStruct((NC, N, H), jnp.float32),
            jax.ShapeDtypeStruct((N, D), jnp.float32),
        ],
    )(agg, degt, b, r, W_l, W_r)


def _tc_out_body(agg_ref, deg_ref, b_ref, r_ref, o_ref):
    deg = jnp.maximum(deg_ref[0, :, 0:1] + deg_ref[1, :, 0:1], 1.0)
    y = jnp.concatenate([agg_ref[0], agg_ref[1]], axis=1)
    y = y / deg + b_ref[...] + r_ref[...]
    m = jnp.max(y, axis=1, keepdims=True)
    lse = m + jnp.log(jnp.sum(jnp.exp(y - m), axis=1, keepdims=True))
    o_ref[...] = y - lse


def _tc_out(agg, degt, b, r):
    return pl.pallas_call(
        _tc_out_body,
        grid=(_GRID,),
        in_specs=[
            pl.BlockSpec((NC, _RB, H), lambda i: (0, i, 0)),
            pl.BlockSpec((NC, _RB, DW), lambda i: (0, i, 0)),
            pl.BlockSpec((1, D), lambda i: (0, 0)),
            pl.BlockSpec((_RB, D), lambda i: (i, 0)),
        ],
        out_specs=pl.BlockSpec((_RB, D), lambda i: (i, 0)),
        out_shape=jax.ShapeDtypeStruct((N, D), jnp.float32),
    )(agg, degt, b, r)


def kernel(x, edge_index, W_l0, b_l0, W_r0, W_l1, b_l1, W_r1):
    src = edge_index[0].astype(jnp.int32)
    dst = edge_index[1].astype(jnp.int32)
    pad = EP - E
    trash = N + (jnp.arange(pad, dtype=jnp.int32) % 128)
    dst2d = jnp.concatenate([dst, trash]).reshape(PCH, CH)

    src2 = jnp.concatenate([src, src + N])

    t0, r0 = _tc_lin0(x, W_l0, W_r0)
    degp = _sc_deg(dst2d).reshape(NC, N, DW)
    agg0 = _sc_agg(t0.reshape(NC * N, H), src2, dst)
    t1, r1 = _tc_mid(agg0.reshape(NC, N, H), degp, b_l0.reshape(1, D), r0,
                     W_l1, W_r1)
    agg1 = _sc_agg(t1.reshape(NC * N, H), src2, dst)
    return _tc_out(agg1.reshape(NC, N, H), degp, b_l1.reshape(1, D), r1)

# --- scband reference (transcript-rebuilt; emitter-appended) ---
"""Pipeline reference for scband-net-81295140978704 (READ-ONLY COPY).

The authoritative reference and input builder live on the scoring server;
editing this copy changes nothing except your own understanding.
"""

import jax, jax.numpy as jnp
import numpy as np

N = 10000
E = 160000
D_IN = 256
D_HID = 256


def setup_inputs(seed: int = 0) -> dict:
    key = jax.random.key(seed)
    ks = jax.random.split(key, 8)
    x = jax.random.normal(ks[0], (N, D_IN), dtype=jnp.float32)
    edge_index = jax.random.randint(ks[1], (2, E), 0, N, dtype=jnp.int64)
    s0 = 1.0 / np.sqrt(D_IN)
    s1 = 1.0 / np.sqrt(D_HID)
    # SAGEConv layer 0: lin_l (aggregated neighbors, with bias), lin_r (root, no bias)
    W_l0 = jax.random.uniform(ks[2], (D_IN, D_HID), jnp.float32, -s0, s0)
    b_l0 = jnp.zeros((D_HID,), jnp.float32)
    W_r0 = jax.random.uniform(ks[3], (D_IN, D_HID), jnp.float32, -s0, s0)
    # SAGEConv layer 1
    W_l1 = jax.random.uniform(ks[4], (D_HID, D_HID), jnp.float32, -s1, s1)
    b_l1 = jnp.zeros((D_HID,), jnp.float32)
    W_r1 = jax.random.uniform(ks[5], (D_HID, D_HID), jnp.float32, -s1, s1)
    return {"x": x, "edge_index": edge_index, "W_l0": W_l0, "b_l0": b_l0,
            "W_r0": W_r0, "W_l1": W_l1, "b_l1": b_l1, "W_r1": W_r1}


def _sage_conv(x, src, dst, W_l, b_l, W_r):
    # mean aggregation of neighbor messages onto destination nodes
    msg = jnp.take(x, src, axis=0)
    agg = jax.ops.segment_sum(msg, dst, num_segments=N)
    deg = jax.ops.segment_sum(jnp.ones((src.shape[0],), jnp.float32), dst, num_segments=N)
    mean = agg / jnp.clip(deg, 1.0)[:, None]
    return mean @ W_l + b_l + x @ W_r


def reference(x, edge_index, W_l0, b_l0, W_r0, W_l1, b_l1, W_r1):
    src = edge_index[0]
    dst = edge_index[1]
    h = _sage_conv(x, src, dst, W_l0, b_l0, W_r0)
    h = jax.nn.relu(h)
    # dropout is identity in eval mode
    h = _sage_conv(h, src, dst, W_l1, b_l1, W_r1)
    return jax.nn.log_softmax(h, axis=1)

if __name__ == "__main__":
    import jax
    _d = setup_inputs()
    print(jax.jit(kernel)(*tuple(_d.values())))

</pallas_src>

<mosaic_0001>
#map = affine_map<(d0, d1) -> (0, 0)>
#map1 = affine_map<(d0, d1) -> (0)>
module attributes {stable_mosaic.version = 14 : i64} {
  func.func @_sc_agg_body(%arg0: i32, %arg1: i32, %arg2: memref<20000x128xf32, #tpu.memory_space<hbm>>, %arg3: memref<320000xi32, #tpu.memory_space<hbm>>, %arg4: memref<160000xi32, #tpu.memory_space<hbm>>, %arg5: memref<20000x128xf32, #tpu.memory_space<hbm>>, %arg6: memref<128xi32, #tpu.memory_space<vmem>>, %arg7: memref<128xi32, #tpu.memory_space<vmem>>, %arg8: memref<128xi32, #tpu.memory_space<vmem>>, %arg9: memref<128xi32, #tpu.memory_space<vmem>>, %arg10: memref<128x128xf32, #tpu.memory_space<vmem>>, %arg11: memref<128x128xf32, #tpu.memory_space<vmem>>, %arg12: memref<10128x128xf32, #tpu.memory_space<vmem_shared>>, %arg13: memref<!tpu.dma_semaphore, #tpu.memory_space<semaphore_mem>>, %arg14: memref<!tpu.dma_semaphore, #tpu.memory_space<semaphore_mem>>, %arg15: memref<!tpu.dma_semaphore, #tpu.memory_space<semaphore_mem>>, %arg16: memref<!tpu.dma_semaphore, #tpu.memory_space<semaphore_mem>>) attributes {dimension_semantics = [#tpu.dimension_semantics<core_parallel>, #tpu.dimension_semantics<subcore_parallel>], iteration_bounds = array<i64: 2, 16>, scalar_prefetch = 0 : i64, scratch_operands = 11 : i64, tpu.core_type = #tpu.core_type<sc_vector_subcore>, window_params = [{transform_indices = #map}, {transform_indices = #map1}, {transform_indices = #map1}, {transform_indices = #map}]} {
    %broadcast_in_dim3A = arith.constant 0.000000e+00 : f32
    %broadcast_in_dim3A_0 = vector.broadcast %broadcast_in_dim3A : f32 to vector<16xf32>
    %scan3A = arith.constant 0 : i32
    %scan3A_1 = arith.constant 0 : i32
    %scan3A_2 = arith.constant 104 : i32
    %scan3A_3 = arith.addi %scan3A_1, %scan3A_2 : i32
    %scan3A_4 = arith.constant 1 : i32
    %scan3A_5 = scf.for %scan3A_86 = %scan3A_1 to %scan3A_3 step %scan3A_4 iter_args(%scan3A_87 = %scan3A) -> (i32)  : i32 {
      %swap3A = arith.index_cast %scan3A_86 : i32 to index
      %swap3A_88 = arith.constant 0 : index
      %swap3A_89 = tpu.vector_load %arg10[%swap3A, %swap3A_88] {strides = array<i32>} : memref<128x128xf32, #tpu.memory_space<vmem>>, vector<1x16xf32>,
      %swap3A_90 = vector.shape_cast %swap3A_89 : vector<1x16xf32> to vector<16xf32>
      %swap3A_91 = vector.shape_cast %broadcast_in_dim3A_0 : vector<16xf32> to vector<1x16xf32>
      tpu.vector_store %arg10[%swap3A, %swap3A_88], %swap3A_91 {strides = array<i32>} : memref<128x128xf32, #tpu.memory_space<vmem>>, vector<1x16xf32>,
      %swap3A_92 = arith.index_cast %scan3A_86 : i32 to index
      %swap3A_93 = arith.constant 16 : index
      %swap3A_94 = tpu.vector_load %arg10[%swap3A_92, %swap3A_93] {strides = array<i32>} : memref<128x128xf32, #tpu.memory_space<vmem>>, vector<1x16xf32>,
      %swap3A_95 = vector.shape_cast %swap3A_94 : vector<1x16xf32> to vector<16xf32>
      %swap3A_96 = vector.shape_cast %broadcast_in_dim3A_0 : vector<16xf32> to vector<1x16xf32>
      tpu.vector_store %arg10[%swap3A_92, %swap3A_93], %swap3A_96 {strides = array<i32>} : memref<128x128xf32, #tpu.memory_space<vmem>>, vector<1x16xf32>,
      %swap3A_97 = arith.index_cast %scan3A_86 : i32 to index
      %swap3A_98 = arith.constant 32 : index
      %swap3A_99 = tpu.vector_load %arg10[%swap3A_97, %swap3A_98] {strides = array<i32>} : memref<128x128xf32, #tpu.memory_space<vmem>>, vector<1x16xf32>,
      %swap3A_100 = vector.shape_cast %swap3A_99 : vector<1x16xf32> to vector<16xf32>
      %swap3A_101 = vector.shape_cast %broadcast_in_dim3A_0 : vector<16xf32> to vector<1x16xf32>
      tpu.vector_store %arg10[%swap3A_97, %swap3A_98], %swap3A_101 {strides = array<i32>} : memref<128x128xf32, #tpu.memory_space<vmem>>, vector<1x16xf32>,
      %swap3A_102 = arith.index_cast %scan3A_86 : i32 to index
      %swap3A_103 = arith.constant 48 : index
      %swap3A_104 = tpu.vector_load %arg10[%swap3A_102, %swap3A_103] {strides = array<i32>} : memref<128x128xf32, #tpu.memory_space<vmem>>, vector<1x16xf32>,
      %swap3A_105 = vector.shape_cast %swap3A_104 : vector<1x16xf32> to vector<16xf32>
      %swap3A_106 = vector.shape_cast %broadcast_in_dim3A_0 : vector<16xf32> to vector<1x16xf32>
      tpu.vector_store %arg10[%swap3A_102, %swap3A_103], %swap3A_106 {strides = array<i32>} : memref<128x128xf32, #tpu.memory_space<vmem>>, vector<1x16xf32>,
      %swap3A_107 = arith.index_cast %scan3A_86 : i32 to index
      %swap3A_108 = arith.constant 64 : index
      %swap3A_109 = tpu.vector_load %arg10[%swap3A_107, %swap3A_108] {strides = array<i32>} : memref<128x128xf32, #tpu.memory_space<vmem>>, vector<1x16xf32>,
      %swap3A_110 = vector.shape_cast %swap3A_109 : vector<1x16xf32> to vector<16xf32>
      %swap3A_111 = vector.shape_cast %broadcast_in_dim3A_0 : vector<16xf32> to vector<1x16xf32>
      tpu.vector_store %arg10[%swap3A_107, %swap3A_108], %swap3A_111 {strides = array<i32>} : memref<128x128xf32, #tpu.memory_space<vmem>>, vector<1x16xf32>,
      %swap3A_112 = arith.index_cast %scan3A_86 : i32 to index
      %swap3A_113 = arith.constant 80 : index
      %swap3A_114 = tpu.vector_load %arg10[%swap3A_112, %swap3A_113] {strides = array<i32>} : memref<128x128xf32, #tpu.memory_space<vmem>>, vector<1x16xf32>,
      %swap3A_115 = vector.shape_cast %swap3A_114 : vector<1x16xf32> to vector<16xf32>
      %swap3A_116 = vector.shape_cast %broadcast_in_dim3A_0 : vector<16xf32> to vector<1x16xf32>
      tpu.vector_store %arg10[%swap3A_112, %swap3A_113], %swap3A_116 {strides = array<i32>} : memref<128x128xf32, #tpu.memory_space<vmem>>, vector<1x16xf32>,
      %swap3A_117 = arith.index_cast %scan3A_86 : i32 to index
      %swap3A_118 = arith.constant 96 : index
      %swap3A_119 = tpu.vector_load %arg10[%swap3A_117, %swap3A_118] {strides = array<i32>} : memref<128x128xf32, #tpu.memory_space<vmem>>, vector<1x16xf32>,
      %swap3A_120 = vector.shape_cast %swap3A_119 : vector<1x16xf32> to vector<16xf32>
      %swap3A_121 = vector.shape_cast %broadcast_in_dim3A_0 : vector<16xf32> to vector<1x16xf32>
      tpu.vector_store %arg10[%swap3A_117, %swap3A_118], %swap3A_121 {strides = array<i32>} : memref<128x128xf32, #tpu.memory_space<vmem>>, vector<1x16xf32>,
      %swap3A_122 = arith.index_cast %scan3A_86 : i32 to index
      %swap3A_123 = arith.constant 112 : index
      %swap3A_124 = tpu.vector_load %arg10[%swap3A_122, %swap3A_123] {strides = array<i32>} : memref<128x128xf32, #tpu.memory_space<vmem>>, vector<1x16xf32>,
      %swap3A_125 = vector.shape_cast %swap3A_124 : vector<1x16xf32> to vector<16xf32>
      %swap3A_126 = vector.shape_cast %broadcast_in_dim3A_0 : vector<16xf32> to vector<1x16xf32>
      tpu.vector_store %arg10[%swap3A_122, %swap3A_123], %swap3A_126 {strides = array<i32>} : memref<128x128xf32, #tpu.memory_space<vmem>>, vector<1x16xf32>,
      %scan3A_127 = arith.constant 0 : i32
      scf.yield %scan3A_127 : i32
    }
    %scan3A_6 = arith.constant 104 : i32
    %mul3A = arith.constant 624 : i32
    %mul3A_7 = arith.muli %arg1, %mul3A : i32
    %add3A = arith.constant 0 : i32
    %add3A_8 = arith.addi %mul3A_7, %add3A : i32
    "tpu.region"() ({
      %run_scoped3A = tpu.sem_alloc : memref<!tpu.dma_semaphore, #tpu.memory_space<semaphore_mem>>
      %dma_start3A_86 = arith.constant 0 : i32
      %dma_start3A_87 = arith.constant 0 : i32
      %dma_start3A_88 = tpu.memref_slice %arg10[%dma_start3A_86, %dma_start3A_87] : memref<128x128xf32, #tpu.memory_space<vmem>> -> memref<104x128xf32, #tpu.memory_space<vmem>>
      %dma_start3A_89 = arith.constant 0 : i32
      %dma_start3A_90 = tpu.memref_slice %arg12[%add3A_8, %dma_start3A_89] : memref<10128x128xf32, #tpu.memory_space<vmem_shared>> -> memref<104x128xf32, #tpu.memory_space<vmem_shared>>
      %dma_start3A_91 = arith.constant 0 : i32
      %dma_start3A_92 = tpu.memref_slice %arg12[%add3A_8, %dma_start3A_91] : memref<10128x128xf32, #tpu.memory_space<vmem_shared>> -> memref<104x128xf32, #tpu.memory_space<vmem_shared>>
      %dma_start3A_93 = arith.constant 0 : i32
      %dma_start3A_94 = arith.constant 0 : i32
      %dma_start3A_95 = tpu.memref_slice %arg10[%dma_start3A_93, %dma_start3A_94] : memref<128x128xf32, #tpu.memory_space<vmem>> -> memref<104x128xf32, #tpu.memory_space<vmem>>
      tpu.enqueue_dma source(%dma_start3A_95 : memref<104x128xf32, #tpu.memory_space<vmem>>) target(%dma_start3A_92 : memref<104x128xf32, #tpu.memory_space<vmem_shared>>) target_semaphore(%run_scoped3A : memref<!tpu.dma_semaphore, #tpu.memory_space<semaphore_mem>>)
      %dma_wait3A_96 = arith.constant 0 : i32
      %dma_wait3A_97 = arith.constant 0 : i32
      %dma_wait3A_98 = tpu.memref_slice %arg10[%dma_wait3A_96, %dma_wait3A_97] : memref<128x128xf32, #tpu.memory_space<vmem>> -> memref<104x128xf32, #tpu.memory_space<vmem>>
      %dma_wait3A_99 = arith.constant 0 : i32
      %dma_wait3A_100 = tpu.memref_slice %arg12[%add3A_8, %dma_wait3A_99] : memref<10128x128xf32, #tpu.memory_space<vmem_shared>> -> memref<104x128xf32, #tpu.memory_space<vmem_shared>>
      %dma_wait3A_101 = arith.constant 0 : i32
      %dma_wait3A_102 = tpu.memref_slice %arg12[%add3A_8, %dma_wait3A_101] : memref<10128x128xf32, #tpu.memory_space<vmem_shared>> -> memref<104x128xf32, #tpu.memory_space<vmem_shared>>
      %dma_wait3A_103 = arith.constant 0 : i32
      %dma_wait3A_104 = arith.constant 0 : i32
      %dma_wait3A_105 = tpu.memref_slice %arg10[%dma_wait3A_103, %dma_wait3A_104] : memref<128x128xf32, #tpu.memory_space<vmem>> -> memref<104x128xf32, #tpu.memory_space<vmem>>
      tpu.wait_dma2 semaphore(%run_scoped3A : memref<!tpu.dma_semaphore, #tpu.memory_space<semaphore_mem>>) src(%dma_wait3A_105 : memref<104x128xf32, #tpu.memory_space<vmem>>) dst(%dma_wait3A_102 : memref<104x128xf32, #tpu.memory_space<vmem_shared>>)
      tpu.yield
    }) : () -> ()
    %mul3A_9 = arith.constant 624 : i32
    %mul3A_10 = arith.muli %arg1, %mul3A_9 : i32
    %add3A_11 = arith.constant 104 : i32
    %add3A_12 = arith.addi %mul3A_10, %add3A_11 : i32
    "tpu.region"() ({
      %run_scoped3A = tpu.sem_alloc : memref<!tpu.dma_semaphore, #tpu.memory_space<semaphore_mem>>
      %dma_start3A_86 = arith.constant 0 : i32
      %dma_start3A_87 = arith.constant 0 : i32
      %dma_start3A_88 = tpu.memref_slice %arg10[%dma_start3A_86, %dma_start3A_87] : memref<128x128xf32, #tpu.memory_space<vmem>> -> memref<104x128xf32, #tpu.memory_space<vmem>>
      %dma_start3A_89 = arith.constant 0 : i32
      %dma_start3A_90 = tpu.memref_slice %arg12[%add3A_12, %dma_start3A_89] : memref<10128x128xf32, #tpu.memory_space<vmem_shared>> -> memref<104x128xf32, #tpu.memory_space<vmem_shared>>
      %dma_start3A_91 = arith.constant 0 : i32
      %dma_start3A_92 = tpu.memref_slice %arg12[%add3A_12, %dma_start3A_91] : memref<10128x128xf32, #tpu.memory_space<vmem_shared>> -> memref<104x128xf32, #tpu.memory_space<vmem_shared>>
      %dma_start3A_93 = arith.constant 0 : i32
      %dma_start3A_94 = arith.constant 0 : i32
      %dma_start3A_95 = tpu.memref_slice %arg10[%dma_start3A_93, %dma_start3A_94] : memref<128x128xf32, #tpu.memory_space<vmem>> -> memref<104x128xf32, #tpu.memory_space<vmem>>
      tpu.enqueue_dma source(%dma_start3A_95 : memref<104x128xf32, #tpu.memory_space<vmem>>) target(%dma_start3A_92 : memref<104x128xf32, #tpu.memory_space<vmem_shared>>) target_semaphore(%run_scoped3A : memref<!tpu.dma_semaphore, #tpu.memory_space<semaphore_mem>>)
      %dma_wait3A_96 = arith.constant 0 : i32
      %dma_wait3A_97 = arith.constant 0 : i32
      %dma_wait3A_98 = tpu.memref_slice %arg10[%dma_wait3A_96, %dma_wait3A_97] : memref<128x128xf32, #tpu.memory_space<vmem>> -> memref<104x128xf32, #tpu.memory_space<vmem>>
      %dma_wait3A_99 = arith.constant 0 : i32
      %dma_wait3A_100 = tpu.memref_slice %arg12[%add3A_12, %dma_wait3A_99] : memref<10128x128xf32, #tpu.memory_space<vmem_shared>> -> memref<104x128xf32, #tpu.memory_space<vmem_shared>>
      %dma_wait3A_101 = arith.constant 0 : i32
      %dma_wait3A_102 = tpu.memref_slice %arg12[%add3A_12, %dma_wait3A_101] : memref<10128x128xf32, #tpu.memory_space<vmem_shared>> -> memref<104x128xf32, #tpu.memory_space<vmem_shared>>
      %dma_wait3A_103 = arith.constant 0 : i32
      %dma_wait3A_104 = arith.constant 0 : i32
      %dma_wait3A_105 = tpu.memref_slice %arg10[%dma_wait3A_103, %dma_wait3A_104] : memref<128x128xf32, #tpu.memory_space<vmem>> -> memref<104x128xf32, #tpu.memory_space<vmem>>
      tpu.wait_dma2 semaphore(%run_scoped3A : memref<!tpu.dma_semaphore, #tpu.memory_space<semaphore_mem>>) src(%dma_wait3A_105 : memref<104x128xf32, #tpu.memory_space<vmem>>) dst(%dma_wait3A_102 : memref<104x128xf32, #tpu.memory_space<vmem_shared>>)
      tpu.yield
    }) : () -> ()
    %mul3A_13 = arith.constant 624 : i32
    %mul3A_14 = arith.muli %arg1, %mul3A_13 : i32
    %add3A_15 = arith.constant 208 : i32
    %add3A_16 = arith.addi %mul3A_14, %add3A_15 : i32
    "tpu.region"() ({
      %run_scoped3A = tpu.sem_alloc : memref<!tpu.dma_semaphore, #tpu.memory_space<semaphore_mem>>
      %dma_start3A_86 = arith.constant 0 : i32
      %dma_start3A_87 = arith.constant 0 : i32
      %dma_start3A_88 = tpu.memref_slice %arg10[%dma_start3A_86, %dma_start3A_87] : memref<128x128xf32, #tpu.memory_space<vmem>> -> memref<104x128xf32, #tpu.memory_space<vmem>>
      %dma_start3A_89 = arith.constant 0 : i32
      %dma_start3A_90 = tpu.memref_slice %arg12[%add3A_16, %dma_start3A_89] : memref<10128x128xf32, #tpu.memory_space<vmem_shared>> -> memref<104x128xf32, #tpu.memory_space<vmem_shared>>
      %dma_start3A_91 = arith.constant 0 : i32
      %dma_start3A_92 = tpu.memref_slice %arg12[%add3A_16, %dma_start3A_91] : memref<10128x128xf32, #tpu.memory_space<vmem_shared>> -> memref<104x128xf32, #tpu.memory_space<vmem_shared>>
      %dma_start3A_93 = arith.constant 0 : i32
      %dma_start3A_94 = arith.constant 0 : i32
      %dma_start3A_95 = tpu.memref_slice %arg10[%dma_start3A_93, %dma_start3A_94] : memref<128x128xf32, #tpu.memory_space<vmem>> -> memref<104x128xf32, #tpu.memory_space<vmem>>
      tpu.enqueue_dma source(%dma_start3A_95 : memref<104x128xf32, #tpu.memory_space<vmem>>) target(%dma_start3A_92 : memref<104x128xf32, #tpu.memory_space<vmem_shared>>) target_semaphore(%run_scoped3A : memref<!tpu.dma_semaphore, #tpu.memory_space<semaphore_mem>>)
      %dma_wait3A_96 = arith.constant 0 : i32
      %dma_wait3A_97 = arith.constant 0 : i32
      %dma_wait3A_98 = tpu.memref_slice %arg10[%dma_wait3A_96, %dma_wait3A_97] : memref<128x128xf32, #tpu.memory_space<vmem>> -> memref<104x128xf32, #tpu.memory_space<vmem>>
      %dma_wait3A_99 = arith.constant 0 : i32
      %dma_wait3A_100 = tpu.memref_slice %arg12[%add3A_16, %dma_wait3A_99] : memref<10128x128xf32, #tpu.memory_space<vmem_shared>> -> memref<104x128xf32, #tpu.memory_space<vmem_shared>>
      %dma_wait3A_101 = arith.constant 0 : i32
      %dma_wait3A_102 = tpu.memref_slice %arg12[%add3A_16, %dma_wait3A_101] : memref<10128x128xf32, #tpu.memory_space<vmem_shared>> -> memref<104x128xf32, #tpu.memory_space<vmem_shared>>
      %dma_wait3A_103 = arith.constant 0 : i32
      %dma_wait3A_104 = arith.constant 0 : i32
      %dma_wait3A_105 = tpu.memref_slice %arg10[%dma_wait3A_103, %dma_wait3A_104] : memref<128x128xf32, #tpu.memory_space<vmem>> -> memref<104x128xf32, #tpu.memory_space<vmem>>
      tpu.wait_dma2 semaphore(%run_scoped3A : memref<!tpu.dma_semaphore, #tpu.memory_space<semaphore_mem>>) src(%dma_wait3A_105 : memref<104x128xf32, #tpu.memory_space<vmem>>) dst(%dma_wait3A_102 : memref<104x128xf32, #tpu.memory_space<vmem_shared>>)
      tpu.yield
    }) : () -> ()
    %mul3A_17 = arith.constant 624 : i32
    %mul3A_18 = arith.muli %arg1, %mul3A_17 : i32
    %add3A_19 = arith.constant 312 : i32
    %add3A_20 = arith.addi %mul3A_18, %add3A_19 : i32
    "tpu.region"() ({
      %run_scoped3A = tpu.sem_alloc : memref<!tpu.dma_semaphore, #tpu.memory_space<semaphore_mem>>
      %dma_start3A_86 = arith.constant 0 : i32
      %dma_start3A_87 = arith.constant 0 : i32
      %dma_start3A_88 = tpu.memref_slice %arg10[%dma_start3A_86, %dma_start3A_87] : memref<128x128xf32, #tpu.memory_space<vmem>> -> memref<104x128xf32, #tpu.memory_space<vmem>>
      %dma_start3A_89 = arith.constant 0 : i32
      %dma_start3A_90 = tpu.memref_slice %arg12[%add3A_20, %dma_start3A_89] : memref<10128x128xf32, #tpu.memory_space<vmem_shared>> -> memref<104x128xf32, #tpu.memory_space<vmem_shared>>
      %dma_start3A_91 = arith.constant 0 : i32
      %dma_start3A_92 = tpu.memref_slice %arg12[%add3A_20, %dma_start3A_91] : memref<10128x128xf32, #tpu.memory_space<vmem_shared>> -> memref<104x128xf32, #tpu.memory_space<vmem_shared>>
      %dma_start3A_93 = arith.constant 0 : i32
      %dma_start3A_94 = arith.constant 0 : i32
      %dma_start3A_95 = tpu.memref_slice %arg10[%dma_start3A_93, %dma_start3A_94] : memref<128x128xf32, #tpu.memory_space<vmem>> -> memref<104x128xf32, #tpu.memory_space<vmem>>
      tpu.enqueue_dma source(%dma_start3A_95 : memref<104x128xf32, #tpu.memory_space<vmem>>) target(%dma_start3A_92 : memref<104x128xf32, #tpu.memory_space<vmem_shared>>) target_semaphore(%run_scoped3A : memref<!tpu.dma_semaphore, #tpu.memory_space<semaphore_mem>>)
      %dma_wait3A_96 = arith.constant 0 : i32
      %dma_wait3A_97 = arith.constant 0 : i32
      %dma_wait3A_98 = tpu.memref_slice %arg10[%dma_wait3A_96, %dma_wait3A_97] : memref<128x128xf32, #tpu.memory_space<vmem>> -> memref<104x128xf32, #tpu.memory_space<vmem>>
      %dma_wait3A_99 = arith.constant 0 : i32
      %dma_wait3A_100 = tpu.memref_slice %arg12[%add3A_20, %dma_wait3A_99] : memref<10128x128xf32, #tpu.memory_space<vmem_shared>> -> memref<104x128xf32, #tpu.memory_space<vmem_shared>>
      %dma_wait3A_101 = arith.constant 0 : i32
      %dma_wait3A_102 = tpu.memref_slice %arg12[%add3A_20, %dma_wait3A_101] : memref<10128x128xf32, #tpu.memory_space<vmem_shared>> -> memref<104x128xf32, #tpu.memory_space<vmem_shared>>
      %dma_wait3A_103 = arith.constant 0 : i32
      %dma_wait3A_104 = arith.constant 0 : i32
      %dma_wait3A_105 = tpu.memref_slice %arg10[%dma_wait3A_103, %dma_wait3A_104] : memref<128x128xf32, #tpu.memory_space<vmem>> -> memref<104x128xf32, #tpu.memory_space<vmem>>
      tpu.wait_dma2 semaphore(%run_scoped3A : memref<!tpu.dma_semaphore, #tpu.memory_space<semaphore_mem>>) src(%dma_wait3A_105 : memref<104x128xf32, #tpu.memory_space<vmem>>) dst(%dma_wait3A_102 : memref<104x128xf32, #tpu.memory_space<vmem_shared>>)
      tpu.yield
    }) : () -> ()
    %mul3A_21 = arith.constant 624 : i32
    %mul3A_22 = arith.muli %arg1, %mul3A_21 : i32
    %add3A_23 = arith.constant 416 : i32
    %add3A_24 = arith.addi %mul3A_22, %add3A_23 : i32
    "tpu.region"() ({
      %run_scoped3A = tpu.sem_alloc : memref<!tpu.dma_semaphore, #tpu.memory_space<semaphore_mem>>
      %dma_start3A_86 = arith.constant 0 : i32
      %dma_start3A_87 = arith.constant 0 : i32
      %dma_start3A_88 = tpu.memref_slice %arg10[%dma_start3A_86, %dma_start3A_87] : memref<128x128xf32, #tpu.memory_space<vmem>> -> memref<104x128xf32, #tpu.memory_space<vmem>>
      %dma_start3A_89 = arith.constant 0 : i32
      %dma_start3A_90 = tpu.memref_slice %arg12[%add3A_24, %dma_start3A_89] : memref<10128x128xf32, #tpu.memory_space<vmem_shared>> -> memref<104x128xf32, #tpu.memory_space<vmem_shared>>
      %dma_start3A_91 = arith.constant 0 : i32
      %dma_start3A_92 = tpu.memref_slice %arg12[%add3A_24, %dma_start3A_91] : memref<10128x128xf32, #tpu.memory_space<vmem_shared>> -> memref<104x128xf32, #tpu.memory_space<vmem_shared>>
      %dma_start3A_93 = arith.constant 0 : i32
      %dma_start3A_94 = arith.constant 0 : i32
      %dma_start3A_95 = tpu.memref_slice %arg10[%dma_start3A_93, %dma_start3A_94] : memref<128x128xf32, #tpu.memory_space<vmem>> -> memref<104x128xf32, #tpu.memory_space<vmem>>
      tpu.enqueue_dma source(%dma_start3A_95 : memref<104x128xf32, #tpu.memory_space<vmem>>) target(%dma_start3A_92 : memref<104x128xf32, #tpu.memory_space<vmem_shared>>) target_semaphore(%run_scoped3A : memref<!tpu.dma_semaphore, #tpu.memory_space<semaphore_mem>>)
      %dma_wait3A_96 = arith.constant 0 : i32
      %dma_wait3A_97 = arith.constant 0 : i32
      %dma_wait3A_98 = tpu.memref_slice %arg10[%dma_wait3A_96, %dma_wait3A_97] : memref<128x128xf32, #tpu.memory_space<vmem>> -> memref<104x128xf32, #tpu.memory_space<vmem>>
      %dma_wait3A_99 = arith.constant 0 : i32
      %dma_wait3A_100 = tpu.memref_slice %arg12[%add3A_24, %dma_wait3A_99] : memref<10128x128xf32, #tpu.memory_space<vmem_shared>> -> memref<104x128xf32, #tpu.memory_space<vmem_shared>>
      %dma_wait3A_101 = arith.constant 0 : i32
      %dma_wait3A_102 = tpu.memref_slice %arg12[%add3A_24, %dma_wait3A_101] : memref<10128x128xf32, #tpu.memory_space<vmem_shared>> -> memref<104x128xf32, #tpu.memory_space<vmem_shared>>
      %dma_wait3A_103 = arith.constant 0 : i32
      %dma_wait3A_104 = arith.constant 0 : i32
      %dma_wait3A_105 = tpu.memref_slice %arg10[%dma_wait3A_103, %dma_wait3A_104] : memref<128x128xf32, #tpu.memory_space<vmem>> -> memref<104x128xf32, #tpu.memory_space<vmem>>
      tpu.wait_dma2 semaphore(%run_scoped3A : memref<!tpu.dma_semaphore, #tpu.memory_space<semaphore_mem>>) src(%dma_wait3A_105 : memref<104x128xf32, #tpu.memory_space<vmem>>) dst(%dma_wait3A_102 : memref<104x128xf32, #tpu.memory_space<vmem_shared>>)
      tpu.yield
    }) : () -> ()
    %mul3A_25 = arith.constant 624 : i32
    %mul3A_26 = arith.muli %arg1, %mul3A_25 : i32
    %add3A_27 = arith.constant 520 : i32
    %add3A_28 = arith.addi %mul3A_26, %add3A_27 : i32
    "tpu.region"() ({
      %run_scoped3A = tpu.sem_alloc : memref<!tpu.dma_semaphore, #tpu.memory_space<semaphore_mem>>
      %dma_start3A_86 = arith.constant 0 : i32
      %dma_start3A_87 = arith.constant 0 : i32
      %dma_start3A_88 = tpu.memref_slice %arg10[%dma_start3A_86, %dma_start3A_87] : memref<128x128xf32, #tpu.memory_space<vmem>> -> memref<104x128xf32, #tpu.memory_space<vmem>>
      %dma_start3A_89 = arith.constant 0 : i32
      %dma_start3A_90 = tpu.memref_slice %arg12[%add3A_28, %dma_start3A_89] : memref<10128x128xf32, #tpu.memory_space<vmem_shared>> -> memref<104x128xf32, #tpu.memory_space<vmem_shared>>
      %dma_start3A_91 = arith.constant 0 : i32
      %dma_start3A_92 = tpu.memref_slice %arg12[%add3A_28, %dma_start3A_91] : memref<10128x128xf32, #tpu.memory_space<vmem_shared>> -> memref<104x128xf32, #tpu.memory_space<vmem_shared>>
      %dma_start3A_93 = arith.constant 0 : i32
      %dma_start3A_94 = arith.constant 0 : i32
      %dma_start3A_95 = tpu.memref_slice %arg10[%dma_start3A_93, %dma_start3A_94] : memref<128x128xf32, #tpu.memory_space<vmem>> -> memref<104x128xf32, #tpu.memory_space<vmem>>
      tpu.enqueue_dma source(%dma_start3A_95 : memref<104x128xf32, #tpu.memory_space<vmem>>) target(%dma_start3A_92 : memref<104x128xf32, #tpu.memory_space<vmem_shared>>) target_semaphore(%run_scoped3A : memref<!tpu.dma_semaphore, #tpu.memory_space<semaphore_mem>>)
      %dma_wait3A_96 = arith.constant 0 : i32
      %dma_wait3A_97 = arith.constant 0 : i32
      %dma_wait3A_98 = tpu.memref_slice %arg10[%dma_wait3A_96, %dma_wait3A_97] : memref<128x128xf32, #tpu.memory_space<vmem>> -> memref<104x128xf32, #tpu.memory_space<vmem>>
      %dma_wait3A_99 = arith.constant 0 : i32
      %dma_wait3A_100 = tpu.memref_slice %arg12[%add3A_28, %dma_wait3A_99] : memref<10128x128xf32, #tpu.memory_space<vmem_shared>> -> memref<104x128xf32, #tpu.memory_space<vmem_shared>>
      %dma_wait3A_101 = arith.constant 0 : i32
      %dma_wait3A_102 = tpu.memref_slice %arg12[%add3A_28, %dma_wait3A_101] : memref<10128x128xf32, #tpu.memory_space<vmem_shared>> -> memref<104x128xf32, #tpu.memory_space<vmem_shared>>
      %dma_wait3A_103 = arith.constant 0 : i32
      %dma_wait3A_104 = arith.constant 0 : i32
      %dma_wait3A_105 = tpu.memref_slice %arg10[%dma_wait3A_103, %dma_wait3A_104] : memref<128x128xf32, #tpu.memory_space<vmem>> -> memref<104x128xf32, #tpu.memory_space<vmem>>
      tpu.wait_dma2 semaphore(%run_scoped3A : memref<!tpu.dma_semaphore, #tpu.memory_space<semaphore_mem>>) src(%dma_wait3A_105 : memref<104x128xf32, #tpu.memory_space<vmem>>) dst(%dma_wait3A_102 : memref<104x128xf32, #tpu.memory_space<vmem_shared>>)
      tpu.yield
    }) : () -> ()
    %eq3A = arith.constant 0 : i32
    %eq3A_29 = arith.cmpi eq, %arg1, %eq3A : i32
    %convert_element_type3A = arith.extui %eq3A_29 : i1 to i32
    %cond3A = arith.constant 0 : i32
    %cond3A_30 = arith.cmpi ne, %convert_element_type3A, %cond3A : i32
    scf.if %cond3A_30 {
      "tpu.region"() ({
        %run_scoped3A = tpu.sem_alloc : memref<!tpu.dma_semaphore, #tpu.memory_space<semaphore_mem>>
        %dma_start3A_86 = arith.constant 0 : i32
        %dma_start3A_87 = arith.constant 0 : i32
        %dma_start3A_88 = tpu.memref_slice %arg10[%dma_start3A_86, %dma_start3A_87] : memref<128x128xf32, #tpu.memory_space<vmem>> -> memref<16x128xf32, #tpu.memory_space<vmem>>
        %dma_start3A_89 = arith.constant 9984 : i32
        %dma_start3A_90 = arith.constant 0 : i32
        %dma_start3A_91 = tpu.memref_slice %arg12[%dma_start3A_89, %dma_start3A_90] : memref<10128x128xf32, #tpu.memory_space<vmem_shared>> -> memref<16x128xf32, #tpu.memory_space<vmem_shared>>
        %dma_start3A_92 = arith.constant 9984 : i32
        %dma_start3A_93 = arith.constant 0 : i32
        %dma_start3A_94 = tpu.memref_slice %arg12[%dma_start3A_92, %dma_start3A_93] : memref<10128x128xf32, #tpu.memory_space<vmem_shared>> -> memref<16x128xf32, #tpu.memory_space<vmem_shared>>
        %dma_start3A_95 = arith.constant 0 : i32
        %dma_start3A_96 = arith.constant 0 : i32
        %dma_start3A_97 = tpu.memref_slice %arg10[%dma_start3A_95, %dma_start3A_96] : memref<128x128xf32, #tpu.memory_space<vmem>> -> memref<16x128xf32, #tpu.memory_space<vmem>>
        tpu.enqueue_dma source(%dma_start3A_97 : memref<16x128xf32, #tpu.memory_space<vmem>>) target(%dma_start3A_94 : memref<16x128xf32, #tpu.memory_space<vmem_shared>>) target_semaphore(%run_scoped3A : memref<!tpu.dma_semaphore, #tpu.memory_space<semaphore_mem>>)
        %dma_wait3A_98 = arith.constant 0 : i32
        %dma_wait3A_99 = arith.constant 0 : i32
        %dma_wait3A_100 = tpu.memref_slice %arg10[%dma_wait3A_98, %dma_wait3A_99] : memref<128x128xf32, #tpu.memory_space<vmem>> -> memref<16x128xf32, #tpu.memory_space<vmem>>
        %dma_wait3A_101 = arith.constant 9984 : i32
        %dma_wait3A_102 = arith.constant 0 : i32
        %dma_wait3A_103 = tpu.memref_slice %arg12[%dma_wait3A_101, %dma_wait3A_102] : memref<10128x128xf32, #tpu.memory_space<vmem_shared>> -> memref<16x128xf32, #tpu.memory_space<vmem_shared>>
        %dma_wait3A_104 = arith.constant 9984 : i32
        %dma_wait3A_105 = arith.constant 0 : i32
        %dma_wait3A_106 = tpu.memref_slice %arg12[%dma_wait3A_104, %dma_wait3A_105] : memref<10128x128xf32, #tpu.memory_space<vmem_shared>> -> memref<16x128xf32, #tpu.memory_space<vmem_shared>>
        %dma_wait3A_107 = arith.constant 0 : i32
        %dma_wait3A_108 = arith.constant 0 : i32
        %dma_wait3A_109 = tpu.memref_slice %arg10[%dma_wait3A_107, %dma_wait3A_108] : memref<128x128xf32, #tpu.memory_space<vmem>> -> memref<16x128xf32, #tpu.memory_space<vmem>>
        tpu.wait_dma2 semaphore(%run_scoped3A : memref<!tpu.dma_semaphore, #tpu.memory_space<semaphore_mem>>) src(%dma_wait3A_109 : memref<16x128xf32, #tpu.memory_space<vmem>>) dst(%dma_wait3A_106 : memref<16x128xf32, #tpu.memory_space<vmem_shared>>)
        tpu.yield
      }) : () -> ()
    } else {
    }
    %barrier3A = arith.constant 0 : index
    tpu.barrier barrier_id(%barrier3A)
    %mul3A_31 = arith.constant 128 : i32
    %mul3A_32 = arith.muli %arg1, %mul3A_31 : i32
    %mul3A_33 = arith.constant 160000 : i32
    %mul3A_34 = arith.muli %arg0, %mul3A_33 : i32
    %add3A_35 = arith.addi %mul3A_34, %mul3A_32 : i32
    %dma_start3A = tpu.memref_slice %arg3[%add3A_35] : memref<320000xi32, #tpu.memory_space<hbm>> -> memref<128xi32, #tpu.memory_space<hbm>>
    %dma_start3A_36 = tpu.memref_slice %arg3[%add3A_35] : memref<320000xi32, #tpu.memory_space<hbm>> -> memref<128xi32, #tpu.memory_space<hbm>>
    tpu.enqueue_dma source(%dma_start3A_36 : memref<128xi32, #tpu.memory_space<hbm>>) target(%arg6 : memref<128xi32, #tpu.memory_space<vmem>>) target_semaphore(%arg15 : memref<!tpu.dma_semaphore, #tpu.memory_space<semaphore_mem>>)
    %dma_start3A_37 = tpu.memref_slice %arg4[%mul3A_32] : memref<160000xi32, #tpu.memory_space<hbm>> -> memref<128xi32, #tpu.memory_space<hbm>>
    %dma_start3A_38 = tpu.memref_slice %arg4[%mul3A_32] : memref<160000xi32, #tpu.memory_space<hbm>> -> memref<128xi32, #tpu.memory_space<hbm>>
    tpu.enqueue_dma source(%dma_start3A_38 : memref<128xi32, #tpu.memory_space<hbm>>) target(%arg7 : memref<128xi32, #tpu.memory_space<vmem>>) target_semaphore(%arg15 : memref<!tpu.dma_semaphore, #tpu.memory_space<semaphore_mem>>)
    %dma_wait3A = arith.constant 0 : i32
    %dma_wait3A_39 = tpu.memref_slice %arg3[%dma_wait3A] : memref<320000xi32, #tpu.memory_space<hbm>> -> memref<128xi32, #tpu.memory_space<hbm>>
    %dma_wait3A_40 = arith.constant 0 : i32
    %dma_wait3A_41 = tpu.memref_slice %arg3[%dma_wait3A_40] : memref<320000xi32, #tpu.memory_space<hbm>> -> memref<128xi32, #tpu.memory_space<hbm>>
    tpu.wait_dma2 semaphore(%arg15 : memref<!tpu.dma_semaphore, #tpu.memory_space<semaphore_mem>>) src(%dma_wait3A_41 : memref<128xi32, #tpu.memory_space<hbm>>) dst(%arg6 : memref<128xi32, #tpu.memory_space<vmem>>)
    %dma_wait3A_42 = arith.constant 0 : i32
    %dma_wait3A_43 = tpu.memref_slice %arg4[%dma_wait3A_42] : memref<160000xi32, #tpu.memory_space<hbm>> -> memref<128xi32, #tpu.memory_space<hbm>>
    %dma_wait3A_44 = arith.constant 0 : i32
    %dma_wait3A_45 = tpu.memref_slice %arg4[%dma_wait3A_44] : memref<160000xi32, #tpu.memory_space<hbm>> -> memref<128xi32, #tpu.memory_space<hbm>>
    tpu.wait_dma2 semaphore(%arg15 : memref<!tpu.dma_semaphore, #tpu.memory_space<semaphore_mem>>) src(%dma_wait3A_45 : memref<128xi32, #tpu.memory_space<hbm>>) dst(%arg7 : memref<128xi32, #tpu.memory_space<vmem>>)
    %dma_start3A_46 = arith.constant 0 : i32
    %dma_start3A_47 = arith.constant 0 : i32
    %dma_start3A_48 = tpu.memref_slice %arg2[%dma_start3A_46, %dma_start3A_47] : memref<20000x128xf32, #tpu.memory_space<hbm>> -> memref<20000x128xf32, #tpu.memory_space<hbm>>
    tpu.enqueue_indirect_dma source(%dma_start3A_48 : memref<20000x128xf32, #tpu.memory_space<hbm>>) target(%arg10 : memref<128x128xf32, #tpu.memory_space<vmem>>) offsets(%arg6 : memref<128xi32, #tpu.memory_space<vmem>>) semaphore(%arg13 : memref<!tpu.dma_semaphore, #tpu.memory_space<semaphore_mem>>)
    %add3A_49 = arith.constant 16 : i32
    %add3A_50 = arith.addi %add3A_49, %arg1 : i32
    %mul3A_51 = arith.constant 128 : i32
    %mul3A_52 = arith.muli %add3A_50, %mul3A_51 : i32
    %mul3A_53 = arith.constant 160000 : i32
    %mul3A_54 = arith.muli %arg0, %mul3A_53 : i32
    %add3A_55 = arith.addi %mul3A_54, %mul3A_52 : i32
    %dma_start3A_56 = tpu.memref_slice %arg3[%add3A_55] : memref<320000xi32, #tpu.memory_space<hbm>> -> memref<128xi32, #tpu.memory_space<hbm>>
    %dma_start3A_57 = tpu.memref_slice %arg3[%add3A_55] : memref<320000xi32, #tpu.memory_space<hbm>> -> memref<128xi32, #tpu.memory_space<hbm>>
    tpu.enqueue_dma source(%dma_start3A_57 : memref<128xi32, #tpu.memory_space<hbm>>) target(%arg8 : memref<128xi32, #tpu.memory_space<vmem>>) target_semaphore(%arg16 : memref<!tpu.dma_semaphore, #tpu.memory_space<semaphore_mem>>)
    %dma_start3A_58 = tpu.memref_slice %arg4[%mul3A_52] : memref<160000xi32, #tpu.memory_space<hbm>> -> memref<128xi32, #tpu.memory_space<hbm>>
    %dma_start3A_59 = tpu.memref_slice %arg4[%mul3A_52] : memref<160000xi32, #tpu.memory_space<hbm>> -> memref<128xi32, #tpu.memory_space<hbm>>
    tpu.enqueue_dma source(%dma_start3A_59 : memref<128xi32, #tpu.memory_space<hbm>>) target(%arg9 : memref<128xi32, #tpu.memory_space<vmem>>) target_semaphore(%arg16 : memref<!tpu.dma_semaphore, #tpu.memory_space<semaphore_mem>>)
    %scan3A_60 = arith.constant 0 : i32
    %scan3A_61 = arith.constant 0 : i32
    %scan3A_62 = arith.constant 39 : i32
    %scan3A_63 = arith.addi %scan3A_61, %scan3A_62 : i32
    %scan3A_64 = arith.constant 1 : i32
    %scan3A_65 = scf.for %scan3A_86 = %scan3A_61 to %scan3A_63 step %scan3A_64 iter_args(%scan3A_87 = %scan3A_60) -> (i32)  : i32 {
      %mul3A_88 = arith.constant 2 : i32
      %mul3A_89 = arith.muli %mul3A_88, %scan3A_86 : i32
      %mul3A_90 = arith.constant 16 : i32
      %mul3A_91 = arith.muli %mul3A_89, %mul3A_90 : i32
      %add3A_92 = arith.addi %mul3A_91, %arg1 : i32
      %dma_wait3A_93 = arith.constant 0 : i32
      %dma_wait3A_94 = arith.constant 0 : i32
      %dma_wait3A_95 = tpu.memref_slice %arg2[%dma_wait3A_93, %dma_wait3A_94] : memref<20000x128xf32, #tpu.memory_space<hbm>> -> memref<20000x128xf32, #tpu.memory_space<hbm>>
      tpu.wait_indirect_dma semaphore(%arg13 : memref<!tpu.dma_semaphore, #tpu.memory_space<semaphore_mem>>) src(%dma_wait3A_95 : memref<20000x128xf32, #tpu.memory_space<hbm>>) dst(%arg10 : memref<128x128xf32, #tpu.memory_space<vmem>>)
      %dma_wait3A_96 = arith.constant 0 : i32
      %dma_wait3A_97 = tpu.memref_slice %arg3[%dma_wait3A_96] : memref<320000xi32, #tpu.memory_space<hbm>> -> memref<128xi32, #tpu.memory_space<hbm>>
      %dma_wait3A_98 = arith.constant 0 : i32
      %dma_wait3A_99 = tpu.memref_slice %arg3[%dma_wait3A_98] : memref<320000xi32, #tpu.memory_space<hbm>> -> memref<128xi32, #tpu.memory_space<hbm>>
      tpu.wait_dma2 semaphore(%arg16 : memref<!tpu.dma_semaphore, #tpu.memory_space<semaphore_mem>>) src(%dma_wait3A_99 : memref<128xi32, #tpu.memory_space<hbm>>) dst(%arg8 : memref<128xi32, #tpu.memory_space<vmem>>)
      %dma_wait3A_100 = arith.constant 0 : i32
      %dma_wait3A_101 = tpu.memref_slice %arg4[%dma_wait3A_100] : memref<160000xi32, #tpu.memory_space<hbm>> -> memref<128xi32, #tpu.memory_space<hbm>>
      %dma_wait3A_102 = arith.constant 0 : i32
      %dma_wait3A_103 = tpu.memref_slice %arg4[%dma_wait3A_102] : memref<160000xi32, #tpu.memory_space<hbm>> -> memref<128xi32, #tpu.memory_space<hbm>>
      tpu.wait_dma2 semaphore(%arg16 : memref<!tpu.dma_semaphore, #tpu.memory_space<semaphore_mem>>) src(%dma_wait3A_103 : memref<128xi32, #tpu.memory_space<hbm>>) dst(%arg9 : memref<128xi32, #tpu.memory_space<vmem>>)
      %dma_start3A_104 = arith.constant 0 : i32
      %dma_start3A_105 = arith.constant 0 : i32
      %dma_start3A_106 = tpu.memref_slice %arg2[%dma_start3A_104, %dma_start3A_105] : memref<20000x128xf32, #tpu.memory_space<hbm>> -> memref<20000x128xf32, #tpu.memory_space<hbm>>
      tpu.enqueue_indirect_dma source(%dma_start3A_106 : memref<20000x128xf32, #tpu.memory_space<hbm>>) target(%arg11 : memref<128x128xf32, #tpu.memory_space<vmem>>) offsets(%arg8 : memref<128xi32, #tpu.memory_space<vmem>>) semaphore(%arg14 : memref<!tpu.dma_semaphore, #tpu.memory_space<semaphore_mem>>)
      "tpu.region"() ({
        %run_scoped3A = tpu.sem_alloc : memref<!tpu.dma_semaphore, #tpu.memory_space<semaphore_mem>>
        %dma_start3A_121 = arith.constant 0 : i32
        %dma_start3A_122 = arith.constant 0 : i32
        %dma_start3A_123 = tpu.memref_slice %arg12[%dma_start3A_121, %dma_start3A_122] : memref<10128x128xf32, #tpu.memory_space<vmem_shared>> -> memref<10128x128xf32, #tpu.memory_space<vmem_shared>>
        tpu.enqueue_indirect_dma source(%arg10 : memref<128x128xf32, #tpu.memory_space<vmem>>) target(%dma_start3A_123 : memref<10128x128xf32, #tpu.memory_space<vmem_shared>>) offsets(%arg7 : memref<128xi32, #tpu.memory_space<vmem>>) semaphore(%run_scoped3A : memref<!tpu.dma_semaphore, #tpu.memory_space<semaphore_mem>>) {add = true}
        %dma_wait3A_124 = arith.constant 0 : i32
        %dma_wait3A_125 = arith.constant 0 : i32
        %dma_wait3A_126 = tpu.memref_slice %arg12[%dma_wait3A_124, %dma_wait3A_125] : memref<10128x128xf32, #tpu.memory_space<vmem_shared>> -> memref<10128x128xf32, #tpu.memory_space<vmem_shared>>
        tpu.wait_indirect_dma semaphore(%run_scoped3A : memref<!tpu.dma_semaphore, #tpu.memory_space<semaphore_mem>>) src(%arg10 : memref<128x128xf32, #tpu.memory_space<vmem>>) dst(%dma_wait3A_126 : memref<10128x128xf32, #tpu.memory_space<vmem_shared>>)
        tpu.yield
      }) : () -> ()
      %lt3A_107 = arith.constant 38 : i32
      %lt3A_108 = arith.cmpi slt, %scan3A_86, %lt3A_107 : i32
      %convert_element_type3A_109 = arith.extui %lt3A_108 : i1 to i32
      %cond3A_110 = arith.constant 0 : i32
      %cond3A_111 = arith.cmpi ne, %convert_element_type3A_109, %cond3A_110 : i32
      scf.if %cond3A_111 {
        %add3A_121 = arith.constant 32 : i32
        %add3A_122 = arith.addi %add3A_92, %add3A_121 : i32
        %mul3A_123 = arith.constant 128 : i32
        %mul3A_124 = arith.muli %add3A_122, %mul3A_123 : i32
        %mul3A_125 = arith.constant 160000 : i32
        %mul3A_126 = arith.muli %arg0, %mul3A_125 : i32
        %add3A_127 = arith.addi %mul3A_126, %mul3A_124 : i32
        %dma_start3A_128 = tpu.memref_slice %arg3[%add3A_127] : memref<320000xi32, #tpu.memory_space<hbm>> -> memref<128xi32, #tpu.memory_space<hbm>>
        %dma_start3A_129 = tpu.memref_slice %arg3[%add3A_127] : memref<320000xi32, #tpu.memory_space<hbm>> -> memref<128xi32, #tpu.memory_space<hbm>>
        tpu.enqueue_dma source(%dma_start3A_129 : memref<128xi32, #tpu.memory_space<hbm>>) target(%arg6 : memref<128xi32, #tpu.memory_space<vmem>>) target_semaphore(%arg15 : memref<!tpu.dma_semaphore, #tpu.memory_space<semaphore_mem>>)
        %dma_start3A_130 = tpu.memref_slice %arg4[%mul3A_124] : memref<160000xi32, #tpu.memory_space<hbm>> -> memref<128xi32, #tpu.memory_space<hbm>>
        %dma_start3A_131 = tpu.memref_slice %arg4[%mul3A_124] : memref<160000xi32, #tpu.memory_space<hbm>> -> memref<128xi32, #tpu.memory_space<hbm>>
        tpu.enqueue_dma source(%dma_start3A_131 : memref<128xi32, #tpu.memory_space<hbm>>) target(%arg7 : memref<128xi32, #tpu.memory_space<vmem>>) target_semaphore(%arg15 : memref<!tpu.dma_semaphore, #tpu.memory_space<semaphore_mem>>)
        %dma_wait3A_132 = arith.constant 0 : i32
        %dma_wait3A_133 = tpu.memref_slice %arg3[%dma_wait3A_132] : memref<320000xi32, #tpu.memory_space<hbm>> -> memref<128xi32, #tpu.memory_space<hbm>>
        %dma_wait3A_134 = arith.constant 0 : i32
        %dma_wait3A_135 = tpu.memref_slice %arg3[%dma_wait3A_134] : memref<320000xi32, #tpu.memory_space<hbm>> -> memref<128xi32, #tpu.memory_space<hbm>>
        tpu.wait_dma2 semaphore(%arg15 : memref<!tpu.dma_semaphore, #tpu.memory_space<semaphore_mem>>) src(%dma_wait3A_135 : memref<128xi32, #tpu.memory_space<hbm>>) dst(%arg6 : memref<128xi32, #tpu.memory_space<vmem>>)
        %dma_wait3A_136 = arith.constant 0 : i32
        %dma_wait3A_137 = tpu.memref_slice %arg4[%dma_wait3A_136] : memref<160000xi32, #tpu.memory_space<hbm>> -> memref<128xi32, #tpu.memory_space<hbm>>
        %dma_wait3A_138 = arith.constant 0 : i32
        %dma_wait3A_139 = tpu.memref_slice %arg4[%dma_wait3A_138] : memref<160000xi32, #tpu.memory_space<hbm>> -> memref<128xi32, #tpu.memory_space<hbm>>
        tpu.wait_dma2 semaphore(%arg15 : memref<!tpu.dma_semaphore, #tpu.memory_space<semaphore_mem>>) src(%dma_wait3A_139 : memref<128xi32, #tpu.memory_space<hbm>>) dst(%arg7 : memref<128xi32, #tpu.memory_space<vmem>>)
        %dma_start3A_140 = arith.constant 0 : i32
        %dma_start3A_141 = arith.constant 0 : i32
        %dma_start3A_142 = tpu.memref_slice %arg2[%dma_start3A_140, %dma_start3A_141] : memref<20000x128xf32, #tpu.memory_space<hbm>> -> memref<20000x128xf32, #tpu.memory_space<hbm>>
        tpu.enqueue_indirect_dma source(%dma_start3A_142 : memref<20000x128xf32, #tpu.memory_space<hbm>>) target(%arg10 : memref<128x128xf32, #tpu.memory_space<vmem>>) offsets(%arg6 : memref<128xi32, #tpu.memory_space<vmem>>) semaphore(%arg13 : memref<!tpu.dma_semaphore, #tpu.memory_space<semaphore_mem>>)
      } else {
      }
      %dma_wait3A_112 = arith.constant 0 : i32
      %dma_wait3A_113 = arith.constant 0 : i32
      %dma_wait3A_114 = tpu.memref_slice %arg2[%dma_wait3A_112, %dma_wait3A_113] : memref<20000x128xf32, #tpu.memory_space<hbm>> -> memref<20000x128xf32, #tpu.memory_space<hbm>>
      tpu.wait_indirect_dma semaphore(%arg14 : memref<!tpu.dma_semaphore, #tpu.memory_space<semaphore_mem>>) src(%dma_wait3A_114 : memref<20000x128xf32, #tpu.memory_space<hbm>>) dst(%arg11 : memref<128x128xf32, #tpu.memory_space<vmem>>)
      "tpu.region"() ({
        %run_scoped3A = tpu.sem_alloc : memref<!tpu.dma_semaphore, #tpu.memory_space<semaphore_mem>>
        %dma_start3A_121 = arith.constant 0 : i32
        %dma_start3A_122 = arith.constant 0 : i32
        %dma_start3A_123 = tpu.memref_slice %arg12[%dma_start3A_121, %dma_start3A_122] : memref<10128x128xf32, #tpu.memory_space<vmem_shared>> -> memref<10128x128xf32, #tpu.memory_space<vmem_shared>>
        tpu.enqueue_indirect_dma source(%arg11 : memref<128x128xf32, #tpu.memory_space<vmem>>) target(%dma_start3A_123 : memref<10128x128xf32, #tpu.memory_space<vmem_shared>>) offsets(%arg9 : memref<128xi32, #tpu.memory_space<vmem>>) semaphore(%run_scoped3A : memref<!tpu.dma_semaphore, #tpu.memory_space<semaphore_mem>>) {add = true}
        %dma_wait3A_124 = arith.constant 0 : i32
        %dma_wait3A_125 = arith.constant 0 : i32
        %dma_wait3A_126 = tpu.memref_slice %arg12[%dma_wait3A_124, %dma_wait3A_125] : memref<10128x128xf32, #tpu.memory_space<vmem_shared>> -> memref<10128x128xf32, #tpu.memory_space<vmem_shared>>
        tpu.wait_indirect_dma semaphore(%run_scoped3A : memref<!tpu.dma_semaphore, #tpu.memory_space<semaphore_mem>>) src(%arg11 : memref<128x128xf32, #tpu.memory_space<vmem>>) dst(%dma_wait3A_126 : memref<10128x128xf32, #tpu.memory_space<vmem_shared>>)
        tpu.yield
      }) : () -> ()
      %lt3A_115 = arith.constant 38 : i32
      %lt3A_116 = arith.cmpi slt, %scan3A_86, %lt3A_115 : i32
      %convert_element_type3A_117 = arith.extui %lt3A_116 : i1 to i32
      %cond3A_118 = arith.constant 0 : i32
      %cond3A_119 = arith.cmpi ne, %convert_element_type3A_117, %cond3A_118 : i32
      scf.if %cond3A_119 {
        %add3A_121 = arith.constant 48 : i32
        %add3A_122 = arith.addi %add3A_92, %add3A_121 : i32
        %mul3A_123 = arith.constant 128 : i32
        %mul3A_124 = arith.muli %add3A_122, %mul3A_123 : i32
        %mul3A_125 = arith.constant 160000 : i32
        %mul3A_126 = arith.muli %arg0, %mul3A_125 : i32
        %add3A_127 = arith.addi %mul3A_126, %mul3A_124 : i32
        %dma_start3A_128 = tpu.memref_slice %arg3[%add3A_127] : memref<320000xi32, #tpu.memory_space<hbm>> -> memref<128xi32, #tpu.memory_space<hbm>>
        %dma_start3A_129 = tpu.memref_slice %arg3[%add3A_127] : memref<320000xi32, #tpu.memory_space<hbm>> -> memref<128xi32, #tpu.memory_space<hbm>>
        tpu.enqueue_dma source(%dma_start3A_129 : memref<128xi32, #tpu.memory_space<hbm>>) target(%arg8 : memref<128xi32, #tpu.memory_space<vmem>>) target_semaphore(%arg16 : memref<!tpu.dma_semaphore, #tpu.memory_space<semaphore_mem>>)
        %dma_start3A_130 = tpu.memref_slice %arg4[%mul3A_124] : memref<160000xi32, #tpu.memory_space<hbm>> -> memref<128xi32, #tpu.memory_space<hbm>>
        %dma_start3A_131 = tpu.memref_slice %arg4[%mul3A_124] : memref<160000xi32, #tpu.memory_space<hbm>> -> memref<128xi32, #tpu.memory_space<hbm>>
        tpu.enqueue_dma source(%dma_start3A_131 : memref<128xi32, #tpu.memory_space<hbm>>) target(%arg9 : memref<128xi32, #tpu.memory_space<vmem>>) target_semaphore(%arg16 : memref<!tpu.dma_semaphore, #tpu.memory_space<semaphore_mem>>)
      } else {
      }
      %scan3A_120 = arith.constant 0 : i32
      scf.yield %scan3A_120 : i32
    }
    %scan3A_66 = arith.constant 39 : i32
    %add3A_67 = arith.constant 1248 : i32
    %add3A_68 = arith.addi %add3A_67, %arg1 : i32
    %lt3A = arith.constant 1250 : i32
    %lt3A_69 = arith.cmpi slt, %add3A_68, %lt3A : i32
    %convert_element_type3A_70 = arith.extui %lt3A_69 : i1 to i32
    %cond3A_71 = arith.constant 0 : i32
    %cond3A_72 = arith.cmpi ne, %convert_element_type3A_70, %cond3A_71 : i32
    scf.if %cond3A_72 {
      %add3A_86 = arith.constant 1248 : i32
      %add3A_87 = arith.addi %add3A_86, %arg1 : i32
      %mul3A_88 = arith.constant 128 : i32
      %mul3A_89 = arith.muli %add3A_87, %mul3A_88 : i32
      %mul3A_90 = arith.constant 160000 : i32
      %mul3A_91 = arith.muli %arg0, %mul3A_90 : i32
      %add3A_92 = arith.addi %mul3A_91, %mul3A_89 : i32
      %dma_start3A_93 = tpu.memref_slice %arg3[%add3A_92] : memref<320000xi32, #tpu.memory_space<hbm>> -> memref<128xi32, #tpu.memory_space<hbm>>
      %dma_start3A_94 = tpu.memref_slice %arg3[%add3A_92] : memref<320000xi32, #tpu.memory_space<hbm>> -> memref<128xi32, #tpu.memory_space<hbm>>
      tpu.enqueue_dma source(%dma_start3A_94 : memref<128xi32, #tpu.memory_space<hbm>>) target(%arg6 : memref<128xi32, #tpu.memory_space<vmem>>) target_semaphore(%arg15 : memref<!tpu.dma_semaphore, #tpu.memory_space<semaphore_mem>>)
      %dma_start3A_95 = tpu.memref_slice %arg4[%mul3A_89] : memref<160000xi32, #tpu.memory_space<hbm>> -> memref<128xi32, #tpu.memory_space<hbm>>
      %dma_start3A_96 = tpu.memref_slice %arg4[%mul3A_89] : memref<160000xi32, #tpu.memory_space<hbm>> -> memref<128xi32, #tpu.memory_space<hbm>>
      tpu.enqueue_dma source(%dma_start3A_96 : memref<128xi32, #tpu.memory_space<hbm>>) target(%arg7 : memref<128xi32, #tpu.memory_space<vmem>>) target_semaphore(%arg15 : memref<!tpu.dma_semaphore, #tpu.memory_space<semaphore_mem>>)
      %dma_wait3A_97 = arith.constant 0 : i32
      %dma_wait3A_98 = tpu.memref_slice %arg3[%dma_wait3A_97] : memref<320000xi32, #tpu.memory_space<hbm>> -> memref<128xi32, #tpu.memory_space<hbm>>
      %dma_wait3A_99 = arith.constant 0 : i32
      %dma_wait3A_100 = tpu.memref_slice %arg3[%dma_wait3A_99] : memref<320000xi32, #tpu.memory_space<hbm>> -> memref<128xi32, #tpu.memory_space<hbm>>
      tpu.wait_dma2 semaphore(%arg15 : memref<!tpu.dma_semaphore, #tpu.memory_space<semaphore_mem>>) src(%dma_wait3A_100 : memref<128xi32, #tpu.memory_space<hbm>>) dst(%arg6 : memref<128xi32, #tpu.memory_space<vmem>>)
      %dma_wait3A_101 = arith.constant 0 : i32
      %dma_wait3A_102 = tpu.memref_slice %arg4[%dma_wait3A_101] : memref<160000xi32, #tpu.memory_space<hbm>> -> memref<128xi32, #tpu.memory_space<hbm>>
      %dma_wait3A_103 = arith.constant 0 : i32
      %dma_wait3A_104 = tpu.memref_slice %arg4[%dma_wait3A_103] : memref<160000xi32, #tpu.memory_space<hbm>> -> memref<128xi32, #tpu.memory_space<hbm>>
      tpu.wait_dma2 semaphore(%arg15 : memref<!tpu.dma_semaphore, #tpu.memory_space<semaphore_mem>>) src(%dma_wait3A_104 : memref<128xi32, #tpu.memory_space<hbm>>) dst(%arg7 : memref<128xi32, #tpu.memory_space<vmem>>)
      %dma_start3A_105 = arith.constant 0 : i32
      %dma_start3A_106 = arith.constant 0 : i32
      %dma_start3A_107 = tpu.memref_slice %arg2[%dma_start3A_105, %dma_start3A_106] : memref<20000x128xf32, #tpu.memory_space<hbm>> -> memref<20000x128xf32, #tpu.memory_space<hbm>>
      tpu.enqueue_indirect_dma source(%dma_start3A_107 : memref<20000x128xf32, #tpu.memory_space<hbm>>) target(%arg10 : memref<128x128xf32, #tpu.memory_space<vmem>>) offsets(%arg6 : memref<128xi32, #tpu.memory_space<vmem>>) semaphore(%arg13 : memref<!tpu.dma_semaphore, #tpu.memory_space<semaphore_mem>>)
      %dma_wait3A_108 = arith.constant 0 : i32
      %dma_wait3A_109 = arith.constant 0 : i32
      %dma_wait3A_110 = tpu.memref_slice %arg2[%dma_wait3A_108, %dma_wait3A_109] : memref<20000x128xf32, #tpu.memory_space<hbm>> -> memref<20000x128xf32, #tpu.memory_space<hbm>>
      tpu.wait_indirect_dma semaphore(%arg13 : memref<!tpu.dma_semaphore, #tpu.memory_space<semaphore_mem>>) src(%dma_wait3A_110 : memref<20000x128xf32, #tpu.memory_space<hbm>>) dst(%arg10 : memref<128x128xf32, #tpu.memory_space<vmem>>)
      "tpu.region"() ({
        %run_scoped3A = tpu.sem_alloc : memref<!tpu.dma_semaphore, #tpu.memory_space<semaphore_mem>>
        %dma_start3A_111 = arith.constant 0 : i32
        %dma_start3A_112 = arith.constant 0 : i32
        %dma_start3A_113 = tpu.memref_slice %arg12[%dma_start3A_111, %dma_start3A_112] : memref<10128x128xf32, #tpu.memory_space<vmem_shared>> -> memref<10128x128xf32, #tpu.memory_space<vmem_shared>>
        tpu.enqueue_indirect_dma source(%arg10 : memref<128x128xf32, #tpu.memory_space<vmem>>) target(%dma_start3A_113 : memref<10128x128xf32, #tpu.memory_space<vmem_shared>>) offsets(%arg7 : memref<128xi32, #tpu.memory_space<vmem>>) semaphore(%run_scoped3A : memref<!tpu.dma_semaphore, #tpu.memory_space<semaphore_mem>>) {add = true}
        %dma_wait3A_114 = arith.constant 0 : i32
        %dma_wait3A_115 = arith.constant 0 : i32
        %dma_wait3A_116 = tpu.memref_slice %arg12[%dma_wait3A_114, %dma_wait3A_115] : memref<10128x128xf32, #tpu.memory_space<vmem_shared>> -> memref<10128x128xf32, #tpu.memory_space<vmem_shared>>
        tpu.wait_indirect_dma semaphore(%run_scoped3A : memref<!tpu.dma_semaphore, #tpu.memory_space<semaphore_mem>>) src(%arg10 : memref<128x128xf32, #tpu.memory_space<vmem>>) dst(%dma_wait3A_116 : memref<10128x128xf32, #tpu.memory_space<vmem_shared>>)
        tpu.yield
      }) : () -> ()
    } else {
    }
    %barrier3A_73 = arith.constant 0 : index
    tpu.barrier barrier_id(%barrier3A_73)
    %mul3A_74 = arith.constant 624 : i32
    %mul3A_75 = arith.muli %arg1, %mul3A_74 : i32
    %mul3A_76 = arith.constant 10000 : i32
    %mul3A_77 = arith.muli %arg0, %mul3A_76 : i32
    %mul3A_78 = arith.constant 624 : i32
    %mul3A_79 = arith.muli %arg1, %mul3A_78 : i32
    %add3A_80 = arith.addi %mul3A_77, %mul3A_79 : i32
    "tpu.region"() ({
      %run_scoped3A = tpu.sem_alloc : memref<!tpu.dma_semaphore, #tpu.memory_space<semaphore_mem>>
      %dma_start3A_86 = arith.constant 0 : i32
      %dma_start3A_87 = tpu.memref_slice %arg5[%add3A_80, %dma_start3A_86] : memref<20000x128xf32, #tpu.memory_space<hbm>> -> memref<624x128xf32, #tpu.memory_space<hbm>>
      %dma_start3A_88 = arith.constant 0 : i32
      %dma_start3A_89 = tpu.memref_slice %arg12[%mul3A_75, %dma_start3A_88] : memref<10128x128xf32, #tpu.memory_space<vmem_shared>> -> memref<624x128xf32, #tpu.memory_space<vmem_shared>>
      tpu.enqueue_dma source(%dma_start3A_89 : memref<624x128xf32, #tpu.memory_space<vmem_shared>>) target(%dma_start3A_87 : memref<624x128xf32, #tpu.memory_space<hbm>>) target_semaphore(%run_scoped3A : memref<!tpu.dma_semaphore, #tpu.memory_space<semaphore_mem>>)
      %dma_wait3A_90 = arith.constant 0 : i32
      %dma_wait3A_91 = tpu.memref_slice %arg5[%add3A_80, %dma_wait3A_90] : memref<20000x128xf32, #tpu.memory_space<hbm>> -> memref<624x128xf32, #tpu.memory_space<hbm>>
      %dma_wait3A_92 = arith.constant 0 : i32
      %dma_wait3A_93 = tpu.memref_slice %arg12[%mul3A_75, %dma_wait3A_92] : memref<10128x128xf32, #tpu.memory_space<vmem_shared>> -> memref<624x128xf32, #tpu.memory_space<vmem_shared>>
      tpu.wait_dma2 semaphore(%run_scoped3A : memref<!tpu.dma_semaphore, #tpu.memory_space<semaphore_mem>>) src(%dma_wait3A_93 : memref<624x128xf32, #tpu.memory_space<vmem_shared>>) dst(%dma_wait3A_91 : memref<624x128xf32, #tpu.memory_space<hbm>>)
      tpu.yield
    }) : () -> ()
    %eq3A_81 = arith.constant 0 : i32
    %eq3A_82 = arith.cmpi eq, %arg1, %eq3A_81 : i32
    %convert_element_type3A_83 = arith.extui %eq3A_82 : i1 to i32
    %cond3A_84 = arith.constant 0 : i32
    %cond3A_85 = arith.cmpi ne, %convert_element_type3A_83, %cond3A_84 : i32
    scf.if %cond3A_85 {
      %mul3A_86 = arith.constant 10000 : i32
      %mul3A_87 = arith.muli %arg0, %mul3A_86 : i32
      %add3A_88 = arith.constant 9984 : i32
      %add3A_89 = arith.addi %mul3A_87, %add3A_88 : i32
      "tpu.region"() ({
        %run_scoped3A = tpu.sem_alloc : memref<!tpu.dma_semaphore, #tpu.memory_space<semaphore_mem>>
        %dma_start3A_90 = arith.constant 0 : i32
        %dma_start3A_91 = tpu.memref_slice %arg5[%add3A_89, %dma_start3A_90] : memref<20000x128xf32, #tpu.memory_space<hbm>> -> memref<16x128xf32, #tpu.memory_space<hbm>>
        %dma_start3A_92 = arith.constant 9984 : i32
        %dma_start3A_93 = arith.constant 0 : i32
        %dma_start3A_94 = tpu.memref_slice %arg12[%dma_start3A_92, %dma_start3A_93] : memref<10128x128xf32, #tpu.memory_space<vmem_shared>> -> memref<16x128xf32, #tpu.memory_space<vmem_shared>>
        tpu.enqueue_dma source(%dma_start3A_94 : memref<16x128xf32, #tpu.memory_space<vmem_shared>>) target(%dma_start3A_91 : memref<16x128xf32, #tpu.memory_space<hbm>>) target_semaphore(%run_scoped3A : memref<!tpu.dma_semaphore, #tpu.memory_space<semaphore_mem>>)
        %dma_wait3A_95 = arith.constant 0 : i32
        %dma_wait3A_96 = tpu.memref_slice %arg5[%add3A_89, %dma_wait3A_95] : memref<20000x128xf32, #tpu.memory_space<hbm>> -> memref<16x128xf32, #tpu.memory_space<hbm>>
        %dma_wait3A_97 = arith.constant 9984 : i32
        %dma_wait3A_98 = arith.constant 0 : i32
        %dma_wait3A_99 = tpu.memref_slice %arg12[%dma_wait3A_97, %dma_wait3A_98] : memref<10128x128xf32, #tpu.memory_space<vmem_shared>> -> memref<16x128xf32, #tpu.memory_space<vmem_shared>>
        tpu.wait_dma2 semaphore(%run_scoped3A : memref<!tpu.dma_semaphore, #tpu.memory_space<semaphore_mem>>) src(%dma_wait3A_99 : memref<16x128xf32, #tpu.memory_space<vmem_shared>>) dst(%dma_wait3A_96 : memref<16x128xf32, #tpu.memory_space<hbm>>)
        tpu.yield
      }) : () -> ()
    } else {
    }
    return
  }
}

#map = affine_map<(d0, d1) -> (0, 0)>
module attributes {stable_mosaic.version = 14 : i64} {
  func.func @_sc_deg_body(%arg0: i32, %arg1: i32, %arg2: memref<1280x128xi32, #tpu.memory_space<hbm>>, %arg3: memref<20000x128xf32, #tpu.memory_space<hbm>>, %arg4: memref<40x128xi32, #tpu.memory_space<vmem>>, %arg5: memref<128x128xf32, #tpu.memory_space<vmem>>, %arg6: memref<10128x128xf32, #tpu.memory_space<vmem_shared>>, %arg7: memref<!tpu.dma_semaphore, #tpu.memory_space<semaphore_mem>>) attributes {dimension_semantics = [#tpu.dimension_semantics<core_parallel>, #tpu.dimension_semantics<subcore_parallel>], iteration_bounds = array<i64: 2, 16>, scalar_prefetch = 0 : i64, scratch_operands = 4 : i64, tpu.core_type = #tpu.core_type<sc_vector_subcore>, window_params = [{transform_indices = #map}, {transform_indices = #map}]} {
    %mul3A = arith.constant 2 : i32
    %mul3A_0 = arith.muli %arg1, %mul3A : i32
    %add3A = arith.addi %mul3A_0, %arg0 : i32
    %broadcast_in_dim3A = arith.constant 1.000000e+00 : f32
    %broadcast_in_dim3A_1 = vector.broadcast %broadcast_in_dim3A : f32 to vector<16xf32>
    %broadcast_in_dim3A_2 = arith.constant 0.000000e+00 : f32
    %broadcast_in_dim3A_3 = vector.broadcast %broadcast_in_dim3A_2 : f32 to vector<16xf32>
    %scan3A = arith.constant 0 : i32
    %scan3A_4 = arith.constant 0 : i32
    %scan3A_5 = arith.constant 104 : i32
    %scan3A_6 = arith.addi %scan3A_4, %scan3A_5 : i32
    %scan3A_7 = arith.constant 1 : i32
    %scan3A_8 = scf.for %scan3A_65 = %scan3A_4 to %scan3A_6 step %scan3A_7 iter_args(%scan3A_66 = %scan3A) -> (i32)  : i32 {
      %swap3A = arith.index_cast %scan3A_65 : i32 to index
      %swap3A_67 = arith.constant 0 : index
      %swap3A_68 = tpu.vector_load %arg5[%swap3A, %swap3A_67] {strides = array<i32>} : memref<128x128xf32, #tpu.memory_space<vmem>>, vector<1x16xf32>,
      %swap3A_69 = vector.shape_cast %swap3A_68 : vector<1x16xf32> to vector<16xf32>
      %swap3A_70 = vector.shape_cast %broadcast_in_dim3A_3 : vector<16xf32> to vector<1x16xf32>
      tpu.vector_store %arg5[%swap3A, %swap3A_67], %swap3A_70 {strides = array<i32>} : memref<128x128xf32, #tpu.memory_space<vmem>>, vector<1x16xf32>,
      %swap3A_71 = arith.index_cast %scan3A_65 : i32 to index
      %swap3A_72 = arith.constant 16 : index
      %swap3A_73 = tpu.vector_load %arg5[%swap3A_71, %swap3A_72] {strides = array<i32>} : memref<128x128xf32, #tpu.memory_space<vmem>>, vector<1x16xf32>,
      %swap3A_74 = vector.shape_cast %swap3A_73 : vector<1x16xf32> to vector<16xf32>
      %swap3A_75 = vector.shape_cast %broadcast_in_dim3A_3 : vector<16xf32> to vector<1x16xf32>
      tpu.vector_store %arg5[%swap3A_71, %swap3A_72], %swap3A_75 {strides = array<i32>} : memref<128x128xf32, #tpu.memory_space<vmem>>, vector<1x16xf32>,
      %swap3A_76 = arith.index_cast %scan3A_65 : i32 to index
      %swap3A_77 = arith.constant 32 : index
      %swap3A_78 = tpu.vector_load %arg5[%swap3A_76, %swap3A_77] {strides = array<i32>} : memref<128x128xf32, #tpu.memory_space<vmem>>, vector<1x16xf32>,
      %swap3A_79 = vector.shape_cast %swap3A_78 : vector<1x16xf32> to vector<16xf32>
      %swap3A_80 = vector.shape_cast %broadcast_in_dim3A_3 : vector<16xf32> to vector<1x16xf32>
      tpu.vector_store %arg5[%swap3A_76, %swap3A_77], %swap3A_80 {strides = array<i32>} : memref<128x128xf32, #tpu.memory_space<vmem>>, vector<1x16xf32>,
      %swap3A_81 = arith.index_cast %scan3A_65 : i32 to index
      %swap3A_82 = arith.constant 48 : index
      %swap3A_83 = tpu.vector_load %arg5[%swap3A_81, %swap3A_82] {strides = array<i32>} : memref<128x128xf32, #tpu.memory_space<vmem>>, vector<1x16xf32>,
      %swap3A_84 = vector.shape_cast %swap3A_83 : vector<1x16xf32> to vector<16xf32>
      %swap3A_85 = vector.shape_cast %broadcast_in_dim3A_3 : vector<16xf32> to vector<1x16xf32>
      tpu.vector_store %arg5[%swap3A_81, %swap3A_82], %swap3A_85 {strides = array<i32>} : memref<128x128xf32, #tpu.memory_space<vmem>>, vector<1x16xf32>,
      %swap3A_86 = arith.index_cast %scan3A_65 : i32 to index
      %swap3A_87 = arith.constant 64 : index
      %swap3A_88 = tpu.vector_load %arg5[%swap3A_86, %swap3A_87] {strides = array<i32>} : memref<128x128xf32, #tpu.memory_space<vmem>>, vector<1x16xf32>,
      %swap3A_89 = vector.shape_cast %swap3A_88 : vector<1x16xf32> to vector<16xf32>
      %swap3A_90 = vector.shape_cast %broadcast_in_dim3A_3 : vector<16xf32> to vector<1x16xf32>
      tpu.vector_store %arg5[%swap3A_86, %swap3A_87], %swap3A_90 {strides = array<i32>} : memref<128x128xf32, #tpu.memory_space<vmem>>, vector<1x16xf32>,
      %swap3A_91 = arith.index_cast %scan3A_65 : i32 to index
      %swap3A_92 = arith.constant 80 : index
      %swap3A_93 = tpu.vector_load %arg5[%swap3A_91, %swap3A_92] {strides = array<i32>} : memref<128x128xf32, #tpu.memory_space<vmem>>, vector<1x16xf32>,
      %swap3A_94 = vector.shape_cast %swap3A_93 : vector<1x16xf32> to vector<16xf32>
      %swap3A_95 = vector.shape_cast %broadcast_in_dim3A_3 : vector<16xf32> to vector<1x16xf32>
      tpu.vector_store %arg5[%swap3A_91, %swap3A_92], %swap3A_95 {strides = array<i32>} : memref<128x128xf32, #tpu.memory_space<vmem>>, vector<1x16xf32>,
      %swap3A_96 = arith.index_cast %scan3A_65 : i32 to index
      %swap3A_97 = arith.constant 96 : index
      %swap3A_98 = tpu.vector_load %arg5[%swap3A_96, %swap3A_97] {strides = array<i32>} : memref<128x128xf32, #tpu.memory_space<vmem>>, vector<1x16xf32>,
      %swap3A_99 = vector.shape_cast %swap3A_98 : vector<1x16xf32> to vector<16xf32>
      %swap3A_100 = vector.shape_cast %broadcast_in_dim3A_3 : vector<16xf32> to vector<1x16xf32>
      tpu.vector_store %arg5[%swap3A_96, %swap3A_97], %swap3A_100 {strides = array<i32>} : memref<128x128xf32, #tpu.memory_space<vmem>>, vector<1x16xf32>,
      %swap3A_101 = arith.index_cast %scan3A_65 : i32 to index
      %swap3A_102 = arith.constant 112 : index
      %swap3A_103 = tpu.vector_load %arg5[%swap3A_101, %swap3A_102] {strides = array<i32>} : memref<128x128xf32, #tpu.memory_space<vmem>>, vector<1x16xf32>,
      %swap3A_104 = vector.shape_cast %swap3A_103 : vector<1x16xf32> to vector<16xf32>
      %swap3A_105 = vector.shape_cast %broadcast_in_dim3A_3 : vector<16xf32> to vector<1x16xf32>
      tpu.vector_store %arg5[%swap3A_101, %swap3A_102], %swap3A_105 {strides = array<i32>} : memref<128x128xf32, #tpu.memory_space<vmem>>, vector<1x16xf32>,
      %scan3A_106 = arith.constant 0 : i32
      scf.yield %scan3A_106 : i32
    }
    %scan3A_9 = arith.constant 104 : i32
    %mul3A_10 = arith.constant 624 : i32
    %mul3A_11 = arith.muli %arg1, %mul3A_10 : i32
    %add3A_12 = arith.constant 0 : i32
    %add3A_13 = arith.addi %mul3A_11, %add3A_12 : i32
    "tpu.region"() ({
      %run_scoped3A = tpu.sem_alloc : memref<!tpu.dma_semaphore, #tpu.memory_space<semaphore_mem>>
      %dma_start3A = arith.constant 0 : i32
      %dma_start3A_65 = arith.constant 0 : i32
      %dma_start3A_66 = tpu.memref_slice %arg5[%dma_start3A, %dma_start3A_65] : memref<128x128xf32, #tpu.memory_space<vmem>> -> memref<104x128xf32, #tpu.memory_space<vmem>>
      %dma_start3A_67 = arith.constant 0 : i32
      %dma_start3A_68 = tpu.memref_slice %arg6[%add3A_13, %dma_start3A_67] : memref<10128x128xf32, #tpu.memory_space<vmem_shared>> -> memref<104x128xf32, #tpu.memory_space<vmem_shared>>
      %dma_start3A_69 = arith.constant 0 : i32
      %dma_start3A_70 = tpu.memref_slice %arg6[%add3A_13, %dma_start3A_69] : memref<10128x128xf32, #tpu.memory_space<vmem_shared>> -> memref<104x128xf32, #tpu.memory_space<vmem_shared>>
      %dma_start3A_71 = arith.constant 0 : i32
      %dma_start3A_72 = arith.constant 0 : i32
      %dma_start3A_73 = tpu.memref_slice %arg5[%dma_start3A_71, %dma_start3A_72] : memref<128x128xf32, #tpu.memory_space<vmem>> -> memref<104x128xf32, #tpu.memory_space<vmem>>
      tpu.enqueue_dma source(%dma_start3A_73 : memref<104x128xf32, #tpu.memory_space<vmem>>) target(%dma_start3A_70 : memref<104x128xf32, #tpu.memory_space<vmem_shared>>) target_semaphore(%run_scoped3A : memref<!tpu.dma_semaphore, #tpu.memory_space<semaphore_mem>>)
      %dma_wait3A = arith.constant 0 : i32
      %dma_wait3A_74 = arith.constant 0 : i32
      %dma_wait3A_75 = tpu.memref_slice %arg5[%dma_wait3A, %dma_wait3A_74] : memref<128x128xf32, #tpu.memory_space<vmem>> -> memref<104x128xf32, #tpu.memory_space<vmem>>
      %dma_wait3A_76 = arith.constant 0 : i32
      %dma_wait3A_77 = tpu.memref_slice %arg6[%add3A_13, %dma_wait3A_76] : memref<10128x128xf32, #tpu.memory_space<vmem_shared>> -> memref<104x128xf32, #tpu.memory_space<vmem_shared>>
      %dma_wait3A_78 = arith.constant 0 : i32
      %dma_wait3A_79 = tpu.memref_slice %arg6[%add3A_13, %dma_wait3A_78] : memref<10128x128xf32, #tpu.memory_space<vmem_shared>> -> memref<104x128xf32, #tpu.memory_space<vmem_shared>>
      %dma_wait3A_80 = arith.constant 0 : i32
      %dma_wait3A_81 = arith.constant 0 : i32
      %dma_wait3A_82 = tpu.memref_slice %arg5[%dma_wait3A_80, %dma_wait3A_81] : memref<128x128xf32, #tpu.memory_space<vmem>> -> memref<104x128xf32, #tpu.memory_space<vmem>>
      tpu.wait_dma2 semaphore(%run_scoped3A : memref<!tpu.dma_semaphore, #tpu.memory_space<semaphore_mem>>) src(%dma_wait3A_82 : memref<104x128xf32, #tpu.memory_space<vmem>>) dst(%dma_wait3A_79 : memref<104x128xf32, #tpu.memory_space<vmem_shared>>)
      tpu.yield
    }) : () -> ()
    %mul3A_14 = arith.constant 624 : i32
    %mul3A_15 = arith.muli %arg1, %mul3A_14 : i32
    %add3A_16 = arith.constant 104 : i32
    %add3A_17 = arith.addi %mul3A_15, %add3A_16 : i32
    "tpu.region"() ({
      %run_scoped3A = tpu.sem_alloc : memref<!tpu.dma_semaphore, #tpu.memory_space<semaphore_mem>>
      %dma_start3A = arith.constant 0 : i32
      %dma_start3A_65 = arith.constant 0 : i32
      %dma_start3A_66 = tpu.memref_slice %arg5[%dma_start3A, %dma_start3A_65] : memref<128x128xf32, #tpu.memory_space<vmem>> -> memref<104x128xf32, #tpu.memory_space<vmem>>
      %dma_start3A_67 = arith.constant 0 : i32
      %dma_start3A_68 = tpu.memref_slice %arg6[%add3A_17, %dma_start3A_67] : memref<10128x128xf32, #tpu.memory_space<vmem_shared>> -> memref<104x128xf32, #tpu.memory_space<vmem_shared>>
      %dma_start3A_69 = arith.constant 0 : i32
      %dma_start3A_70 = tpu.memref_slice %arg6[%add3A_17, %dma_start3A_69] : memref<10128x128xf32, #tpu.memory_space<vmem_shared>> -> memref<104x128xf32, #tpu.memory_space<vmem_shared>>
      %dma_start3A_71 = arith.constant 0 : i32
      %dma_start3A_72 = arith.constant 0 : i32
      %dma_start3A_73 = tpu.memref_slice %arg5[%dma_start3A_71, %dma_start3A_72] : memref<128x128xf32, #tpu.memory_space<vmem>> -> memref<104x128xf32, #tpu.memory_space<vmem>>
      tpu.enqueue_dma source(%dma_start3A_73 : memref<104x128xf32, #tpu.memory_space<vmem>>) target(%dma_start3A_70 : memref<104x128xf32, #tpu.memory_space<vmem_shared>>) target_semaphore(%run_scoped3A : memref<!tpu.dma_semaphore, #tpu.memory_space<semaphore_mem>>)
      %dma_wait3A = arith.constant 0 : i32
      %dma_wait3A_74 = arith.constant 0 : i32
      %dma_wait3A_75 = tpu.memref_slice %arg5[%dma_wait3A, %dma_wait3A_74] : memref<128x128xf32, #tpu.memory_space<vmem>> -> memref<104x128xf32, #tpu.memory_space<vmem>>
      %dma_wait3A_76 = arith.constant 0 : i32
      %dma_wait3A_77 = tpu.memref_slice %arg6[%add3A_17, %dma_wait3A_76] : memref<10128x128xf32, #tpu.memory_space<vmem_shared>> -> memref<104x128xf32, #tpu.memory_space<vmem_shared>>
      %dma_wait3A_78 = arith.constant 0 : i32
      %dma_wait3A_79 = tpu.memref_slice %arg6[%add3A_17, %dma_wait3A_78] : memref<10128x128xf32, #tpu.memory_space<vmem_shared>> -> memref<104x128xf32, #tpu.memory_space<vmem_shared>>
      %dma_wait3A_80 = arith.constant 0 : i32
      %dma_wait3A_81 = arith.constant 0 : i32
      %dma_wait3A_82 = tpu.memref_slice %arg5[%dma_wait3A_80, %dma_wait3A_81] : memref<128x128xf32, #tpu.memory_space<vmem>> -> memref<104x128xf32, #tpu.memory_space<vmem>>
      tpu.wait_dma2 semaphore(%run_scoped3A : memref<!tpu.dma_semaphore, #tpu.memory_space<semaphore_mem>>) src(%dma_wait3A_82 : memref<104x128xf32, #tpu.memory_space<vmem>>) dst(%dma_wait3A_79 : memref<104x128xf32, #tpu.memory_space<vmem_shared>>)
      tpu.yield
    }) : () -> ()
    %mul3A_18 = arith.constant 624 : i32
    %mul3A_19 = arith.muli %arg1, %mul3A_18 : i32
    %add3A_20 = arith.constant 208 : i32
    %add3A_21 = arith.addi %mul3A_19, %add3A_20 : i32
    "tpu.region"() ({
      %run_scoped3A = tpu.sem_alloc : memref<!tpu.dma_semaphore, #tpu.memory_space<semaphore_mem>>
      %dma_start3A = arith.constant 0 : i32
      %dma_start3A_65 = arith.constant 0 : i32
      %dma_start3A_66 = tpu.memref_slice %arg5[%dma_start3A, %dma_start3A_65] : memref<128x128xf32, #tpu.memory_space<vmem>> -> memref<104x128xf32, #tpu.memory_space<vmem>>
      %dma_start3A_67 = arith.constant 0 : i32
      %dma_start3A_68 = tpu.memref_slice %arg6[%add3A_21, %dma_start3A_67] : memref<10128x128xf32, #tpu.memory_space<vmem_shared>> -> memref<104x128xf32, #tpu.memory_space<vmem_shared>>
      %dma_start3A_69 = arith.constant 0 : i32
      %dma_start3A_70 = tpu.memref_slice %arg6[%add3A_21, %dma_start3A_69] : memref<10128x128xf32, #tpu.memory_space<vmem_shared>> -> memref<104x128xf32, #tpu.memory_space<vmem_shared>>
      %dma_start3A_71 = arith.constant 0 : i32
      %dma_start3A_72 = arith.constant 0 : i32
      %dma_start3A_73 = tpu.memref_slice %arg5[%dma_start3A_71, %dma_start3A_72] : memref<128x128xf32, #tpu.memory_space<vmem>> -> memref<104x128xf32, #tpu.memory_space<vmem>>
      tpu.enqueue_dma source(%dma_start3A_73 : memref<104x128xf32, #tpu.memory_space<vmem>>) target(%dma_start3A_70 : memref<104x128xf32, #tpu.memory_space<vmem_shared>>) target_semaphore(%run_scoped3A : memref<!tpu.dma_semaphore, #tpu.memory_space<semaphore_mem>>)
      %dma_wait3A = arith.constant 0 : i32
      %dma_wait3A_74 = arith.constant 0 : i32
      %dma_wait3A_75 = tpu.memref_slice %arg5[%dma_wait3A, %dma_wait3A_74] : memref<128x128xf32, #tpu.memory_space<vmem>> -> memref<104x128xf32, #tpu.memory_space<vmem>>
      %dma_wait3A_76 = arith.constant 0 : i32
      %dma_wait3A_77 = tpu.memref_slice %arg6[%add3A_21, %dma_wait3A_76] : memref<10128x128xf32, #tpu.memory_space<vmem_shared>> -> memref<104x128xf32, #tpu.memory_space<vmem_shared>>
      %dma_wait3A_78 = arith.constant 0 : i32
      %dma_wait3A_79 = tpu.memref_slice %arg6[%add3A_21, %dma_wait3A_78] : memref<10128x128xf32, #tpu.memory_space<vmem_shared>> -> memref<104x128xf32, #tpu.memory_space<vmem_shared>>
      %dma_wait3A_80 = arith.constant 0 : i32
      %dma_wait3A_81 = arith.constant 0 : i32
      %dma_wait3A_82 = tpu.memref_slice %arg5[%dma_wait3A_80, %dma_wait3A_81] : memref<128x128xf32, #tpu.memory_space<vmem>> -> memref<104x128xf32, #tpu.memory_space<vmem>>
      tpu.wait_dma2 semaphore(%run_scoped3A : memref<!tpu.dma_semaphore, #tpu.memory_space<semaphore_mem>>) src(%dma_wait3A_82 : memref<104x128xf32, #tpu.memory_space<vmem>>) dst(%dma_wait3A_79 : memref<104x128xf32, #tpu.memory_space<vmem_shared>>)
      tpu.yield
    }) : () -> ()
    %mul3A_22 = arith.constant 624 : i32
    %mul3A_23 = arith.muli %arg1, %mul3A_22 : i32
    %add3A_24 = arith.constant 312 : i32
    %add3A_25 = arith.addi %mul3A_23, %add3A_24 : i32
    "tpu.region"() ({
      %run_scoped3A = tpu.sem_alloc : memref<!tpu.dma_semaphore, #tpu.memory_space<semaphore_mem>>
      %dma_start3A = arith.constant 0 : i32
      %dma_start3A_65 = arith.constant 0 : i32
      %dma_start3A_66 = tpu.memref_slice %arg5[%dma_start3A, %dma_start3A_65] : memref<128x128xf32, #tpu.memory_space<vmem>> -> memref<104x128xf32, #tpu.memory_space<vmem>>
      %dma_start3A_67 = arith.constant 0 : i32
      %dma_start3A_68 = tpu.memref_slice %arg6[%add3A_25, %dma_start3A_67] : memref<10128x128xf32, #tpu.memory_space<vmem_shared>> -> memref<104x128xf32, #tpu.memory_space<vmem_shared>>
      %dma_start3A_69 = arith.constant 0 : i32
      %dma_start3A_70 = tpu.memref_slice %arg6[%add3A_25, %dma_start3A_69] : memref<10128x128xf32, #tpu.memory_space<vmem_shared>> -> memref<104x128xf32, #tpu.memory_space<vmem_shared>>
      %dma_start3A_71 = arith.constant 0 : i32
      %dma_start3A_72 = arith.constant 0 : i32
      %dma_start3A_73 = tpu.memref_slice %arg5[%dma_start3A_71, %dma_start3A_72] : memref<128x128xf32, #tpu.memory_space<vmem>> -> memref<104x128xf32, #tpu.memory_space<vmem>>
      tpu.enqueue_dma source(%dma_start3A_73 : memref<104x128xf32, #tpu.memory_space<vmem>>) target(%dma_start3A_70 : memref<104x128xf32, #tpu.memory_space<vmem_shared>>) target_semaphore(%run_scoped3A : memref<!tpu.dma_semaphore, #tpu.memory_space<semaphore_mem>>)
      %dma_wait3A = arith.constant 0 : i32
      %dma_wait3A_74 = arith.constant 0 : i32
      %dma_wait3A_75 = tpu.memref_slice %arg5[%dma_wait3A, %dma_wait3A_74] : memref<128x128xf32, #tpu.memory_space<vmem>> -> memref<104x128xf32, #tpu.memory_space<vmem>>
      %dma_wait3A_76 = arith.constant 0 : i32
      %dma_wait3A_77 = tpu.memref_slice %arg6[%add3A_25, %dma_wait3A_76] : memref<10128x128xf32, #tpu.memory_space<vmem_shared>> -> memref<104x128xf32, #tpu.memory_space<vmem_shared>>
      %dma_wait3A_78 = arith.constant 0 : i32
      %dma_wait3A_79 = tpu.memref_slice %arg6[%add3A_25, %dma_wait3A_78] : memref<10128x128xf32, #tpu.memory_space<vmem_shared>> -> memref<104x128xf32, #tpu.memory_space<vmem_shared>>
      %dma_wait3A_80 = arith.constant 0 : i32
      %dma_wait3A_81 = arith.constant 0 : i32
      %dma_wait3A_82 = tpu.memref_slice %arg5[%dma_wait3A_80, %dma_wait3A_81] : memref<128x128xf32, #tpu.memory_space<vmem>> -> memref<104x128xf32, #tpu.memory_space<vmem>>
      tpu.wait_dma2 semaphore(%run_scoped3A : memref<!tpu.dma_semaphore, #tpu.memory_space<semaphore_mem>>) src(%dma_wait3A_82 : memref<104x128xf32, #tpu.memory_space<vmem>>) dst(%dma_wait3A_79 : memref<104x128xf32, #tpu.memory_space<vmem_shared>>)
      tpu.yield
    }) : () -> ()
    %mul3A_26 = arith.constant 624 : i32
    %mul3A_27 = arith.muli %arg1, %mul3A_26 : i32
    %add3A_28 = arith.constant 416 : i32
    %add3A_29 = arith.addi %mul3A_27, %add3A_28 : i32
    "tpu.region"() ({
      %run_scoped3A = tpu.sem_alloc : memref<!tpu.dma_semaphore, #tpu.memory_space<semaphore_mem>>
      %dma_start3A = arith.constant 0 : i32
      %dma_start3A_65 = arith.constant 0 : i32
      %dma_start3A_66 = tpu.memref_slice %arg5[%dma_start3A, %dma_start3A_65] : memref<128x128xf32, #tpu.memory_space<vmem>> -> memref<104x128xf32, #tpu.memory_space<vmem>>
      %dma_start3A_67 = arith.constant 0 : i32
      %dma_start3A_68 = tpu.memref_slice %arg6[%add3A_29, %dma_start3A_67] : memref<10128x128xf32, #tpu.memory_space<vmem_shared>> -> memref<104x128xf32, #tpu.memory_space<vmem_shared>>
      %dma_start3A_69 = arith.constant 0 : i32
      %dma_start3A_70 = tpu.memref_slice %arg6[%add3A_29, %dma_start3A_69] : memref<10128x128xf32, #tpu.memory_space<vmem_shared>> -> memref<104x128xf32, #tpu.memory_space<vmem_shared>>
      %dma_start3A_71 = arith.constant 0 : i32
      %dma_start3A_72 = arith.constant 0 : i32
      %dma_start3A_73 = tpu.memref_slice %arg5[%dma_start3A_71, %dma_start3A_72] : memref<128x128xf32, #tpu.memory_space<vmem>> -> memref<104x128xf32, #tpu.memory_space<vmem>>
      tpu.enqueue_dma source(%dma_start3A_73 : memref<104x128xf32, #tpu.memory_space<vmem>>) target(%dma_start3A_70 : memref<104x128xf32, #tpu.memory_space<vmem_shared>>) target_semaphore(%run_scoped3A : memref<!tpu.dma_semaphore, #tpu.memory_space<semaphore_mem>>)
      %dma_wait3A = arith.constant 0 : i32
      %dma_wait3A_74 = arith.constant 0 : i32
      %dma_wait3A_75 = tpu.memref_slice %arg5[%dma_wait3A, %dma_wait3A_74] : memref<128x128xf32, #tpu.memory_space<vmem>> -> memref<104x128xf32, #tpu.memory_space<vmem>>
      %dma_wait3A_76 = arith.constant 0 : i32
      %dma_wait3A_77 = tpu.memref_slice %arg6[%add3A_29, %dma_wait3A_76] : memref<10128x128xf32, #tpu.memory_space<vmem_shared>> -> memref<104x128xf32, #tpu.memory_space<vmem_shared>>
      %dma_wait3A_78 = arith.constant 0 : i32
      %dma_wait3A_79 = tpu.memref_slice %arg6[%add3A_29, %dma_wait3A_78] : memref<10128x128xf32, #tpu.memory_space<vmem_shared>> -> memref<104x128xf32, #tpu.memory_space<vmem_shared>>
      %dma_wait3A_80 = arith.constant 0 : i32
      %dma_wait3A_81 = arith.constant 0 : i32
      %dma_wait3A_82 = tpu.memref_slice %arg5[%dma_wait3A_80, %dma_wait3A_81] : memref<128x128xf32, #tpu.memory_space<vmem>> -> memref<104x128xf32, #tpu.memory_space<vmem>>
      tpu.wait_dma2 semaphore(%run_scoped3A : memref<!tpu.dma_semaphore, #tpu.memory_space<semaphore_mem>>) src(%dma_wait3A_82 : memref<104x128xf32, #tpu.memory_space<vmem>>) dst(%dma_wait3A_79 : memref<104x128xf32, #tpu.memory_space<vmem_shared>>)
      tpu.yield
    }) : () -> ()
    %mul3A_30 = arith.constant 624 : i32
    %mul3A_31 = arith.muli %arg1, %mul3A_30 : i32
    %add3A_32 = arith.constant 520 : i32
    %add3A_33 = arith.addi %mul3A_31, %add3A_32 : i32
    "tpu.region"() ({
      %run_scoped3A = tpu.sem_alloc : memref<!tpu.dma_semaphore, #tpu.memory_space<semaphore_mem>>
      %dma_start3A = arith.constant 0 : i32
      %dma_start3A_65 = arith.constant 0 : i32
      %dma_start3A_66 = tpu.memref_slice %arg5[%dma_start3A, %dma_start3A_65] : memref<128x128xf32, #tpu.memory_space<vmem>> -> memref<104x128xf32, #tpu.memory_space<vmem>>
      %dma_start3A_67 = arith.constant 0 : i32
      %dma_start3A_68 = tpu.memref_slice %arg6[%add3A_33, %dma_start3A_67] : memref<10128x128xf32, #tpu.memory_space<vmem_shared>> -> memref<104x128xf32, #tpu.memory_space<vmem_shared>>
      %dma_start3A_69 = arith.constant 0 : i32
      %dma_start3A_70 = tpu.memref_slice %arg6[%add3A_33, %dma_start3A_69] : memref<10128x128xf32, #tpu.memory_space<vmem_shared>> -> memref<104x128xf32, #tpu.memory_space<vmem_shared>>
      %dma_start3A_71 = arith.constant 0 : i32
      %dma_start3A_72 = arith.constant 0 : i32
      %dma_start3A_73 = tpu.memref_slice %arg5[%dma_start3A_71, %dma_start3A_72] : memref<128x128xf32, #tpu.memory_space<vmem>> -> memref<104x128xf32, #tpu.memory_space<vmem>>
      tpu.enqueue_dma source(%dma_start3A_73 : memref<104x128xf32, #tpu.memory_space<vmem>>) target(%dma_start3A_70 : memref<104x128xf32, #tpu.memory_space<vmem_shared>>) target_semaphore(%run_scoped3A : memref<!tpu.dma_semaphore, #tpu.memory_space<semaphore_mem>>)
      %dma_wait3A = arith.constant 0 : i32
      %dma_wait3A_74 = arith.constant 0 : i32
      %dma_wait3A_75 = tpu.memref_slice %arg5[%dma_wait3A, %dma_wait3A_74] : memref<128x128xf32, #tpu.memory_space<vmem>> -> memref<104x128xf32, #tpu.memory_space<vmem>>
      %dma_wait3A_76 = arith.constant 0 : i32
      %dma_wait3A_77 = tpu.memref_slice %arg6[%add3A_33, %dma_wait3A_76] : memref<10128x128xf32, #tpu.memory_space<vmem_shared>> -> memref<104x128xf32, #tpu.memory_space<vmem_shared>>
      %dma_wait3A_78 = arith.constant 0 : i32
      %dma_wait3A_79 = tpu.memref_slice %arg6[%add3A_33, %dma_wait3A_78] : memref<10128x128xf32, #tpu.memory_space<vmem_shared>> -> memref<104x128xf32, #tpu.memory_space<vmem_shared>>
      %dma_wait3A_80 = arith.constant 0 : i32
      %dma_wait3A_81 = arith.constant 0 : i32
      %dma_wait3A_82 = tpu.memref_slice %arg5[%dma_wait3A_80, %dma_wait3A_81] : memref<128x128xf32, #tpu.memory_space<vmem>> -> memref<104x128xf32, #tpu.memory_space<vmem>>
      tpu.wait_dma2 semaphore(%run_scoped3A : memref<!tpu.dma_semaphore, #tpu.memory_space<semaphore_mem>>) src(%dma_wait3A_82 : memref<104x128xf32, #tpu.memory_space<vmem>>) dst(%dma_wait3A_79 : memref<104x128xf32, #tpu.memory_space<vmem_shared>>)
      tpu.yield
    }) : () -> ()
    %eq3A = arith.constant 0 : i32
    %eq3A_34 = arith.cmpi eq, %arg1, %eq3A : i32
    %convert_element_type3A = arith.extui %eq3A_34 : i1 to i32
    %cond3A = arith.constant 0 : i32
    %cond3A_35 = arith.cmpi ne, %convert_element_type3A, %cond3A : i32
    scf.if %cond3A_35 {
      "tpu.region"() ({
        %run_scoped3A = tpu.sem_alloc : memref<!tpu.dma_semaphore, #tpu.memory_space<semaphore_mem>>
        %dma_start3A = arith.constant 0 : i32
        %dma_start3A_65 = arith.constant 0 : i32
        %dma_start3A_66 = tpu.memref_slice %arg5[%dma_start3A, %dma_start3A_65] : memref<128x128xf32, #tpu.memory_space<vmem>> -> memref<16x128xf32, #tpu.memory_space<vmem>>
        %dma_start3A_67 = arith.constant 9984 : i32
        %dma_start3A_68 = arith.constant 0 : i32
        %dma_start3A_69 = tpu.memref_slice %arg6[%dma_start3A_67, %dma_start3A_68] : memref<10128x128xf32, #tpu.memory_space<vmem_shared>> -> memref<16x128xf32, #tpu.memory_space<vmem_shared>>
        %dma_start3A_70 = arith.constant 9984 : i32
        %dma_start3A_71 = arith.constant 0 : i32
        %dma_start3A_72 = tpu.memref_slice %arg6[%dma_start3A_70, %dma_start3A_71] : memref<10128x128xf32, #tpu.memory_space<vmem_shared>> -> memref<16x128xf32, #tpu.memory_space<vmem_shared>>
        %dma_start3A_73 = arith.constant 0 : i32
        %dma_start3A_74 = arith.constant 0 : i32
        %dma_start3A_75 = tpu.memref_slice %arg5[%dma_start3A_73, %dma_start3A_74] : memref<128x128xf32, #tpu.memory_space<vmem>> -> memref<16x128xf32, #tpu.memory_space<vmem>>
        tpu.enqueue_dma source(%dma_start3A_75 : memref<16x128xf32, #tpu.memory_space<vmem>>) target(%dma_start3A_72 : memref<16x128xf32, #tpu.memory_space<vmem_shared>>) target_semaphore(%run_scoped3A : memref<!tpu.dma_semaphore, #tpu.memory_space<semaphore_mem>>)
        %dma_wait3A = arith.constant 0 : i32
        %dma_wait3A_76 = arith.constant 0 : i32
        %dma_wait3A_77 = tpu.memref_slice %arg5[%dma_wait3A, %dma_wait3A_76] : memref<128x128xf32, #tpu.memory_space<vmem>> -> memref<16x128xf32, #tpu.memory_space<vmem>>
        %dma_wait3A_78 = arith.constant 9984 : i32
        %dma_wait3A_79 = arith.constant 0 : i32
        %dma_wait3A_80 = tpu.memref_slice %arg6[%dma_wait3A_78, %dma_wait3A_79] : memref<10128x128xf32, #tpu.memory_space<vmem_shared>> -> memref<16x128xf32, #tpu.memory_space<vmem_shared>>
        %dma_wait3A_81 = arith.constant 9984 : i32
        %dma_wait3A_82 = arith.constant 0 : i32
        %dma_wait3A_83 = tpu.memref_slice %arg6[%dma_wait3A_81, %dma_wait3A_82] : memref<10128x128xf32, #tpu.memory_space<vmem_shared>> -> memref<16x128xf32, #tpu.memory_space<vmem_shared>>
        %dma_wait3A_84 = arith.constant 0 : i32
        %dma_wait3A_85 = arith.constant 0 : i32
        %dma_wait3A_86 = tpu.memref_slice %arg5[%dma_wait3A_84, %dma_wait3A_85] : memref<128x128xf32, #tpu.memory_space<vmem>> -> memref<16x128xf32, #tpu.memory_space<vmem>>
        tpu.wait_dma2 semaphore(%run_scoped3A : memref<!tpu.dma_semaphore, #tpu.memory_space<semaphore_mem>>) src(%dma_wait3A_86 : memref<16x128xf32, #tpu.memory_space<vmem>>) dst(%dma_wait3A_83 : memref<16x128xf32, #tpu.memory_space<vmem_shared>>)
        tpu.yield
      }) : () -> ()
    } else {
    }
    %scan3A_36 = arith.constant 0 : i32
    %scan3A_37 = arith.constant 0 : i32
    %scan3A_38 = arith.constant 128 : i32
    %scan3A_39 = arith.addi %scan3A_37, %scan3A_38 : i32
    %scan3A_40 = arith.constant 1 : i32
    %scan3A_41 = scf.for %scan3A_65 = %scan3A_37 to %scan3A_39 step %scan3A_40 iter_args(%scan3A_66 = %scan3A_36) -> (i32)  : i32 {
      %swap3A = arith.index_cast %scan3A_65 : i32 to index
      %swap3A_67 = arith.constant 0 : index
      %swap3A_68 = tpu.vector_load %arg5[%swap3A, %swap3A_67] {strides = array<i32>} : memref<128x128xf32, #tpu.memory_space<vmem>>, vector<1x16xf32>,
      %swap3A_69 = vector.shape_cast %swap3A_68 : vector<1x16xf32> to vector<16xf32>
      %swap3A_70 = vector.shape_cast %broadcast_in_dim3A_1 : vector<16xf32> to vector<1x16xf32>
      tpu.vector_store %arg5[%swap3A, %swap3A_67], %swap3A_70 {strides = array<i32>} : memref<128x128xf32, #tpu.memory_space<vmem>>, vector<1x16xf32>,
      %swap3A_71 = arith.index_cast %scan3A_65 : i32 to index
      %swap3A_72 = arith.constant 16 : index
      %swap3A_73 = tpu.vector_load %arg5[%swap3A_71, %swap3A_72] {strides = array<i32>} : memref<128x128xf32, #tpu.memory_space<vmem>>, vector<1x16xf32>,
      %swap3A_74 = vector.shape_cast %swap3A_73 : vector<1x16xf32> to vector<16xf32>
      %swap3A_75 = vector.shape_cast %broadcast_in_dim3A_1 : vector<16xf32> to vector<1x16xf32>
      tpu.vector_store %arg5[%swap3A_71, %swap3A_72], %swap3A_75 {strides = array<i32>} : memref<128x128xf32, #tpu.memory_space<vmem>>, vector<1x16xf32>,
      %swap3A_76 = arith.index_cast %scan3A_65 : i32 to index
      %swap3A_77 = arith.constant 32 : index
      %swap3A_78 = tpu.vector_load %arg5[%swap3A_76, %swap3A_77] {strides = array<i32>} : memref<128x128xf32, #tpu.memory_space<vmem>>, vector<1x16xf32>,
      %swap3A_79 = vector.shape_cast %swap3A_78 : vector<1x16xf32> to vector<16xf32>
      %swap3A_80 = vector.shape_cast %broadcast_in_dim3A_1 : vector<16xf32> to vector<1x16xf32>
      tpu.vector_store %arg5[%swap3A_76, %swap3A_77], %swap3A_80 {strides = array<i32>} : memref<128x128xf32, #tpu.memory_space<vmem>>, vector<1x16xf32>,
      %swap3A_81 = arith.index_cast %scan3A_65 : i32 to index
      %swap3A_82 = arith.constant 48 : index
      %swap3A_83 = tpu.vector_load %arg5[%swap3A_81, %swap3A_82] {strides = array<i32>} : memref<128x128xf32, #tpu.memory_space<vmem>>, vector<1x16xf32>,
      %swap3A_84 = vector.shape_cast %swap3A_83 : vector<1x16xf32> to vector<16xf32>
      %swap3A_85 = vector.shape_cast %broadcast_in_dim3A_1 : vector<16xf32> to vector<1x16xf32>
      tpu.vector_store %arg5[%swap3A_81, %swap3A_82], %swap3A_85 {strides = array<i32>} : memref<128x128xf32, #tpu.memory_space<vmem>>, vector<1x16xf32>,
      %swap3A_86 = arith.index_cast %scan3A_65 : i32 to index
      %swap3A_87 = arith.constant 64 : index
      %swap3A_88 = tpu.vector_load %arg5[%swap3A_86, %swap3A_87] {strides = array<i32>} : memref<128x128xf32, #tpu.memory_space<vmem>>, vector<1x16xf32>,
      %swap3A_89 = vector.shape_cast %swap3A_88 : vector<1x16xf32> to vector<16xf32>
      %swap3A_90 = vector.shape_cast %broadcast_in_dim3A_1 : vector<16xf32> to vector<1x16xf32>
      tpu.vector_store %arg5[%swap3A_86, %swap3A_87], %swap3A_90 {strides = array<i32>} : memref<128x128xf32, #tpu.memory_space<vmem>>, vector<1x16xf32>,
      %swap3A_91 = arith.index_cast %scan3A_65 : i32 to index
      %swap3A_92 = arith.constant 80 : index
      %swap3A_93 = tpu.vector_load %arg5[%swap3A_91, %swap3A_92] {strides = array<i32>} : memref<128x128xf32, #tpu.memory_space<vmem>>, vector<1x16xf32>,
      %swap3A_94 = vector.shape_cast %swap3A_93 : vector<1x16xf32> to vector<16xf32>
      %swap3A_95 = vector.shape_cast %broadcast_in_dim3A_1 : vector<16xf32> to vector<1x16xf32>
      tpu.vector_store %arg5[%swap3A_91, %swap3A_92], %swap3A_95 {strides = array<i32>} : memref<128x128xf32, #tpu.memory_space<vmem>>, vector<1x16xf32>,
      %swap3A_96 = arith.index_cast %scan3A_65 : i32 to index
      %swap3A_97 = arith.constant 96 : index
      %swap3A_98 = tpu.vector_load %arg5[%swap3A_96, %swap3A_97] {strides = array<i32>} : memref<128x128xf32, #tpu.memory_space<vmem>>, vector<1x16xf32>,
      %swap3A_99 = vector.shape_cast %swap3A_98 : vector<1x16xf32> to vector<16xf32>
      %swap3A_100 = vector.shape_cast %broadcast_in_dim3A_1 : vector<16xf32> to vector<1x16xf32>
      tpu.vector_store %arg5[%swap3A_96, %swap3A_97], %swap3A_100 {strides = array<i32>} : memref<128x128xf32, #tpu.memory_space<vmem>>, vector<1x16xf32>,
      %swap3A_101 = arith.index_cast %scan3A_65 : i32 to index
      %swap3A_102 = arith.constant 112 : index
      %swap3A_103 = tpu.vector_load %arg5[%swap3A_101, %swap3A_102] {strides = array<i32>} : memref<128x128xf32, #tpu.memory_space<vmem>>, vector<1x16xf32>,
      %swap3A_104 = vector.shape_cast %swap3A_103 : vector<1x16xf32> to vector<16xf32>
      %swap3A_105 = vector.shape_cast %broadcast_in_dim3A_1 : vector<16xf32> to vector<1x16xf32>
      tpu.vector_store %arg5[%swap3A_101, %swap3A_102], %swap3A_105 {strides = array<i32>} : memref<128x128xf32, #tpu.memory_space<vmem>>, vector<1x16xf32>,
      %scan3A_106 = arith.constant 0 : i32
      scf.yield %scan3A_106 : i32
    }
    %scan3A_42 = arith.constant 128 : i32
    %mul3A_43 = arith.constant 40 : i32
    %mul3A_44 = arith.muli %add3A, %mul3A_43 : i32
    "tpu.region"() ({
      %run_scoped3A = tpu.sem_alloc : memref<!tpu.dma_semaphore, #tpu.memory_space<semaphore_mem>>
      %dma_start3A = arith.constant 0 : i32
      %dma_start3A_65 = tpu.memref_slice %arg2[%mul3A_44, %dma_start3A] : memref<1280x128xi32, #tpu.memory_space<hbm>> -> memref<40x128xi32, #tpu.memory_space<hbm>>
      %dma_start3A_66 = arith.constant 0 : i32
      %dma_start3A_67 = tpu.memref_slice %arg2[%mul3A_44, %dma_start3A_66] : memref<1280x128xi32, #tpu.memory_space<hbm>> -> memref<40x128xi32, #tpu.memory_space<hbm>>
      tpu.enqueue_dma source(%dma_start3A_67 : memref<40x128xi32, #tpu.memory_space<hbm>>) target(%arg4 : memref<40x128xi32, #tpu.memory_space<vmem>>) target_semaphore(%run_scoped3A : memref<!tpu.dma_semaphore, #tpu.memory_space<semaphore_mem>>)
      %dma_wait3A = arith.constant 0 : i32
      %dma_wait3A_68 = tpu.memref_slice %arg2[%mul3A_44, %dma_wait3A] : memref<1280x128xi32, #tpu.memory_space<hbm>> -> memref<40x128xi32, #tpu.memory_space<hbm>>
      %dma_wait3A_69 = arith.constant 0 : i32
      %dma_wait3A_70 = tpu.memref_slice %arg2[%mul3A_44, %dma_wait3A_69] : memref<1280x128xi32, #tpu.memory_space<hbm>> -> memref<40x128xi32, #tpu.memory_space<hbm>>
      tpu.wait_dma2 semaphore(%run_scoped3A : memref<!tpu.dma_semaphore, #tpu.memory_space<semaphore_mem>>) src(%dma_wait3A_70 : memref<40x128xi32, #tpu.memory_space<hbm>>) dst(%arg4 : memref<40x128xi32, #tpu.memory_space<vmem>>)
      tpu.yield
    }) : () -> ()
    %barrier3A = arith.constant 0 : index
    tpu.barrier barrier_id(%barrier3A)
    %scan3A_45 = arith.constant 0 : i32
    %scan3A_46 = arith.constant 0 : i32
    %scan3A_47 = arith.constant 5 : i32
    %scan3A_48 = arith.addi %scan3A_46, %scan3A_47 : i32
    %scan3A_49 = arith.constant 1 : i32
    %scan3A_50 = scf.for %scan3A_65 = %scan3A_46 to %scan3A_48 step %scan3A_49 iter_args(%scan3A_66 = %scan3A_45) -> (i32)  : i32 {
      %mul3A_67 = arith.constant 8 : i32
      %mul3A_68 = arith.muli %scan3A_65, %mul3A_67 : i32
      %add3A_69 = arith.constant 0 : i32
      %add3A_70 = arith.addi %mul3A_68, %add3A_69 : i32
      %dma_start3A = arith.constant 0 : i32
      %dma_start3A_71 = tpu.memref_slice %arg4[%add3A_70, %dma_start3A] : memref<40x128xi32, #tpu.memory_space<vmem>> -> memref<1x128xi32, #tpu.memory_space<vmem>>
      %dma_start3A_72 = tpu.memref_squeeze %dma_start3A_71 : memref<1x128xi32, #tpu.memory_space<vmem>> -> memref<128xi32, #tpu.memory_space<vmem>>
      %dma_start3A_73 = arith.constant 0 : i32
      %dma_start3A_74 = arith.constant 0 : i32
      %dma_start3A_75 = tpu.memref_slice %arg6[%dma_start3A_73, %dma_start3A_74] : memref<10128x128xf32, #tpu.memory_space<vmem_shared>> -> memref<10128x128xf32, #tpu.memory_space<vmem_shared>>
      tpu.enqueue_indirect_dma source(%arg5 : memref<128x128xf32, #tpu.memory_space<vmem>>) target(%dma_start3A_75 : memref<10128x128xf32, #tpu.memory_space<vmem_shared>>) offsets(%dma_start3A_72 : memref<128xi32, #tpu.memory_space<vmem>>) semaphore(%arg7 : memref<!tpu.dma_semaphore, #tpu.memory_space<semaphore_mem>>) {add = true}
      %mul3A_76 = arith.constant 8 : i32
      %mul3A_77 = arith.muli %scan3A_65, %mul3A_76 : i32
      %add3A_78 = arith.constant 1 : i32
      %add3A_79 = arith.addi %mul3A_77, %add3A_78 : i32
      %dma_start3A_80 = arith.constant 0 : i32
      %dma_start3A_81 = tpu.memref_slice %arg4[%add3A_79, %dma_start3A_80] : memref<40x128xi32, #tpu.memory_space<vmem>> -> memref<1x128xi32, #tpu.memory_space<vmem>>
      %dma_start3A_82 = tpu.memref_squeeze %dma_start3A_81 : memref<1x128xi32, #tpu.memory_space<vmem>> -> memref<128xi32, #tpu.memory_space<vmem>>
      %dma_start3A_83 = arith.constant 0 : i32
      %dma_start3A_84 = arith.constant 0 : i32
      %dma_start3A_85 = tpu.memref_slice %arg6[%dma_start3A_83, %dma_start3A_84] : memref<10128x128xf32, #tpu.memory_space<vmem_shared>> -> memref<10128x128xf32, #tpu.memory_space<vmem_shared>>
      tpu.enqueue_indirect_dma source(%arg5 : memref<128x128xf32, #tpu.memory_space<vmem>>) target(%dma_start3A_85 : memref<10128x128xf32, #tpu.memory_space<vmem_shared>>) offsets(%dma_start3A_82 : memref<128xi32, #tpu.memory_space<vmem>>) semaphore(%arg7 : memref<!tpu.dma_semaphore, #tpu.memory_space<semaphore_mem>>) {add = true}
      %mul3A_86 = arith.constant 8 : i32
      %mul3A_87 = arith.muli %scan3A_65, %mul3A_86 : i32
      %add3A_88 = arith.constant 2 : i32
      %add3A_89 = arith.addi %mul3A_87, %add3A_88 : i32
      %dma_start3A_90 = arith.constant 0 : i32
      %dma_start3A_91 = tpu.memref_slice %arg4[%add3A_89, %dma_start3A_90] : memref<40x128xi32, #tpu.memory_space<vmem>> -> memref<1x128xi32, #tpu.memory_space<vmem>>
      %dma_start3A_92 = tpu.memref_squeeze %dma_start3A_91 : memref<1x128xi32, #tpu.memory_space<vmem>> -> memref<128xi32, #tpu.memory_space<vmem>>
      %dma_start3A_93 = arith.constant 0 : i32
      %dma_start3A_94 = arith.constant 0 : i32
      %dma_start3A_95 = tpu.memref_slice %arg6[%dma_start3A_93, %dma_start3A_94] : memref<10128x128xf32, #tpu.memory_space<vmem_shared>> -> memref<10128x128xf32, #tpu.memory_space<vmem_shared>>
      tpu.enqueue_indirect_dma source(%arg5 : memref<128x128xf32, #tpu.memory_space<vmem>>) target(%dma_start3A_95 : memref<10128x128xf32, #tpu.memory_space<vmem_shared>>) offsets(%dma_start3A_92 : memref<128xi32, #tpu.memory_space<vmem>>) semaphore(%arg7 : memref<!tpu.dma_semaphore, #tpu.memory_space<semaphore_mem>>) {add = true}
      %mul3A_96 = arith.constant 8 : i32
      %mul3A_97 = arith.muli %scan3A_65, %mul3A_96 : i32
      %add3A_98 = arith.constant 3 : i32
      %add3A_99 = arith.addi %mul3A_97, %add3A_98 : i32
      %dma_start3A_100 = arith.constant 0 : i32
      %dma_start3A_101 = tpu.memref_slice %arg4[%add3A_99, %dma_start3A_100] : memref<40x128xi32, #tpu.memory_space<vmem>> -> memref<1x128xi32, #tpu.memory_space<vmem>>
      %dma_start3A_102 = tpu.memref_squeeze %dma_start3A_101 : memref<1x128xi32, #tpu.memory_space<vmem>> -> memref<128xi32, #tpu.memory_space<vmem>>
      %dma_start3A_103 = arith.constant 0 : i32
      %dma_start3A_104 = arith.constant 0 : i32
      %dma_start3A_105 = tpu.memref_slice %arg6[%dma_start3A_103, %dma_start3A_104] : memref<10128x128xf32, #tpu.memory_space<vmem_shared>> -> memref<10128x128xf32, #tpu.memory_space<vmem_shared>>
      tpu.enqueue_indirect_dma source(%arg5 : memref<128x128xf32, #tpu.memory_space<vmem>>) target(%dma_start3A_105 : memref<10128x128xf32, #tpu.memory_space<vmem_shared>>) offsets(%dma_start3A_102 : memref<128xi32, #tpu.memory_space<vmem>>) semaphore(%arg7 : memref<!tpu.dma_semaphore, #tpu.memory_space<semaphore_mem>>) {add = true}
      %mul3A_106 = arith.constant 8 : i32
      %mul3A_107 = arith.muli %scan3A_65, %mul3A_106 : i32
      %add3A_108 = arith.constant 4 : i32
      %add3A_109 = arith.addi %mul3A_107, %add3A_108 : i32
      %dma_start3A_110 = arith.constant 0 : i32
      %dma_start3A_111 = tpu.memref_slice %arg4[%add3A_109, %dma_start3A_110] : memref<40x128xi32, #tpu.memory_space<vmem>> -> memref<1x128xi32, #tpu.memory_space<vmem>>
      %dma_start3A_112 = tpu.memref_squeeze %dma_start3A_111 : memref<1x128xi32, #tpu.memory_space<vmem>> -> memref<128xi32, #tpu.memory_space<vmem>>
      %dma_start3A_113 = arith.constant 0 : i32
      %dma_start3A_114 = arith.constant 0 : i32
      %dma_start3A_115 = tpu.memref_slice %arg6[%dma_start3A_113, %dma_start3A_114] : memref<10128x128xf32, #tpu.memory_space<vmem_shared>> -> memref<10128x128xf32, #tpu.memory_space<vmem_shared>>
      tpu.enqueue_indirect_dma source(%arg5 : memref<128x128xf32, #tpu.memory_space<vmem>>) target(%dma_start3A_115 : memref<10128x128xf32, #tpu.memory_space<vmem_shared>>) offsets(%dma_start3A_112 : memref<128xi32, #tpu.memory_space<vmem>>) semaphore(%arg7 : memref<!tpu.dma_semaphore, #tpu.memory_space<semaphore_mem>>) {add = true}
      %mul3A_116 = arith.constant 8 : i32
      %mul3A_117 = arith.muli %scan3A_65, %mul3A_116 : i32
      %add3A_118 = arith.constant 5 : i32
      %add3A_119 = arith.addi %mul3A_117, %add3A_118 : i32
      %dma_start3A_120 = arith.constant 0 : i32
      %dma_start3A_121 = tpu.memref_slice %arg4[%add3A_119, %dma_start3A_120] : memref<40x128xi32, #tpu.memory_space<vmem>> -> memref<1x128xi32, #tpu.memory_space<vmem>>
      %dma_start3A_122 = tpu.memref_squeeze %dma_start3A_121 : memref<1x128xi32, #tpu.memory_space<vmem>> -> memref<128xi32, #tpu.memory_space<vmem>>
      %dma_start3A_123 = arith.constant 0 : i32
      %dma_start3A_124 = arith.constant 0 : i32
      %dma_start3A_125 = tpu.memref_slice %arg6[%dma_start3A_123, %dma_start3A_124] : memref<10128x128xf32, #tpu.memory_space<vmem_shared>> -> memref<10128x128xf32, #tpu.memory_space<vmem_shared>>
      tpu.enqueue_indirect_dma source(%arg5 : memref<128x128xf32, #tpu.memory_space<vmem>>) target(%dma_start3A_125 : memref<10128x128xf32, #tpu.memory_space<vmem_shared>>) offsets(%dma_start3A_122 : memref<128xi32, #tpu.memory_space<vmem>>) semaphore(%arg7 : memref<!tpu.dma_semaphore, #tpu.memory_space<semaphore_mem>>) {add = true}
      %mul3A_126 = arith.constant 8 : i32
      %mul3A_127 = arith.muli %scan3A_65, %mul3A_126 : i32
      %add3A_128 = arith.constant 6 : i32
      %add3A_129 = arith.addi %mul3A_127, %add3A_128 : i32
      %dma_start3A_130 = arith.constant 0 : i32
      %dma_start3A_131 = tpu.memref_slice %arg4[%add3A_129, %dma_start3A_130] : memref<40x128xi32, #tpu.memory_space<vmem>> -> memref<1x128xi32, #tpu.memory_space<vmem>>
      %dma_start3A_132 = tpu.memref_squeeze %dma_start3A_131 : memref<1x128xi32, #tpu.memory_space<vmem>> -> memref<128xi32, #tpu.memory_space<vmem>>
      %dma_start3A_133 = arith.constant 0 : i32
      %dma_start3A_134 = arith.constant 0 : i32
      %dma_start3A_135 = tpu.memref_slice %arg6[%dma_start3A_133, %dma_start3A_134] : memref<10128x128xf32, #tpu.memory_space<vmem_shared>> -> memref<10128x128xf32, #tpu.memory_space<vmem_shared>>
      tpu.enqueue_indirect_dma source(%arg5 : memref<128x128xf32, #tpu.memory_space<vmem>>) target(%dma_start3A_135 : memref<10128x128xf32, #tpu.memory_space<vmem_shared>>) offsets(%dma_start3A_132 : memref<128xi32, #tpu.memory_space<vmem>>) semaphore(%arg7 : memref<!tpu.dma_semaphore, #tpu.memory_space<semaphore_mem>>) {add = true}
      %mul3A_136 = arith.constant 8 : i32
      %mul3A_137 = arith.muli %scan3A_65, %mul3A_136 : i32
      %add3A_138 = arith.constant 7 : i32
      %add3A_139 = arith.addi %mul3A_137, %add3A_138 : i32
      %dma_start3A_140 = arith.constant 0 : i32
      %dma_start3A_141 = tpu.memref_slice %arg4[%add3A_139, %dma_start3A_140] : memref<40x128xi32, #tpu.memory_space<vmem>> -> memref<1x128xi32, #tpu.memory_space<vmem>>
      %dma_start3A_142 = tpu.memref_squeeze %dma_start3A_141 : memref<1x128xi32, #tpu.memory_space<vmem>> -> memref<128xi32, #tpu.memory_space<vmem>>
      %dma_start3A_143 = arith.constant 0 : i32
      %dma_start3A_144 = arith.constant 0 : i32
      %dma_start3A_145 = tpu.memref_slice %arg6[%dma_start3A_143, %dma_start3A_144] : memref<10128x128xf32, #tpu.memory_space<vmem_shared>> -> memref<10128x128xf32, #tpu.memory_space<vmem_shared>>
      tpu.enqueue_indirect_dma source(%arg5 : memref<128x128xf32, #tpu.memory_space<vmem>>) target(%dma_start3A_145 : memref<10128x128xf32, #tpu.memory_space<vmem_shared>>) offsets(%dma_start3A_142 : memref<128xi32, #tpu.memory_space<vmem>>) semaphore(%arg7 : memref<!tpu.dma_semaphore, #tpu.memory_space<semaphore_mem>>) {add = true}
      %mul3A_146 = arith.constant 8 : i32
      %mul3A_147 = arith.muli %scan3A_65, %mul3A_146 : i32
      %dma_wait3A = arith.constant 0 : i32
      %dma_wait3A_148 = tpu.memref_slice %arg4[%mul3A_147, %dma_wait3A] : memref<40x128xi32, #tpu.memory_space<vmem>> -> memref<1x128xi32, #tpu.memory_space<vmem>>
      %dma_wait3A_149 = tpu.memref_squeeze %dma_wait3A_148 : memref<1x128xi32, #tpu.memory_space<vmem>> -> memref<128xi32, #tpu.memory_space<vmem>>
      %dma_wait3A_150 = arith.constant 0 : i32
      %dma_wait3A_151 = arith.constant 0 : i32
      %dma_wait3A_152 = tpu.memref_slice %arg6[%dma_wait3A_150, %dma_wait3A_151] : memref<10128x128xf32, #tpu.memory_space<vmem_shared>> -> memref<10128x128xf32, #tpu.memory_space<vmem_shared>>
      tpu.wait_indirect_dma semaphore(%arg7 : memref<!tpu.dma_semaphore, #tpu.memory_space<semaphore_mem>>) src(%arg5 : memref<128x128xf32, #tpu.memory_space<vmem>>) dst(%dma_wait3A_152 : memref<10128x128xf32, #tpu.memory_space<vmem_shared>>)
      %mul3A_153 = arith.constant 8 : i32
      %mul3A_154 = arith.muli %scan3A_65, %mul3A_153 : i32
      %dma_wait3A_155 = arith.constant 0 : i32
      %dma_wait3A_156 = tpu.memref_slice %arg4[%mul3A_154, %dma_wait3A_155] : memref<40x128xi32, #tpu.memory_space<vmem>> -> memref<1x128xi32, #tpu.memory_space<vmem>>
      %dma_wait3A_157 = tpu.memref_squeeze %dma_wait3A_156 : memref<1x128xi32, #tpu.memory_space<vmem>> -> memref<128xi32, #tpu.memory_space<vmem>>
      %dma_wait3A_158 = arith.constant 0 : i32
      %dma_wait3A_159 = arith.constant 0 : i32
      %dma_wait3A_160 = tpu.memref_slice %arg6[%dma_wait3A_158, %dma_wait3A_159] : memref<10128x128xf32, #tpu.memory_space<vmem_shared>> -> memref<10128x128xf32, #tpu.memory_space<vmem_shared>>
      tpu.wait_indirect_dma semaphore(%arg7 : memref<!tpu.dma_semaphore, #tpu.memory_space<semaphore_mem>>) src(%arg5 : memref<128x128xf32, #tpu.memory_space<vmem>>) dst(%dma_wait3A_160 : memref<10128x128xf32, #tpu.memory_space<vmem_shared>>)
      %mul3A_161 = arith.constant 8 : i32
      %mul3A_162 = arith.muli %scan3A_65, %mul3A_161 : i32
      %dma_wait3A_163 = arith.constant 0 : i32
      %dma_wait3A_164 = tpu.memref_slice %arg4[%mul3A_162, %dma_wait3A_163] : memref<40x128xi32, #tpu.memory_space<vmem>> -> memref<1x128xi32, #tpu.memory_space<vmem>>
      %dma_wait3A_165 = tpu.memref_squeeze %dma_wait3A_164 : memref<1x128xi32, #tpu.memory_space<vmem>> -> memref<128xi32, #tpu.memory_space<vmem>>
      %dma_wait3A_166 = arith.constant 0 : i32
      %dma_wait3A_167 = arith.constant 0 : i32
      %dma_wait3A_168 = tpu.memref_slice %arg6[%dma_wait3A_166, %dma_wait3A_167] : memref<10128x128xf32, #tpu.memory_space<vmem_shared>> -> memref<10128x128xf32, #tpu.memory_space<vmem_shared>>
      tpu.wait_indirect_dma semaphore(%arg7 : memref<!tpu.dma_semaphore, #tpu.memory_space<semaphore_mem>>) src(%arg5 : memref<128x128xf32, #tpu.memory_space<vmem>>) dst(%dma_wait3A_168 : memref<10128x128xf32, #tpu.memory_space<vmem_shared>>)
      %mul3A_169 = arith.constant 8 : i32
      %mul3A_170 = arith.muli %scan3A_65, %mul3A_169 : i32
      %dma_wait3A_171 = arith.constant 0 : i32
      %dma_wait3A_172 = tpu.memref_slice %arg4[%mul3A_170, %dma_wait3A_171] : memref<40x128xi32, #tpu.memory_space<vmem>> -> memref<1x128xi32, #tpu.memory_space<vmem>>
      %dma_wait3A_173 = tpu.memref_squeeze %dma_wait3A_172 : memref<1x128xi32, #tpu.memory_space<vmem>> -> memref<128xi32, #tpu.memory_space<vmem>>
      %dma_wait3A_174 = arith.constant 0 : i32
      %dma_wait3A_175 = arith.constant 0 : i32
      %dma_wait3A_176 = tpu.memref_slice %arg6[%dma_wait3A_174, %dma_wait3A_175] : memref<10128x128xf32, #tpu.memory_space<vmem_shared>> -> memref<10128x128xf32, #tpu.memory_space<vmem_shared>>
      tpu.wait_indirect_dma semaphore(%arg7 : memref<!tpu.dma_semaphore, #tpu.memory_space<semaphore_mem>>) src(%arg5 : memref<128x128xf32, #tpu.memory_space<vmem>>) dst(%dma_wait3A_176 : memref<10128x128xf32, #tpu.memory_space<vmem_shared>>)
      %mul3A_177 = arith.constant 8 : i32
      %mul3A_178 = arith.muli %scan3A_65, %mul3A_177 : i32
      %dma_wait3A_179 = arith.constant 0 : i32
      %dma_wait3A_180 = tpu.memref_slice %arg4[%mul3A_178, %dma_wait3A_179] : memref<40x128xi32, #tpu.memory_space<vmem>> -> memref<1x128xi32, #tpu.memory_space<vmem>>
      %dma_wait3A_181 = tpu.memref_squeeze %dma_wait3A_180 : memref<1x128xi32, #tpu.memory_space<vmem>> -> memref<128xi32, #tpu.memory_space<vmem>>
      %dma_wait3A_182 = arith.constant 0 : i32
      %dma_wait3A_183 = arith.constant 0 : i32
      %dma_wait3A_184 = tpu.memref_slice %arg6[%dma_wait3A_182, %dma_wait3A_183] : memref<10128x128xf32, #tpu.memory_space<vmem_shared>> -> memref<10128x128xf32, #tpu.memory_space<vmem_shared>>
      tpu.wait_indirect_dma semaphore(%arg7 : memref<!tpu.dma_semaphore, #tpu.memory_space<semaphore_mem>>) src(%arg5 : memref<128x128xf32, #tpu.memory_space<vmem>>) dst(%dma_wait3A_184 : memref<10128x128xf32, #tpu.memory_space<vmem_shared>>)
      %mul3A_185 = arith.constant 8 : i32
      %mul3A_186 = arith.muli %scan3A_65, %mul3A_185 : i32
      %dma_wait3A_187 = arith.constant 0 : i32
      %dma_wait3A_188 = tpu.memref_slice %arg4[%mul3A_186, %dma_wait3A_187] : memref<40x128xi32, #tpu.memory_space<vmem>> -> memref<1x128xi32, #tpu.memory_space<vmem>>
      %dma_wait3A_189 = tpu.memref_squeeze %dma_wait3A_188 : memref<1x128xi32, #tpu.memory_space<vmem>> -> memref<128xi32, #tpu.memory_space<vmem>>
      %dma_wait3A_190 = arith.constant 0 : i32
      %dma_wait3A_191 = arith.constant 0 : i32
      %dma_wait3A_192 = tpu.memref_slice %arg6[%dma_wait3A_190, %dma_wait3A_191] : memref<10128x128xf32, #tpu.memory_space<vmem_shared>> -> memref<10128x128xf32, #tpu.memory_space<vmem_shared>>
      tpu.wait_indirect_dma semaphore(%arg7 : memref<!tpu.dma_semaphore, #tpu.memory_space<semaphore_mem>>) src(%arg5 : memref<128x128xf32, #tpu.memory_space<vmem>>) dst(%dma_wait3A_192 : memref<10128x128xf32, #tpu.memory_space<vmem_shared>>)
      %mul3A_193 = arith.constant 8 : i32
      %mul3A_194 = arith.muli %scan3A_65, %mul3A_193 : i32
      %dma_wait3A_195 = arith.constant 0 : i32
      %dma_wait3A_196 = tpu.memref_slice %arg4[%mul3A_194, %dma_wait3A_195] : memref<40x128xi32, #tpu.memory_space<vmem>> -> memref<1x128xi32, #tpu.memory_space<vmem>>
      %dma_wait3A_197 = tpu.memref_squeeze %dma_wait3A_196 : memref<1x128xi32, #tpu.memory_space<vmem>> -> memref<128xi32, #tpu.memory_space<vmem>>
      %dma_wait3A_198 = arith.constant 0 : i32
      %dma_wait3A_199 = arith.constant 0 : i32
      %dma_wait3A_200 = tpu.memref_slice %arg6[%dma_wait3A_198, %dma_wait3A_199] : memref<10128x128xf32, #tpu.memory_space<vmem_shared>> -> memref<10128x128xf32, #tpu.memory_space<vmem_shared>>
      tpu.wait_indirect_dma semaphore(%arg7 : memref<!tpu.dma_semaphore, #tpu.memory_space<semaphore_mem>>) src(%arg5 : memref<128x128xf32, #tpu.memory_space<vmem>>) dst(%dma_wait3A_200 : memref<10128x128xf32, #tpu.memory_space<vmem_shared>>)
      %mul3A_201 = arith.constant 8 : i32
      %mul3A_202 = arith.muli %scan3A_65, %mul3A_201 : i32
      %dma_wait3A_203 = arith.constant 0 : i32
      %dma_wait3A_204 = tpu.memref_slice %arg4[%mul3A_202, %dma_wait3A_203] : memref<40x128xi32, #tpu.memory_space<vmem>> -> memref<1x128xi32, #tpu.memory_space<vmem>>
      %dma_wait3A_205 = tpu.memref_squeeze %dma_wait3A_204 : memref<1x128xi32, #tpu.memory_space<vmem>> -> memref<128xi32, #tpu.memory_space<vmem>>
      %dma_wait3A_206 = arith.constant 0 : i32
      %dma_wait3A_207 = arith.constant 0 : i32
      %dma_wait3A_208 = tpu.memref_slice %arg6[%dma_wait3A_206, %dma_wait3A_207] : memref<10128x128xf32, #tpu.memory_space<vmem_shared>> -> memref<10128x128xf32, #tpu.memory_space<vmem_shared>>
      tpu.wait_indirect_dma semaphore(%arg7 : memref<!tpu.dma_semaphore, #tpu.memory_space<semaphore_mem>>) src(%arg5 : memref<128x128xf32, #tpu.memory_space<vmem>>) dst(%dma_wait3A_208 : memref<10128x128xf32, #tpu.memory_space<vmem_shared>>)
      %scan3A_209 = arith.constant 0 : i32
      scf.yield %scan3A_209 : i32
    }
    %scan3A_51 = arith.constant 5 : i32
    %barrier3A_52 = arith.constant 0 : index
    tpu.barrier barrier_id(%barrier3A_52)
    %mul3A_53 = arith.constant 624 : i32
    %mul3A_54 = arith.muli %arg1, %mul3A_53 : i32
    %mul3A_55 = arith.constant 10000 : i32
    %mul3A_56 = arith.muli %arg0, %mul3A_55 : i32
    %mul3A_57 = arith.constant 624 : i32
    %mul3A_58 = arith.muli %arg1, %mul3A_57 : i32
    %add3A_59 = arith.addi %mul3A_56, %mul3A_58 : i32
    "tpu.region"() ({
      %run_scoped3A = tpu.sem_alloc : memref<!tpu.dma_semaphore, #tpu.memory_space<semaphore_mem>>
      %dma_start3A = arith.constant 0 : i32
      %dma_start3A_65 = tpu.memref_slice %arg3[%add3A_59, %dma_start3A] : memref<20000x128xf32, #tpu.memory_space<hbm>> -> memref<624x128xf32, #tpu.memory_space<hbm>>
      %dma_start3A_66 = arith.constant 0 : i32
      %dma_start3A_67 = tpu.memref_slice %arg6[%mul3A_54, %dma_start3A_66] : memref<10128x128xf32, #tpu.memory_space<vmem_shared>> -> memref<624x128xf32, #tpu.memory_space<vmem_shared>>
      tpu.enqueue_dma source(%dma_start3A_67 : memref<624x128xf32, #tpu.memory_space<vmem_shared>>) target(%dma_start3A_65 : memref<624x128xf32, #tpu.memory_space<hbm>>) target_semaphore(%run_scoped3A : memref<!tpu.dma_semaphore, #tpu.memory_space<semaphore_mem>>)
      %dma_wait3A = arith.constant 0 : i32
      %dma_wait3A_68 = tpu.memref_slice %arg3[%add3A_59, %dma_wait3A] : memref<20000x128xf32, #tpu.memory_space<hbm>> -> memref<624x128xf32, #tpu.memory_space<hbm>>
      %dma_wait3A_69 = arith.constant 0 : i32
      %dma_wait3A_70 = tpu.memref_slice %arg6[%mul3A_54, %dma_wait3A_69] : memref<10128x128xf32, #tpu.memory_space<vmem_shared>> -> memref<624x128xf32, #tpu.memory_space<vmem_shared>>
      tpu.wait_dma2 semaphore(%run_scoped3A : memref<!tpu.dma_semaphore, #tpu.memory_space<semaphore_mem>>) src(%dma_wait3A_70 : memref<624x128xf32, #tpu.memory_space<vmem_shared>>) dst(%dma_wait3A_68 : memref<624x128xf32, #tpu.memory_space<hbm>>)
      tpu.yield
    }) : () -> ()
    %eq3A_60 = arith.constant 0 : i32
    %eq3A_61 = arith.cmpi eq, %arg1, %eq3A_60 : i32
    %convert_element_type3A_62 = arith.extui %eq3A_61 : i1 to i32
    %cond3A_63 = arith.constant 0 : i32
    %cond3A_64 = arith.cmpi ne, %convert_element_type3A_62, %cond3A_63 : i32
    scf.if %cond3A_64 {
      %mul3A_65 = arith.constant 10000 : i32
      %mul3A_66 = arith.muli %arg0, %mul3A_65 : i32
      %add3A_67 = arith.constant 9984 : i32
      %add3A_68 = arith.addi %mul3A_66, %add3A_67 : i32
      "tpu.region"() ({
        %run_scoped3A = tpu.sem_alloc : memref<!tpu.dma_semaphore, #tpu.memory_space<semaphore_mem>>
        %dma_start3A = arith.constant 0 : i32
        %dma_start3A_69 = tpu.memref_slice %arg3[%add3A_68, %dma_start3A] : memref<20000x128xf32, #tpu.memory_space<hbm>> -> memref<16x128xf32, #tpu.memory_space<hbm>>
        %dma_start3A_70 = arith.constant 9984 : i32
        %dma_start3A_71 = arith.constant 0 : i32
        %dma_start3A_72 = tpu.memref_slice %arg6[%dma_start3A_70, %dma_start3A_71] : memref<10128x128xf32, #tpu.memory_space<vmem_shared>> -> memref<16x128xf32, #tpu.memory_space<vmem_shared>>
        tpu.enqueue_dma source(%dma_start3A_72 : memref<16x128xf32, #tpu.memory_space<vmem_shared>>) target(%dma_start3A_69 : memref<16x128xf32, #tpu.memory_space<hbm>>) target_semaphore(%run_scoped3A : memref<!tpu.dma_semaphore, #tpu.memory_space<semaphore_mem>>)
        %dma_wait3A = arith.constant 0 : i32
        %dma_wait3A_73 = tpu.memref_slice %arg3[%add3A_68, %dma_wait3A] : memref<20000x128xf32, #tpu.memory_space<hbm>> -> memref<16x128xf32, #tpu.memory_space<hbm>>
        %dma_wait3A_74 = arith.constant 9984 : i32
        %dma_wait3A_75 = arith.constant 0 : i32
        %dma_wait3A_76 = tpu.memref_slice %arg6[%dma_wait3A_74, %dma_wait3A_75] : memref<10128x128xf32, #tpu.memory_space<vmem_shared>> -> memref<16x128xf32, #tpu.memory_space<vmem_shared>>
        tpu.wait_dma2 semaphore(%run_scoped3A : memref<!tpu.dma_semaphore, #tpu.memory_space<semaphore_mem>>) src(%dma_wait3A_76 : memref<16x128xf32, #tpu.memory_space<vmem_shared>>) dst(%dma_wait3A_73 : memref<16x128xf32, #tpu.memory_space<hbm>>)
        tpu.yield
      }) : () -> ()
    } else {
    }
    return
  }
}

#map = affine_map<(d0, d1) -> (0, 0)>
#map1 = affine_map<(d0, d1) -> (0)>
module attributes {stable_mosaic.version = 14 : i64} {
  func.func @_sc_agg_body(%arg0: i32, %arg1: i32, %arg2: memref<20000x128xf32, #tpu.memory_space<hbm>>, %arg3: memref<320000xi32, #tpu.memory_space<hbm>>, %arg4: memref<160000xi32, #tpu.memory_space<hbm>>, %arg5: memref<20000x128xf32, #tpu.memory_space<hbm>>, %arg6: memref<128xi32, #tpu.memory_space<vmem>>, %arg7: memref<128xi32, #tpu.memory_space<vmem>>, %arg8: memref<128xi32, #tpu.memory_space<vmem>>, %arg9: memref<128xi32, #tpu.memory_space<vmem>>, %arg10: memref<128x128xf32, #tpu.memory_space<vmem>>, %arg11: memref<128x128xf32, #tpu.memory_space<vmem>>, %arg12: memref<10128x128xf32, #tpu.memory_space<vmem_shared>>, %arg13: memref<!tpu.dma_semaphore, #tpu.memory_space<semaphore_mem>>, %arg14: memref<!tpu.dma_semaphore, #tpu.memory_space<semaphore_mem>>, %arg15: memref<!tpu.dma_semaphore, #tpu.memory_space<semaphore_mem>>, %arg16: memref<!tpu.dma_semaphore, #tpu.memory_space<semaphore_mem>>) attributes {dimension_semantics = [#tpu.dimension_semantics<core_parallel>, #tpu.dimension_semantics<subcore_parallel>], iteration_bounds = array<i64: 2, 16>, scalar_prefetch = 0 : i64, scratch_operands = 11 : i64, tpu.core_type = #tpu.core_type<sc_vector_subcore>, window_params = [{transform_indices = #map}, {transform_indices = #map1}, {transform_indices = #map1}, {transform_indices = #map}]} {
    %broadcast_in_dim3A = arith.constant 0.000000e+00 : f32
    %broadcast_in_dim3A_0 = vector.broadcast %broadcast_in_dim3A : f32 to vector<16xf32>
    %scan3A = arith.constant 0 : i32
    %scan3A_1 = arith.constant 0 : i32
    %scan3A_2 = arith.constant 104 : i32
    %scan3A_3 = arith.addi %scan3A_1, %scan3A_2 : i32
    %scan3A_4 = arith.constant 1 : i32
    %scan3A_5 = scf.for %scan3A_86 = %scan3A_1 to %scan3A_3 step %scan3A_4 iter_args(%scan3A_87 = %scan3A) -> (i32)  : i32 {
      %swap3A = arith.index_cast %scan3A_86 : i32 to index
      %swap3A_88 = arith.constant 0 : index
      %swap3A_89 = tpu.vector_load %arg10[%swap3A, %swap3A_88] {strides = array<i32>} : memref<128x128xf32, #tpu.memory_space<vmem>>, vector<1x16xf32>,
      %swap3A_90 = vector.shape_cast %swap3A_89 : vector<1x16xf32> to vector<16xf32>
      %swap3A_91 = vector.shape_cast %broadcast_in_dim3A_0 : vector<16xf32> to vector<1x16xf32>
      tpu.vector_store %arg10[%swap3A, %swap3A_88], %swap3A_91 {strides = array<i32>} : memref<128x128xf32, #tpu.memory_space<vmem>>, vector<1x16xf32>,
      %swap3A_92 = arith.index_cast %scan3A_86 : i32 to index
      %swap3A_93 = arith.constant 16 : index
      %swap3A_94 = tpu.vector_load %arg10[%swap3A_92, %swap3A_93] {strides = array<i32>} : memref<128x128xf32, #tpu.memory_space<vmem>>, vector<1x16xf32>,
      %swap3A_95 = vector.shape_cast %swap3A_94 : vector<1x16xf32> to vector<16xf32>
      %swap3A_96 = vector.shape_cast %broadcast_in_dim3A_0 : vector<16xf32> to vector<1x16xf32>
      tpu.vector_store %arg10[%swap3A_92, %swap3A_93], %swap3A_96 {strides = array<i32>} : memref<128x128xf32, #tpu.memory_space<vmem>>, vector<1x16xf32>,
      %swap3A_97 = arith.index_cast %scan3A_86 : i32 to index
      %swap3A_98 = arith.constant 32 : index
      %swap3A_99 = tpu.vector_load %arg10[%swap3A_97, %swap3A_98] {strides = array<i32>} : memref<128x128xf32, #tpu.memory_space<vmem>>, vector<1x16xf32>,
      %swap3A_100 = vector.shape_cast %swap3A_99 : vector<1x16xf32> to vector<16xf32>
      %swap3A_101 = vector.shape_cast %broadcast_in_dim3A_0 : vector<16xf32> to vector<1x16xf32>
      tpu.vector_store %arg10[%swap3A_97, %swap3A_98], %swap3A_101 {strides = array<i32>} : memref<128x128xf32, #tpu.memory_space<vmem>>, vector<1x16xf32>,
      %swap3A_102 = arith.index_cast %scan3A_86 : i32 to index
      %swap3A_103 = arith.constant 48 : index
      %swap3A_104 = tpu.vector_load %arg10[%swap3A_102, %swap3A_103] {strides = array<i32>} : memref<128x128xf32, #tpu.memory_space<vmem>>, vector<1x16xf32>,
      %swap3A_105 = vector.shape_cast %swap3A_104 : vector<1x16xf32> to vector<16xf32>
      %swap3A_106 = vector.shape_cast %broadcast_in_dim3A_0 : vector<16xf32> to vector<1x16xf32>
      tpu.vector_store %arg10[%swap3A_102, %swap3A_103], %swap3A_106 {strides = array<i32>} : memref<128x128xf32, #tpu.memory_space<vmem>>, vector<1x16xf32>,
      %swap3A_107 = arith.index_cast %scan3A_86 : i32 to index
      %swap3A_108 = arith.constant 64 : index
      %swap3A_109 = tpu.vector_load %arg10[%swap3A_107, %swap3A_108] {strides = array<i32>} : memref<128x128xf32, #tpu.memory_space<vmem>>, vector<1x16xf32>,
      %swap3A_110 = vector.shape_cast %swap3A_109 : vector<1x16xf32> to vector<16xf32>
      %swap3A_111 = vector.shape_cast %broadcast_in_dim3A_0 : vector<16xf32> to vector<1x16xf32>
      tpu.vector_store %arg10[%swap3A_107, %swap3A_108], %swap3A_111 {strides = array<i32>} : memref<128x128xf32, #tpu.memory_space<vmem>>, vector<1x16xf32>,
      %swap3A_112 = arith.index_cast %scan3A_86 : i32 to index
      %swap3A_113 = arith.constant 80 : index
      %swap3A_114 = tpu.vector_load %arg10[%swap3A_112, %swap3A_113] {strides = array<i32>} : memref<128x128xf32, #tpu.memory_space<vmem>>, vector<1x16xf32>,
      %swap3A_115 = vector.shape_cast %swap3A_114 : vector<1x16xf32> to vector<16xf32>
      %swap3A_116 = vector.shape_cast %broadcast_in_dim3A_0 : vector<16xf32> to vector<1x16xf32>
      tpu.vector_store %arg10[%swap3A_112, %swap3A_113], %swap3A_116 {strides = array<i32>} : memref<128x128xf32, #tpu.memory_space<vmem>>, vector<1x16xf32>,
      %swap3A_117 = arith.index_cast %scan3A_86 : i32 to index
      %swap3A_118 = arith.constant 96 : index
      %swap3A_119 = tpu.vector_load %arg10[%swap3A_117, %swap3A_118] {strides = array<i32>} : memref<128x128xf32, #tpu.memory_space<vmem>>, vector<1x16xf32>,
      %swap3A_120 = vector.shape_cast %swap3A_119 : vector<1x16xf32> to vector<16xf32>
      %swap3A_121 = vector.shape_cast %broadcast_in_dim3A_0 : vector<16xf32> to vector<1x16xf32>
      tpu.vector_store %arg10[%swap3A_117, %swap3A_118], %swap3A_121 {strides = array<i32>} : memref<128x128xf32, #tpu.memory_space<vmem>>, vector<1x16xf32>,
      %swap3A_122 = arith.index_cast %scan3A_86 : i32 to index
      %swap3A_123 = arith.constant 112 : index
      %swap3A_124 = tpu.vector_load %arg10[%swap3A_122, %swap3A_123] {strides = array<i32>} : memref<128x128xf32, #tpu.memory_space<vmem>>, vector<1x16xf32>,
      %swap3A_125 = vector.shape_cast %swap3A_124 : vector<1x16xf32> to vector<16xf32>
      %swap3A_126 = vector.shape_cast %broadcast_in_dim3A_0 : vector<16xf32> to vector<1x16xf32>
      tpu.vector_store %arg10[%swap3A_122, %swap3A_123], %swap3A_126 {strides = array<i32>} : memref<128x128xf32, #tpu.memory_space<vmem>>, vector<1x16xf32>,
      %scan3A_127 = arith.constant 0 : i32
      scf.yield %scan3A_127 : i32
    }
    %scan3A_6 = arith.constant 104 : i32
    %mul3A = arith.constant 624 : i32
    %mul3A_7 = arith.muli %arg1, %mul3A : i32
    %add3A = arith.constant 0 : i32
    %add3A_8 = arith.addi %mul3A_7, %add3A : i32
    "tpu.region"() ({
      %run_scoped3A = tpu.sem_alloc : memref<!tpu.dma_semaphore, #tpu.memory_space<semaphore_mem>>
      %dma_start3A_86 = arith.constant 0 : i32
      %dma_start3A_87 = arith.constant 0 : i32
      %dma_start3A_88 = tpu.memref_slice %arg10[%dma_start3A_86, %dma_start3A_87] : memref<128x128xf32, #tpu.memory_space<vmem>> -> memref<104x128xf32, #tpu.memory_space<vmem>>
      %dma_start3A_89 = arith.constant 0 : i32
      %dma_start3A_90 = tpu.memref_slice %arg12[%add3A_8, %dma_start3A_89] : memref<10128x128xf32, #tpu.memory_space<vmem_shared>> -> memref<104x128xf32, #tpu.memory_space<vmem_shared>>
      %dma_start3A_91 = arith.constant 0 : i32
      %dma_start3A_92 = tpu.memref_slice %arg12[%add3A_8, %dma_start3A_91] : memref<10128x128xf32, #tpu.memory_space<vmem_shared>> -> memref<104x128xf32, #tpu.memory_space<vmem_shared>>
      %dma_start3A_93 = arith.constant 0 : i32
      %dma_start3A_94 = arith.constant 0 : i32
      %dma_start3A_95 = tpu.memref_slice %arg10[%dma_start3A_93, %dma_start3A_94] : memref<128x128xf32, #tpu.memory_space<vmem>> -> memref<104x128xf32, #tpu.memory_space<vmem>>
      tpu.enqueue_dma source(%dma_start3A_95 : memref<104x128xf32, #tpu.memory_space<vmem>>) target(%dma_start3A_92 : memref<104x128xf32, #tpu.memory_space<vmem_shared>>) target_semaphore(%run_scoped3A : memref<!tpu.dma_semaphore, #tpu.memory_space<semaphore_mem>>)
      %dma_wait3A_96 = arith.constant 0 : i32
      %dma_wait3A_97 = arith.constant 0 : i32
      %dma_wait3A_98 = tpu.memref_slice %arg10[%dma_wait3A_96, %dma_wait3A_97] : memref<128x128xf32, #tpu.memory_space<vmem>> -> memref<104x128xf32, #tpu.memory_space<vmem>>
      %dma_wait3A_99 = arith.constant 0 : i32
      %dma_wait3A_100 = tpu.memref_slice %arg12[%add3A_8, %dma_wait3A_99] : memref<10128x128xf32, #tpu.memory_space<vmem_shared>> -> memref<104x128xf32, #tpu.memory_space<vmem_shared>>
      %dma_wait3A_101 = arith.constant 0 : i32
      %dma_wait3A_102 = tpu.memref_slice %arg12[%add3A_8, %dma_wait3A_101] : memref<10128x128xf32, #tpu.memory_space<vmem_shared>> -> memref<104x128xf32, #tpu.memory_space<vmem_shared>>
      %dma_wait3A_103 = arith.constant 0 : i32
      %dma_wait3A_104 = arith.constant 0 : i32
      %dma_wait3A_105 = tpu.memref_slice %arg10[%dma_wait3A_103, %dma_wait3A_104] : memref<128x128xf32, #tpu.memory_space<vmem>> -> memref<104x128xf32, #tpu.memory_space<vmem>>
      tpu.wait_dma2 semaphore(%run_scoped3A : memref<!tpu.dma_semaphore, #tpu.memory_space<semaphore_mem>>) src(%dma_wait3A_105 : memref<104x128xf32, #tpu.memory_space<vmem>>) dst(%dma_wait3A_102 : memref<104x128xf32, #tpu.memory_space<vmem_shared>>)
      tpu.yield
    }) : () -> ()
    %mul3A_9 = arith.constant 624 : i32
    %mul3A_10 = arith.muli %arg1, %mul3A_9 : i32
    %add3A_11 = arith.constant 104 : i32
    %add3A_12 = arith.addi %mul3A_10, %add3A_11 : i32
    "tpu.region"() ({
      %run_scoped3A = tpu.sem_alloc : memref<!tpu.dma_semaphore, #tpu.memory_space<semaphore_mem>>
      %dma_start3A_86 = arith.constant 0 : i32
      %dma_start3A_87 = arith.constant 0 : i32
      %dma_start3A_88 = tpu.memref_slice %arg10[%dma_start3A_86, %dma_start3A_87] : memref<128x128xf32, #tpu.memory_space<vmem>> -> memref<104x128xf32, #tpu.memory_space<vmem>>
      %dma_start3A_89 = arith.constant 0 : i32
      %dma_start3A_90 = tpu.memref_slice %arg12[%add3A_12, %dma_start3A_89] : memref<10128x128xf32, #tpu.memory_space<vmem_shared>> -> memref<104x128xf32, #tpu.memory_space<vmem_shared>>
      %dma_start3A_91 = arith.constant 0 : i32
      %dma_start3A_92 = tpu.memref_slice %arg12[%add3A_12, %dma_start3A_91] : memref<10128x128xf32, #tpu.memory_space<vmem_shared>> -> memref<104x128xf32, #tpu.memory_space<vmem_shared>>
      %dma_start3A_93 = arith.constant 0 : i32
      %dma_start3A_94 = arith.constant 0 : i32
      %dma_start3A_95 = tpu.memref_slice %arg10[%dma_start3A_93, %dma_start3A_94] : memref<128x128xf32, #tpu.memory_space<vmem>> -> memref<104x128xf32, #tpu.memory_space<vmem>>
      tpu.enqueue_dma source(%dma_start3A_95 : memref<104x128xf32, #tpu.memory_space<vmem>>) target(%dma_start3A_92 : memref<104x128xf32, #tpu.memory_space<vmem_shared>>) target_semaphore(%run_scoped3A : memref<!tpu.dma_semaphore, #tpu.memory_space<semaphore_mem>>)
      %dma_wait3A_96 = arith.constant 0 : i32
      %dma_wait3A_97 = arith.constant 0 : i32
      %dma_wait3A_98 = tpu.memref_slice %arg10[%dma_wait3A_96, %dma_wait3A_97] : memref<128x128xf32, #tpu.memory_space<vmem>> -> memref<104x128xf32, #tpu.memory_space<vmem>>
      %dma_wait3A_99 = arith.constant 0 : i32
      %dma_wait3A_100 = tpu.memref_slice %arg12[%add3A_12, %dma_wait3A_99] : memref<10128x128xf32, #tpu.memory_space<vmem_shared>> -> memref<104x128xf32, #tpu.memory_space<vmem_shared>>
      %dma_wait3A_101 = arith.constant 0 : i32
      %dma_wait3A_102 = tpu.memref_slice %arg12[%add3A_12, %dma_wait3A_101] : memref<10128x128xf32, #tpu.memory_space<vmem_shared>> -> memref<104x128xf32, #tpu.memory_space<vmem_shared>>
      %dma_wait3A_103 = arith.constant 0 : i32
      %dma_wait3A_104 = arith.constant 0 : i32
      %dma_wait3A_105 = tpu.memref_slice %arg10[%dma_wait3A_103, %dma_wait3A_104] : memref<128x128xf32, #tpu.memory_space<vmem>> -> memref<104x128xf32, #tpu.memory_space<vmem>>
      tpu.wait_dma2 semaphore(%run_scoped3A : memref<!tpu.dma_semaphore, #tpu.memory_space<semaphore_mem>>) src(%dma_wait3A_105 : memref<104x128xf32, #tpu.memory_space<vmem>>) dst(%dma_wait3A_102 : memref<104x128xf32, #tpu.memory_space<vmem_shared>>)
      tpu.yield
    }) : () -> ()
    %mul3A_13 = arith.constant 624 : i32
    %mul3A_14 = arith.muli %arg1, %mul3A_13 : i32
    %add3A_15 = arith.constant 208 : i32
    %add3A_16 = arith.addi %mul3A_14, %add3A_15 : i32
    "tpu.region"() ({
      %run_scoped3A = tpu.sem_alloc : memref<!tpu.dma_semaphore, #tpu.memory_space<semaphore_mem>>
      %dma_start3A_86 = arith.constant 0 : i32
      %dma_start3A_87 = arith.constant 0 : i32
      %dma_start3A_88 = tpu.memref_slice %arg10[%dma_start3A_86, %dma_start3A_87] : memref<128x128xf32, #tpu.memory_space<vmem>> -> memref<104x128xf32, #tpu.memory_space<vmem>>
      %dma_start3A_89 = arith.constant 0 : i32
      %dma_start3A_90 = tpu.memref_slice %arg12[%add3A_16, %dma_start3A_89] : memref<10128x128xf32, #tpu.memory_space<vmem_shared>> -> memref<104x128xf32, #tpu.memory_space<vmem_shared>>
      %dma_start3A_91 = arith.constant 0 : i32
      %dma_start3A_92 = tpu.memref_slice %arg12[%add3A_16, %dma_start3A_91] : memref<10128x128xf32, #tpu.memory_space<vmem_shared>> -> memref<104x128xf32, #tpu.memory_space<vmem_shared>>
      %dma_start3A_93 = arith.constant 0 : i32
      %dma_start3A_94 = arith.constant 0 : i32
      %dma_start3A_95 = tpu.memref_slice %arg10[%dma_start3A_93, %dma_start3A_94] : memref<128x128xf32, #tpu.memory_space<vmem>> -> memref<104x128xf32, #tpu.memory_space<vmem>>
      tpu.enqueue_dma source(%dma_start3A_95 : memref<104x128xf32, #tpu.memory_space<vmem>>) target(%dma_start3A_92 : memref<104x128xf32, #tpu.memory_space<vmem_shared>>) target_semaphore(%run_scoped3A : memref<!tpu.dma_semaphore, #tpu.memory_space<semaphore_mem>>)
      %dma_wait3A_96 = arith.constant 0 : i32
      %dma_wait3A_97 = arith.constant 0 : i32
      %dma_wait3A_98 = tpu.memref_slice %arg10[%dma_wait3A_96, %dma_wait3A_97] : memref<128x128xf32, #tpu.memory_space<vmem>> -> memref<104x128xf32, #tpu.memory_space<vmem>>
      %dma_wait3A_99 = arith.constant 0 : i32
      %dma_wait3A_100 = tpu.memref_slice %arg12[%add3A_16, %dma_wait3A_99] : memref<10128x128xf32, #tpu.memory_space<vmem_shared>> -> memref<104x128xf32, #tpu.memory_space<vmem_shared>>
      %dma_wait3A_101 = arith.constant 0 : i32
      %dma_wait3A_102 = tpu.memref_slice %arg12[%add3A_16, %dma_wait3A_101] : memref<10128x128xf32, #tpu.memory_space<vmem_shared>> -> memref<104x128xf32, #tpu.memory_space<vmem_shared>>
      %dma_wait3A_103 = arith.constant 0 : i32
      %dma_wait3A_104 = arith.constant 0 : i32
      %dma_wait3A_105 = tpu.memref_slice %arg10[%dma_wait3A_103, %dma_wait3A_104] : memref<128x128xf32, #tpu.memory_space<vmem>> -> memref<104x128xf32, #tpu.memory_space<vmem>>
      tpu.wait_dma2 semaphore(%run_scoped3A : memref<!tpu.dma_semaphore, #tpu.memory_space<semaphore_mem>>) src(%dma_wait3A_105 : memref<104x128xf32, #tpu.memory_space<vmem>>) dst(%dma_wait3A_102 : memref<104x128xf32, #tpu.memory_space<vmem_shared>>)
      tpu.yield
    }) : () -> ()
    %mul3A_17 = arith.constant 624 : i32
    %mul3A_18 = arith.muli %arg1, %mul3A_17 : i32
    %add3A_19 = arith.constant 312 : i32
    %add3A_20 = arith.addi %mul3A_18, %add3A_19 : i32
    "tpu.region"() ({
      %run_scoped3A = tpu.sem_alloc : memref<!tpu.dma_semaphore, #tpu.memory_space<semaphore_mem>>
      %dma_start3A_86 = arith.constant 0 : i32
      %dma_start3A_87 = arith.constant 0 : i32
      %dma_start3A_88 = tpu.memref_slice %arg10[%dma_start3A_86, %dma_start3A_87] : memref<128x128xf32, #tpu.memory_space<vmem>> -> memref<104x128xf32, #tpu.memory_space<vmem>>
      %dma_start3A_89 = arith.constant 0 : i32
      %dma_start3A_90 = tpu.memref_slice %arg12[%add3A_20, %dma_start3A_89] : memref<10128x128xf32, #tpu.memory_space<vmem_shared>> -> memref<104x128xf32, #tpu.memory_space<vmem_shared>>
      %dma_start3A_91 = arith.constant 0 : i32
      %dma_start3A_92 = tpu.memref_slice %arg12[%add3A_20, %dma_start3A_91] : memref<10128x128xf32, #tpu.memory_space<vmem_shared>> -> memref<104x128xf32, #tpu.memory_space<vmem_shared>>
      %dma_start3A_93 = arith.constant 0 : i32
      %dma_start3A_94 = arith.constant 0 : i32
      %dma_start3A_95 = tpu.memref_slice %arg10[%dma_start3A_93, %dma_start3A_94] : memref<128x128xf32, #tpu.memory_space<vmem>> -> memref<104x128xf32, #tpu.memory_space<vmem>>
      tpu.enqueue_dma source(%dma_start3A_95 : memref<104x128xf32, #tpu.memory_space<vmem>>) target(%dma_start3A_92 : memref<104x128xf32, #tpu.memory_space<vmem_shared>>) target_semaphore(%run_scoped3A : memref<!tpu.dma_semaphore, #tpu.memory_space<semaphore_mem>>)
      %dma_wait3A_96 = arith.constant 0 : i32
      %dma_wait3A_97 = arith.constant 0 : i32
      %dma_wait3A_98 = tpu.memref_slice %arg10[%dma_wait3A_96, %dma_wait3A_97] : memref<128x128xf32, #tpu.memory_space<vmem>> -> memref<104x128xf32, #tpu.memory_space<vmem>>
      %dma_wait3A_99 = arith.constant 0 : i32
      %dma_wait3A_100 = tpu.memref_slice %arg12[%add3A_20, %dma_wait3A_99] : memref<10128x128xf32, #tpu.memory_space<vmem_shared>> -> memref<104x128xf32, #tpu.memory_space<vmem_shared>>
      %dma_wait3A_101 = arith.constant 0 : i32
      %dma_wait3A_102 = tpu.memref_slice %arg12[%add3A_20, %dma_wait3A_101] : memref<10128x128xf32, #tpu.memory_space<vmem_shared>> -> memref<104x128xf32, #tpu.memory_space<vmem_shared>>
      %dma_wait3A_103 = arith.constant 0 : i32
      %dma_wait3A_104 = arith.constant 0 : i32
      %dma_wait3A_105 = tpu.memref_slice %arg10[%dma_wait3A_103, %dma_wait3A_104] : memref<128x128xf32, #tpu.memory_space<vmem>> -> memref<104x128xf32, #tpu.memory_space<vmem>>
      tpu.wait_dma2 semaphore(%run_scoped3A : memref<!tpu.dma_semaphore, #tpu.memory_space<semaphore_mem>>) src(%dma_wait3A_105 : memref<104x128xf32, #tpu.memory_space<vmem>>) dst(%dma_wait3A_102 : memref<104x128xf32, #tpu.memory_space<vmem_shared>>)
      tpu.yield
    }) : () -> ()
    %mul3A_21 = arith.constant 624 : i32
    %mul3A_22 = arith.muli %arg1, %mul3A_21 : i32
    %add3A_23 = arith.constant 416 : i32
    %add3A_24 = arith.addi %mul3A_22, %add3A_23 : i32
    "tpu.region"() ({
      %run_scoped3A = tpu.sem_alloc : memref<!tpu.dma_semaphore, #tpu.memory_space<semaphore_mem>>
      %dma_start3A_86 = arith.constant 0 : i32
      %dma_start3A_87 = arith.constant 0 : i32
      %dma_start3A_88 = tpu.memref_slice %arg10[%dma_start3A_86, %dma_start3A_87] : memref<128x128xf32, #tpu.memory_space<vmem>> -> memref<104x128xf32, #tpu.memory_space<vmem>>
      %dma_start3A_89 = arith.constant 0 : i32
      %dma_start3A_90 = tpu.memref_slice %arg12[%add3A_24, %dma_start3A_89] : memref<10128x128xf32, #tpu.memory_space<vmem_shared>> -> memref<104x128xf32, #tpu.memory_space<vmem_shared>>
      %dma_start3A_91 = arith.constant 0 : i32
      %dma_start3A_92 = tpu.memref_slice %arg12[%add3A_24, %dma_start3A_91] : memref<10128x128xf32, #tpu.memory_space<vmem_shared>> -> memref<104x128xf32, #tpu.memory_space<vmem_shared>>
      %dma_start3A_93 = arith.constant 0 : i32
      %dma_start3A_94 = arith.constant 0 : i32
      %dma_start3A_95 = tpu.memref_slice %arg10[%dma_start3A_93, %dma_start3A_94] : memref<128x128xf32, #tpu.memory_space<vmem>> -> memref<104x128xf32, #tpu.memory_space<vmem>>
      tpu.enqueue_dma source(%dma_start3A_95 : memref<104x128xf32, #tpu.memory_space<vmem>>) target(%dma_start3A_92 : memref<104x128xf32, #tpu.memory_space<vmem_shared>>) target_semaphore(%run_scoped3A : memref<!tpu.dma_semaphore, #tpu.memory_space<semaphore_mem>>)
      %dma_wait3A_96 = arith.constant 0 : i32
      %dma_wait3A_97 = arith.constant 0 : i32
      %dma_wait3A_98 = tpu.memref_slice %arg10[%dma_wait3A_96, %dma_wait3A_97] : memref<128x128xf32, #tpu.memory_space<vmem>> -> memref<104x128xf32, #tpu.memory_space<vmem>>
      %dma_wait3A_99 = arith.constant 0 : i32
      %dma_wait3A_100 = tpu.memref_slice %arg12[%add3A_24, %dma_wait3A_99] : memref<10128x128xf32, #tpu.memory_space<vmem_shared>> -> memref<104x128xf32, #tpu.memory_space<vmem_shared>>
      %dma_wait3A_101 = arith.constant 0 : i32
      %dma_wait3A_102 = tpu.memref_slice %arg12[%add3A_24, %dma_wait3A_101] : memref<10128x128xf32, #tpu.memory_space<vmem_shared>> -> memref<104x128xf32, #tpu.memory_space<vmem_shared>>
      %dma_wait3A_103 = arith.constant 0 : i32
      %dma_wait3A_104 = arith.constant 0 : i32
      %dma_wait3A_105 = tpu.memref_slice %arg10[%dma_wait3A_103, %dma_wait3A_104] : memref<128x128xf32, #tpu.memory_space<vmem>> -> memref<104x128xf32, #tpu.memory_space<vmem>>
      tpu.wait_dma2 semaphore(%run_scoped3A : memref<!tpu.dma_semaphore, #tpu.memory_space<semaphore_mem>>) src(%dma_wait3A_105 : memref<104x128xf32, #tpu.memory_space<vmem>>) dst(%dma_wait3A_102 : memref<104x128xf32, #tpu.memory_space<vmem_shared>>)
      tpu.yield
    }) : () -> ()
    %mul3A_25 = arith.constant 624 : i32
    %mul3A_26 = arith.muli %arg1, %mul3A_25 : i32
    %add3A_27 = arith.constant 520 : i32
    %add3A_28 = arith.addi %mul3A_26, %add3A_27 : i32
    "tpu.region"() ({
      %run_scoped3A = tpu.sem_alloc : memref<!tpu.dma_semaphore, #tpu.memory_space<semaphore_mem>>
      %dma_start3A_86 = arith.constant 0 : i32
      %dma_start3A_87 = arith.constant 0 : i32
      %dma_start3A_88 = tpu.memref_slice %arg10[%dma_start3A_86, %dma_start3A_87] : memref<128x128xf32, #tpu.memory_space<vmem>> -> memref<104x128xf32, #tpu.memory_space<vmem>>
      %dma_start3A_89 = arith.constant 0 : i32
      %dma_start3A_90 = tpu.memref_slice %arg12[%add3A_28, %dma_start3A_89] : memref<10128x128xf32, #tpu.memory_space<vmem_shared>> -> memref<104x128xf32, #tpu.memory_space<vmem_shared>>
      %dma_start3A_91 = arith.constant 0 : i32
      %dma_start3A_92 = tpu.memref_slice %arg12[%add3A_28, %dma_start3A_91] : memref<10128x128xf32, #tpu.memory_space<vmem_shared>> -> memref<104x128xf32, #tpu.memory_space<vmem_shared>>
      %dma_start3A_93 = arith.constant 0 : i32
      %dma_start3A_94 = arith.constant 0 : i32
      %dma_start3A_95 = tpu.memref_slice %arg10[%dma_start3A_93, %dma_start3A_94] : memref<128x128xf32, #tpu.memory_space<vmem>> -> memref<104x128xf32, #tpu.memory_space<vmem>>
      tpu.enqueue_dma source(%dma_start3A_95 : memref<104x128xf32, #tpu.memory_space<vmem>>) target(%dma_start3A_92 : memref<104x128xf32, #tpu.memory_space<vmem_shared>>) target_semaphore(%run_scoped3A : memref<!tpu.dma_semaphore, #tpu.memory_space<semaphore_mem>>)
      %dma_wait3A_96 = arith.constant 0 : i32
      %dma_wait3A_97 = arith.constant 0 : i32
      %dma_wait3A_98 = tpu.memref_slice %arg10[%dma_wait3A_96, %dma_wait3A_97] : memref<128x128xf32, #tpu.memory_space<vmem>> -> memref<104x128xf32, #tpu.memory_space<vmem>>
      %dma_wait3A_99 = arith.constant 0 : i32
      %dma_wait3A_100 = tpu.memref_slice %arg12[%add3A_28, %dma_wait3A_99] : memref<10128x128xf32, #tpu.memory_space<vmem_shared>> -> memref<104x128xf32, #tpu.memory_space<vmem_shared>>
      %dma_wait3A_101 = arith.constant 0 : i32
      %dma_wait3A_102 = tpu.memref_slice %arg12[%add3A_28, %dma_wait3A_101] : memref<10128x128xf32, #tpu.memory_space<vmem_shared>> -> memref<104x128xf32, #tpu.memory_space<vmem_shared>>
      %dma_wait3A_103 = arith.constant 0 : i32
      %dma_wait3A_104 = arith.constant 0 : i32
      %dma_wait3A_105 = tpu.memref_slice %arg10[%dma_wait3A_103, %dma_wait3A_104] : memref<128x128xf32, #tpu.memory_space<vmem>> -> memref<104x128xf32, #tpu.memory_space<vmem>>
      tpu.wait_dma2 semaphore(%run_scoped3A : memref<!tpu.dma_semaphore, #tpu.memory_space<semaphore_mem>>) src(%dma_wait3A_105 : memref<104x128xf32, #tpu.memory_space<vmem>>) dst(%dma_wait3A_102 : memref<104x128xf32, #tpu.memory_space<vmem_shared>>)
      tpu.yield
    }) : () -> ()
    %eq3A = arith.constant 0 : i32
    %eq3A_29 = arith.cmpi eq, %arg1, %eq3A : i32
    %convert_element_type3A = arith.extui %eq3A_29 : i1 to i32
    %cond3A = arith.constant 0 : i32
    %cond3A_30 = arith.cmpi ne, %convert_element_type3A, %cond3A : i32
    scf.if %cond3A_30 {
      "tpu.region"() ({
        %run_scoped3A = tpu.sem_alloc : memref<!tpu.dma_semaphore, #tpu.memory_space<semaphore_mem>>
        %dma_start3A_86 = arith.constant 0 : i32
        %dma_start3A_87 = arith.constant 0 : i32
        %dma_start3A_88 = tpu.memref_slice %arg10[%dma_start3A_86, %dma_start3A_87] : memref<128x128xf32, #tpu.memory_space<vmem>> -> memref<16x128xf32, #tpu.memory_space<vmem>>
        %dma_start3A_89 = arith.constant 9984 : i32
        %dma_start3A_90 = arith.constant 0 : i32
        %dma_start3A_91 = tpu.memref_slice %arg12[%dma_start3A_89, %dma_start3A_90] : memref<10128x128xf32, #tpu.memory_space<vmem_shared>> -> memref<16x128xf32, #tpu.memory_space<vmem_shared>>
        %dma_start3A_92 = arith.constant 9984 : i32
        %dma_start3A_93 = arith.constant 0 : i32
        %dma_start3A_94 = tpu.memref_slice %arg12[%dma_start3A_92, %dma_start3A_93] : memref<10128x128xf32, #tpu.memory_space<vmem_shared>> -> memref<16x128xf32, #tpu.memory_space<vmem_shared>>
        %dma_start3A_95 = arith.constant 0 : i32
        %dma_start3A_96 = arith.constant 0 : i32
        %dma_start3A_97 = tpu.memref_slice %arg10[%dma_start3A_95, %dma_start3A_96] : memref<128x128xf32, #tpu.memory_space<vmem>> -> memref<16x128xf32, #tpu.memory_space<vmem>>
        tpu.enqueue_dma source(%dma_start3A_97 : memref<16x128xf32, #tpu.memory_space<vmem>>) target(%dma_start3A_94 : memref<16x128xf32, #tpu.memory_space<vmem_shared>>) target_semaphore(%run_scoped3A : memref<!tpu.dma_semaphore, #tpu.memory_space<semaphore_mem>>)
        %dma_wait3A_98 = arith.constant 0 : i32
        %dma_wait3A_99 = arith.constant 0 : i32
        %dma_wait3A_100 = tpu.memref_slice %arg10[%dma_wait3A_98, %dma_wait3A_99] : memref<128x128xf32, #tpu.memory_space<vmem>> -> memref<16x128xf32, #tpu.memory_space<vmem>>
        %dma_wait3A_101 = arith.constant 9984 : i32
        %dma_wait3A_102 = arith.constant 0 : i32
        %dma_wait3A_103 = tpu.memref_slice %arg12[%dma_wait3A_101, %dma_wait3A_102] : memref<10128x128xf32, #tpu.memory_space<vmem_shared>> -> memref<16x128xf32, #tpu.memory_space<vmem_shared>>
        %dma_wait3A_104 = arith.constant 9984 : i32
        %dma_wait3A_105 = arith.constant 0 : i32
        %dma_wait3A_106 = tpu.memref_slice %arg12[%dma_wait3A_104, %dma_wait3A_105] : memref<10128x128xf32, #tpu.memory_space<vmem_shared>> -> memref<16x128xf32, #tpu.memory_space<vmem_shared>>
        %dma_wait3A_107 = arith.constant 0 : i32
        %dma_wait3A_108 = arith.constant 0 : i32
        %dma_wait3A_109 = tpu.memref_slice %arg10[%dma_wait3A_107, %dma_wait3A_108] : memref<128x128xf32, #tpu.memory_space<vmem>> -> memref<16x128xf32, #tpu.memory_space<vmem>>
        tpu.wait_dma2 semaphore(%run_scoped3A : memref<!tpu.dma_semaphore, #tpu.memory_space<semaphore_mem>>) src(%dma_wait3A_109 : memref<16x128xf32, #tpu.memory_space<vmem>>) dst(%dma_wait3A_106 : memref<16x128xf32, #tpu.memory_space<vmem_shared>>)
        tpu.yield
      }) : () -> ()
    } else {
    }
    %barrier3A = arith.constant 0 : index
    tpu.barrier barrier_id(%barrier3A)
    %mul3A_31 = arith.constant 128 : i32
    %mul3A_32 = arith.muli %arg1, %mul3A_31 : i32
    %mul3A_33 = arith.constant 160000 : i32
    %mul3A_34 = arith.muli %arg0, %mul3A_33 : i32
    %add3A_35 = arith.addi %mul3A_34, %mul3A_32 : i32
    %dma_start3A = tpu.memref_slice %arg3[%add3A_35] : memref<320000xi32, #tpu.memory_space<hbm>> -> memref<128xi32, #tpu.memory_space<hbm>>
    %dma_start3A_36 = tpu.memref_slice %arg3[%add3A_35] : memref<320000xi32, #tpu.memory_space<hbm>> -> memref<128xi32, #tpu.memory_space<hbm>>
    tpu.enqueue_dma source(%dma_start3A_36 : memref<128xi32, #tpu.memory_space<hbm>>) target(%arg6 : memref<128xi32, #tpu.memory_space<vmem>>) target_semaphore(%arg15 : memref<!tpu.dma_semaphore, #tpu.memory_space<semaphore_mem>>)
    %dma_start3A_37 = tpu.memref_slice %arg4[%mul3A_32] : memref<160000xi32, #tpu.memory_space<hbm>> -> memref<128xi32, #tpu.memory_space<hbm>>
    %dma_start3A_38 = tpu.memref_slice %arg4[%mul3A_32] : memref<160000xi32, #tpu.memory_space<hbm>> -> memref<128xi32, #tpu.memory_space<hbm>>
    tpu.enqueue_dma source(%dma_start3A_38 : memref<128xi32, #tpu.memory_space<hbm>>) target(%arg7 : memref<128xi32, #tpu.memory_space<vmem>>) target_semaphore(%arg15 : memref<!tpu.dma_semaphore, #tpu.memory_space<semaphore_mem>>)
    %dma_wait3A = arith.constant 0 : i32
    %dma_wait3A_39 = tpu.memref_slice %arg3[%dma_wait3A] : memref<320000xi32, #tpu.memory_space<hbm>> -> memref<128xi32, #tpu.memory_space<hbm>>
    %dma_wait3A_40 = arith.constant 0 : i32
    %dma_wait3A_41 = tpu.memref_slice %arg3[%dma_wait3A_40] : memref<320000xi32, #tpu.memory_space<hbm>> -> memref<128xi32, #tpu.memory_space<hbm>>
    tpu.wait_dma2 semaphore(%arg15 : memref<!tpu.dma_semaphore, #tpu.memory_space<semaphore_mem>>) src(%dma_wait3A_41 : memref<128xi32, #tpu.memory_space<hbm>>) dst(%arg6 : memref<128xi32, #tpu.memory_space<vmem>>)
    %dma_wait3A_42 = arith.constant 0 : i32
    %dma_wait3A_43 = tpu.memref_slice %arg4[%dma_wait3A_42] : memref<160000xi32, #tpu.memory_space<hbm>> -> memref<128xi32, #tpu.memory_space<hbm>>
    %dma_wait3A_44 = arith.constant 0 : i32
    %dma_wait3A_45 = tpu.memref_slice %arg4[%dma_wait3A_44] : memref<160000xi32, #tpu.memory_space<hbm>> -> memref<128xi32, #tpu.memory_space<hbm>>
    tpu.wait_dma2 semaphore(%arg15 : memref<!tpu.dma_semaphore, #tpu.memory_space<semaphore_mem>>) src(%dma_wait3A_45 : memref<128xi32, #tpu.memory_space<hbm>>) dst(%arg7 : memref<128xi32, #tpu.memory_space<vmem>>)
    %dma_start3A_46 = arith.constant 0 : i32
    %dma_start3A_47 = arith.constant 0 : i32
    %dma_start3A_48 = tpu.memref_slice %arg2[%dma_start3A_46, %dma_start3A_47] : memref<20000x128xf32, #tpu.memory_space<hbm>> -> memref<20000x128xf32, #tpu.memory_space<hbm>>
    tpu.enqueue_indirect_dma source(%dma_start3A_48 : memref<20000x128xf32, #tpu.memory_space<hbm>>) target(%arg10 : memref<128x128xf32, #tpu.memory_space<vmem>>) offsets(%arg6 : memref<128xi32, #tpu.memory_space<vmem>>) semaphore(%arg13 : memref<!tpu.dma_semaphore, #tpu.memory_space<semaphore_mem>>)
    %add3A_49 = arith.constant 16 : i32
    %add3A_50 = arith.addi %add3A_49, %arg1 : i32
    %mul3A_51 = arith.constant 128 : i32
    %mul3A_52 = arith.muli %add3A_50, %mul3A_51 : i32
    %mul3A_53 = arith.constant 160000 : i32
    %mul3A_54 = arith.muli %arg0, %mul3A_53 : i32
    %add3A_55 = arith.addi %mul3A_54, %mul3A_52 : i32
    %dma_start3A_56 = tpu.memref_slice %arg3[%add3A_55] : memref<320000xi32, #tpu.memory_space<hbm>> -> memref<128xi32, #tpu.memory_space<hbm>>
    %dma_start3A_57 = tpu.memref_slice %arg3[%add3A_55] : memref<320000xi32, #tpu.memory_space<hbm>> -> memref<128xi32, #tpu.memory_space<hbm>>
    tpu.enqueue_dma source(%dma_start3A_57 : memref<128xi32, #tpu.memory_space<hbm>>) target(%arg8 : memref<128xi32, #tpu.memory_space<vmem>>) target_semaphore(%arg16 : memref<!tpu.dma_semaphore, #tpu.memory_space<semaphore_mem>>)
    %dma_start3A_58 = tpu.memref_slice %arg4[%mul3A_52] : memref<160000xi32, #tpu.memory_space<hbm>> -> memref<128xi32, #tpu.memory_space<hbm>>
    %dma_start3A_59 = tpu.memref_slice %arg4[%mul3A_52] : memref<160000xi32, #tpu.memory_space<hbm>> -> memref<128xi32, #tpu.memory_space<hbm>>
    tpu.enqueue_dma source(%dma_start3A_59 : memref<128xi32, #tpu.memory_space<hbm>>) target(%arg9 : memref<128xi32, #tpu.memory_space<vmem>>) target_semaphore(%arg16 : memref<!tpu.dma_semaphore, #tpu.memory_space<semaphore_mem>>)
    %scan3A_60 = arith.constant 0 : i32
    %scan3A_61 = arith.constant 0 : i32
    %scan3A_62 = arith.constant 39 : i32
    %scan3A_63 = arith.addi %scan3A_61, %scan3A_62 : i32
    %scan3A_64 = arith.constant 1 : i32
    %scan3A_65 = scf.for %scan3A_86 = %scan3A_61 to %scan3A_63 step %scan3A_64 iter_args(%scan3A_87 = %scan3A_60) -> (i32)  : i32 {
      %mul3A_88 = arith.constant 2 : i32
      %mul3A_89 = arith.muli %mul3A_88, %scan3A_86 : i32
      %mul3A_90 = arith.constant 16 : i32
      %mul3A_91 = arith.muli %mul3A_89, %mul3A_90 : i32
      %add3A_92 = arith.addi %mul3A_91, %arg1 : i32
      %dma_wait3A_93 = arith.constant 0 : i32
      %dma_wait3A_94 = arith.constant 0 : i32
      %dma_wait3A_95 = tpu.memref_slice %arg2[%dma_wait3A_93, %dma_wait3A_94] : memref<20000x128xf32, #tpu.memory_space<hbm>> -> memref<20000x128xf32, #tpu.memory_space<hbm>>
      tpu.wait_indirect_dma semaphore(%arg13 : memref<!tpu.dma_semaphore, #tpu.memory_space<semaphore_mem>>) src(%dma_wait3A_95 : memref<20000x128xf32, #tpu.memory_space<hbm>>) dst(%arg10 : memref<128x128xf32, #tpu.memory_space<vmem>>)
      %dma_wait3A_96 = arith.constant 0 : i32
      %dma_wait3A_97 = tpu.memref_slice %arg3[%dma_wait3A_96] : memref<320000xi32, #tpu.memory_space<hbm>> -> memref<128xi32, #tpu.memory_space<hbm>>
      %dma_wait3A_98 = arith.constant 0 : i32
      %dma_wait3A_99 = tpu.memref_slice %arg3[%dma_wait3A_98] : memref<320000xi32, #tpu.memory_space<hbm>> -> memref<128xi32, #tpu.memory_space<hbm>>
      tpu.wait_dma2 semaphore(%arg16 : memref<!tpu.dma_semaphore, #tpu.memory_space<semaphore_mem>>) src(%dma_wait3A_99 : memref<128xi32, #tpu.memory_space<hbm>>) dst(%arg8 : memref<128xi32, #tpu.memory_space<vmem>>)
      %dma_wait3A_100 = arith.constant 0 : i32
      %dma_wait3A_101 = tpu.memref_slice %arg4[%dma_wait3A_100] : memref<160000xi32, #tpu.memory_space<hbm>> -> memref<128xi32, #tpu.memory_space<hbm>>
      %dma_wait3A_102 = arith.constant 0 : i32
      %dma_wait3A_103 = tpu.memref_slice %arg4[%dma_wait3A_102] : memref<160000xi32, #tpu.memory_space<hbm>> -> memref<128xi32, #tpu.memory_space<hbm>>
      tpu.wait_dma2 semaphore(%arg16 : memref<!tpu.dma_semaphore, #tpu.memory_space<semaphore_mem>>) src(%dma_wait3A_103 : memref<128xi32, #tpu.memory_space<hbm>>) dst(%arg9 : memref<128xi32, #tpu.memory_space<vmem>>)
      %dma_start3A_104 = arith.constant 0 : i32
      %dma_start3A_105 = arith.constant 0 : i32
      %dma_start3A_106 = tpu.memref_slice %arg2[%dma_start3A_104, %dma_start3A_105] : memref<20000x128xf32, #tpu.memory_space<hbm>> -> memref<20000x128xf32, #tpu.memory_space<hbm>>
      tpu.enqueue_indirect_dma source(%dma_start3A_106 : memref<20000x128xf32, #tpu.memory_space<hbm>>) target(%arg11 : memref<128x128xf32, #tpu.memory_space<vmem>>) offsets(%arg8 : memref<128xi32, #tpu.memory_space<vmem>>) semaphore(%arg14 : memref<!tpu.dma_semaphore, #tpu.memory_space<semaphore_mem>>)
      "tpu.region"() ({
        %run_scoped3A = tpu.sem_alloc : memref<!tpu.dma_semaphore, #tpu.memory_space<semaphore_mem>>
        %dma_start3A_121 = arith.constant 0 : i32
        %dma_start3A_122 = arith.constant 0 : i32
        %dma_start3A_123 = tpu.memref_slice %arg12[%dma_start3A_121, %dma_start3A_122] : memref<10128x128xf32, #tpu.memory_space<vmem_shared>> -> memref<10128x128xf32, #tpu.memory_space<vmem_shared>>
        tpu.enqueue_indirect_dma source(%arg10 : memref<128x128xf32, #tpu.memory_space<vmem>>) target(%dma_start3A_123 : memref<10128x128xf32, #tpu.memory_space<vmem_shared>>) offsets(%arg7 : memref<128xi32, #tpu.memory_space<vmem>>) semaphore(%run_scoped3A : memref<!tpu.dma_semaphore, #tpu.memory_space<semaphore_mem>>) {add = true}
        %dma_wait3A_124 = arith.constant 0 : i32
        %dma_wait3A_125 = arith.constant 0 : i32
        %dma_wait3A_126 = tpu.memref_slice %arg12[%dma_wait3A_124, %dma_wait3A_125] : memref<10128x128xf32, #tpu.memory_space<vmem_shared>> -> memref<10128x128xf32, #tpu.memory_space<vmem_shared>>
        tpu.wait_indirect_dma semaphore(%run_scoped3A : memref<!tpu.dma_semaphore, #tpu.memory_space<semaphore_mem>>) src(%arg10 : memref<128x128xf32, #tpu.memory_space<vmem>>) dst(%dma_wait3A_126 : memref<10128x128xf32, #tpu.memory_space<vmem_shared>>)
        tpu.yield
      }) : () -> ()
      %lt3A_107 = arith.constant 38 : i32
      %lt3A_108 = arith.cmpi slt, %scan3A_86, %lt3A_107 : i32
      %convert_element_type3A_109 = arith.extui %lt3A_108 : i1 to i32
      %cond3A_110 = arith.constant 0 : i32
      %cond3A_111 = arith.cmpi ne, %convert_element_type3A_109, %cond3A_110 : i32
      scf.if %cond3A_111 {
        %add3A_121 = arith.constant 32 : i32
        %add3A_122 = arith.addi %add3A_92, %add3A_121 : i32
        %mul3A_123 = arith.constant 128 : i32
        %mul3A_124 = arith.muli %add3A_122, %mul3A_123 : i32
        %mul3A_125 = arith.constant 160000 : i32
        %mul3A_126 = arith.muli %arg0, %mul3A_125 : i32
        %add3A_127 = arith.addi %mul3A_126, %mul3A_124 : i32
        %dma_start3A_128 = tpu.memref_slice %arg3[%add3A_127] : memref<320000xi32, #tpu.memory_space<hbm>> -> memref<128xi32, #tpu.memory_space<hbm>>
        %dma_start3A_129 = tpu.memref_slice %arg3[%add3A_127] : memref<320000xi32, #tpu.memory_space<hbm>> -> memref<128xi32, #tpu.memory_space<hbm>>
        tpu.enqueue_dma source(%dma_start3A_129 : memref<128xi32, #tpu.memory_space<hbm>>) target(%arg6 : memref<128xi32, #tpu.memory_space<vmem>>) target_semaphore(%arg15 : memref<!tpu.dma_semaphore, #tpu.memory_space<semaphore_mem>>)
        %dma_start3A_130 = tpu.memref_slice %arg4[%mul3A_124] : memref<160000xi32, #tpu.memory_space<hbm>> -> memref<128xi32, #tpu.memory_space<hbm>>
        %dma_start3A_131 = tpu.memref_slice %arg4[%mul3A_124] : memref<160000xi32, #tpu.memory_space<hbm>> -> memref<128xi32, #tpu.memory_space<hbm>>
        tpu.enqueue_dma source(%dma_start3A_131 : memref<128xi32, #tpu.memory_space<hbm>>) target(%arg7 : memref<128xi32, #tpu.memory_space<vmem>>) target_semaphore(%arg15 : memref<!tpu.dma_semaphore, #tpu.memory_space<semaphore_mem>>)
        %dma_wait3A_132 = arith.constant 0 : i32
        %dma_wait3A_133 = tpu.memref_slice %arg3[%dma_wait3A_132] : memref<320000xi32, #tpu.memory_space<hbm>> -> memref<128xi32, #tpu.memory_space<hbm>>
        %dma_wait3A_134 = arith.constant 0 : i32
        %dma_wait3A_135 = tpu.memref_slice %arg3[%dma_wait3A_134] : memref<320000xi32, #tpu.memory_space<hbm>> -> memref<128xi32, #tpu.memory_space<hbm>>
        tpu.wait_dma2 semaphore(%arg15 : memref<!tpu.dma_semaphore, #tpu.memory_space<semaphore_mem>>) src(%dma_wait3A_135 : memref<128xi32, #tpu.memory_space<hbm>>) dst(%arg6 : memref<128xi32, #tpu.memory_space<vmem>>)
        %dma_wait3A_136 = arith.constant 0 : i32
        %dma_wait3A_137 = tpu.memref_slice %arg4[%dma_wait3A_136] : memref<160000xi32, #tpu.memory_space<hbm>> -> memref<128xi32, #tpu.memory_space<hbm>>
        %dma_wait3A_138 = arith.constant 0 : i32
        %dma_wait3A_139 = tpu.memref_slice %arg4[%dma_wait3A_138] : memref<160000xi32, #tpu.memory_space<hbm>> -> memref<128xi32, #tpu.memory_space<hbm>>
        tpu.wait_dma2 semaphore(%arg15 : memref<!tpu.dma_semaphore, #tpu.memory_space<semaphore_mem>>) src(%dma_wait3A_139 : memref<128xi32, #tpu.memory_space<hbm>>) dst(%arg7 : memref<128xi32, #tpu.memory_space<vmem>>)
        %dma_start3A_140 = arith.constant 0 : i32
        %dma_start3A_141 = arith.constant 0 : i32
        %dma_start3A_142 = tpu.memref_slice %arg2[%dma_start3A_140, %dma_start3A_141] : memref<20000x128xf32, #tpu.memory_space<hbm>> -> memref<20000x128xf32, #tpu.memory_space<hbm>>
        tpu.enqueue_indirect_dma source(%dma_start3A_142 : memref<20000x128xf32, #tpu.memory_space<hbm>>) target(%arg10 : memref<128x128xf32, #tpu.memory_space<vmem>>) offsets(%arg6 : memref<128xi32, #tpu.memory_space<vmem>>) semaphore(%arg13 : memref<!tpu.dma_semaphore, #tpu.memory_space<semaphore_mem>>)
      } else {
      }
      %dma_wait3A_112 = arith.constant 0 : i32
      %dma_wait3A_113 = arith.constant 0 : i32
      %dma_wait3A_114 = tpu.memref_slice %arg2[%dma_wait3A_112, %dma_wait3A_113] : memref<20000x128xf32, #tpu.memory_space<hbm>> -> memref<20000x128xf32, #tpu.memory_space<hbm>>
      tpu.wait_indirect_dma semaphore(%arg14 : memref<!tpu.dma_semaphore, #tpu.memory_space<semaphore_mem>>) src(%dma_wait3A_114 : memref<20000x128xf32, #tpu.memory_space<hbm>>) dst(%arg11 : memref<128x128xf32, #tpu.memory_space<vmem>>)
      "tpu.region"() ({
        %run_scoped3A = tpu.sem_alloc : memref<!tpu.dma_semaphore, #tpu.memory_space<semaphore_mem>>
        %dma_start3A_121 = arith.constant 0 : i32
        %dma_start3A_122 = arith.constant 0 : i32
        %dma_start3A_123 = tpu.memref_slice %arg12[%dma_start3A_121, %dma_start3A_122] : memref<10128x128xf32, #tpu.memory_space<vmem_shared>> -> memref<10128x128xf32, #tpu.memory_space<vmem_shared>>
        tpu.enqueue_indirect_dma source(%arg11 : memref<128x128xf32, #tpu.memory_space<vmem>>) target(%dma_start3A_123 : memref<10128x128xf32, #tpu.memory_space<vmem_shared>>) offsets(%arg9 : memref<128xi32, #tpu.memory_space<vmem>>) semaphore(%run_scoped3A : memref<!tpu.dma_semaphore, #tpu.memory_space<semaphore_mem>>) {add = true}
        %dma_wait3A_124 = arith.constant 0 : i32
        %dma_wait3A_125 = arith.constant 0 : i32
        %dma_wait3A_126 = tpu.memref_slice %arg12[%dma_wait3A_124, %dma_wait3A_125] : memref<10128x128xf32, #tpu.memory_space<vmem_shared>> -> memref<10128x128xf32, #tpu.memory_space<vmem_shared>>
        tpu.wait_indirect_dma semaphore(%run_scoped3A : memref<!tpu.dma_semaphore, #tpu.memory_space<semaphore_mem>>) src(%arg11 : memref<128x128xf32, #tpu.memory_space<vmem>>) dst(%dma_wait3A_126 : memref<10128x128xf32, #tpu.memory_space<vmem_shared>>)
        tpu.yield
      }) : () -> ()
      %lt3A_115 = arith.constant 38 : i32
      %lt3A_116 = arith.cmpi slt, %scan3A_86, %lt3A_115 : i32
      %convert_element_type3A_117 = arith.extui %lt3A_116 : i1 to i32
      %cond3A_118 = arith.constant 0 : i32
      %cond3A_119 = arith.cmpi ne, %convert_element_type3A_117, %cond3A_118 : i32
      scf.if %cond3A_119 {
        %add3A_121 = arith.constant 48 : i32
        %add3A_122 = arith.addi %add3A_92, %add3A_121 : i32
        %mul3A_123 = arith.constant 128 : i32
        %mul3A_124 = arith.muli %add3A_122, %mul3A_123 : i32
        %mul3A_125 = arith.constant 160000 : i32
        %mul3A_126 = arith.muli %arg0, %mul3A_125 : i32
        %add3A_127 = arith.addi %mul3A_126, %mul3A_124 : i32
        %dma_start3A_128 = tpu.memref_slice %arg3[%add3A_127] : memref<320000xi32, #tpu.memory_space<hbm>> -> memref<128xi32, #tpu.memory_space<hbm>>
        %dma_start3A_129 = tpu.memref_slice %arg3[%add3A_127] : memref<320000xi32, #tpu.memory_space<hbm>> -> memref<128xi32, #tpu.memory_space<hbm>>
        tpu.enqueue_dma source(%dma_start3A_129 : memref<128xi32, #tpu.memory_space<hbm>>) target(%arg8 : memref<128xi32, #tpu.memory_space<vmem>>) target_semaphore(%arg16 : memref<!tpu.dma_semaphore, #tpu.memory_space<semaphore_mem>>)
        %dma_start3A_130 = tpu.memref_slice %arg4[%mul3A_124] : memref<160000xi32, #tpu.memory_space<hbm>> -> memref<128xi32, #tpu.memory_space<hbm>>
        %dma_start3A_131 = tpu.memref_slice %arg4[%mul3A_124] : memref<160000xi32, #tpu.memory_space<hbm>> -> memref<128xi32, #tpu.memory_space<hbm>>
        tpu.enqueue_dma source(%dma_start3A_131 : memref<128xi32, #tpu.memory_space<hbm>>) target(%arg9 : memref<128xi32, #tpu.memory_space<vmem>>) target_semaphore(%arg16 : memref<!tpu.dma_semaphore, #tpu.memory_space<semaphore_mem>>)
      } else {
      }
      %scan3A_120 = arith.constant 0 : i32
      scf.yield %scan3A_120 : i32
    }
    %scan3A_66 = arith.constant 39 : i32
    %add3A_67 = arith.constant 1248 : i32
    %add3A_68 = arith.addi %add3A_67, %arg1 : i32
    %lt3A = arith.constant 1250 : i32
    %lt3A_69 = arith.cmpi slt, %add3A_68, %lt3A : i32
    %convert_element_type3A_70 = arith.extui %lt3A_69 : i1 to i32
    %cond3A_71 = arith.constant 0 : i32
    %cond3A_72 = arith.cmpi ne, %convert_element_type3A_70, %cond3A_71 : i32
    scf.if %cond3A_72 {
      %add3A_86 = arith.constant 1248 : i32
      %add3A_87 = arith.addi %add3A_86, %arg1 : i32
      %mul3A_88 = arith.constant 128 : i32
      %mul3A_89 = arith.muli %add3A_87, %mul3A_88 : i32
      %mul3A_90 = arith.constant 160000 : i32
      %mul3A_91 = arith.muli %arg0, %mul3A_90 : i32
      %add3A_92 = arith.addi %mul3A_91, %mul3A_89 : i32
      %dma_start3A_93 = tpu.memref_slice %arg3[%add3A_92] : memref<320000xi32, #tpu.memory_space<hbm>> -> memref<128xi32, #tpu.memory_space<hbm>>
      %dma_start3A_94 = tpu.memref_slice %arg3[%add3A_92] : memref<320000xi32, #tpu.memory_space<hbm>> -> memref<128xi32, #tpu.memory_space<hbm>>
      tpu.enqueue_dma source(%dma_start3A_94 : memref<128xi32, #tpu.memory_space<hbm>>) target(%arg6 : memref<128xi32, #tpu.memory_space<vmem>>) target_semaphore(%arg15 : memref<!tpu.dma_semaphore, #tpu.memory_space<semaphore_mem>>)
      %dma_start3A_95 = tpu.memref_slice %arg4[%mul3A_89] : memref<160000xi32, #tpu.memory_space<hbm>> -> memref<128xi32, #tpu.memory_space<hbm>>
      %dma_start3A_96 = tpu.memref_slice %arg4[%mul3A_89] : memref<160000xi32, #tpu.memory_space<hbm>> -> memref<128xi32, #tpu.memory_space<hbm>>
      tpu.enqueue_dma source(%dma_start3A_96 : memref<128xi32, #tpu.memory_space<hbm>>) target(%arg7 : memref<128xi32, #tpu.memory_space<vmem>>) target_semaphore(%arg15 : memref<!tpu.dma_semaphore, #tpu.memory_space<semaphore_mem>>)
      %dma_wait3A_97 = arith.constant 0 : i32
      %dma_wait3A_98 = tpu.memref_slice %arg3[%dma_wait3A_97] : memref<320000xi32, #tpu.memory_space<hbm>> -> memref<128xi32, #tpu.memory_space<hbm>>
      %dma_wait3A_99 = arith.constant 0 : i32
      %dma_wait3A_100 = tpu.memref_slice %arg3[%dma_wait3A_99] : memref<320000xi32, #tpu.memory_space<hbm>> -> memref<128xi32, #tpu.memory_space<hbm>>
      tpu.wait_dma2 semaphore(%arg15 : memref<!tpu.dma_semaphore, #tpu.memory_space<semaphore_mem>>) src(%dma_wait3A_100 : memref<128xi32, #tpu.memory_space<hbm>>) dst(%arg6 : memref<128xi32, #tpu.memory_space<vmem>>)
      %dma_wait3A_101 = arith.constant 0 : i32
      %dma_wait3A_102 = tpu.memref_slice %arg4[%dma_wait3A_101] : memref<160000xi32, #tpu.memory_space<hbm>> -> memref<128xi32, #tpu.memory_space<hbm>>
      %dma_wait3A_103 = arith.constant 0 : i32
      %dma_wait3A_104 = tpu.memref_slice %arg4[%dma_wait3A_103] : memref<160000xi32, #tpu.memory_space<hbm>> -> memref<128xi32, #tpu.memory_space<hbm>>
      tpu.wait_dma2 semaphore(%arg15 : memref<!tpu.dma_semaphore, #tpu.memory_space<semaphore_mem>>) src(%dma_wait3A_104 : memref<128xi32, #tpu.memory_space<hbm>>) dst(%arg7 : memref<128xi32, #tpu.memory_space<vmem>>)
      %dma_start3A_105 = arith.constant 0 : i32
      %dma_start3A_106 = arith.constant 0 : i32
      %dma_start3A_107 = tpu.memref_slice %arg2[%dma_start3A_105, %dma_start3A_106] : memref<20000x128xf32, #tpu.memory_space<hbm>> -> memref<20000x128xf32, #tpu.memory_space<hbm>>
      tpu.enqueue_indirect_dma source(%dma_start3A_107 : memref<20000x128xf32, #tpu.memory_space<hbm>>) target(%arg10 : memref<128x128xf32, #tpu.memory_space<vmem>>) offsets(%arg6 : memref<128xi32, #tpu.memory_space<vmem>>) semaphore(%arg13 : memref<!tpu.dma_semaphore, #tpu.memory_space<semaphore_mem>>)
      %dma_wait3A_108 = arith.constant 0 : i32
      %dma_wait3A_109 = arith.constant 0 : i32
      %dma_wait3A_110 = tpu.memref_slice %arg2[%dma_wait3A_108, %dma_wait3A_109] : memref<20000x128xf32, #tpu.memory_space<hbm>> -> memref<20000x128xf32, #tpu.memory_space<hbm>>
      tpu.wait_indirect_dma semaphore(%arg13 : memref<!tpu.dma_semaphore, #tpu.memory_space<semaphore_mem>>) src(%dma_wait3A_110 : memref<20000x128xf32, #tpu.memory_space<hbm>>) dst(%arg10 : memref<128x128xf32, #tpu.memory_space<vmem>>)
      "tpu.region"() ({
        %run_scoped3A = tpu.sem_alloc : memref<!tpu.dma_semaphore, #tpu.memory_space<semaphore_mem>>
        %dma_start3A_111 = arith.constant 0 : i32
        %dma_start3A_112 = arith.constant 0 : i32
        %dma_start3A_113 = tpu.memref_slice %arg12[%dma_start3A_111, %dma_start3A_112] : memref<10128x128xf32, #tpu.memory_space<vmem_shared>> -> memref<10128x128xf32, #tpu.memory_space<vmem_shared>>
        tpu.enqueue_indirect_dma source(%arg10 : memref<128x128xf32, #tpu.memory_space<vmem>>) target(%dma_start3A_113 : memref<10128x128xf32, #tpu.memory_space<vmem_shared>>) offsets(%arg7 : memref<128xi32, #tpu.memory_space<vmem>>) semaphore(%run_scoped3A : memref<!tpu.dma_semaphore, #tpu.memory_space<semaphore_mem>>) {add = true}
        %dma_wait3A_114 = arith.constant 0 : i32
        %dma_wait3A_115 = arith.constant 0 : i32
        %dma_wait3A_116 = tpu.memref_slice %arg12[%dma_wait3A_114, %dma_wait3A_115] : memref<10128x128xf32, #tpu.memory_space<vmem_shared>> -> memref<10128x128xf32, #tpu.memory_space<vmem_shared>>
        tpu.wait_indirect_dma semaphore(%run_scoped3A : memref<!tpu.dma_semaphore, #tpu.memory_space<semaphore_mem>>) src(%arg10 : memref<128x128xf32, #tpu.memory_space<vmem>>) dst(%dma_wait3A_116 : memref<10128x128xf32, #tpu.memory_space<vmem_shared>>)
        tpu.yield
      }) : () -> ()
    } else {
    }
    %barrier3A_73 = arith.constant 0 : index
    tpu.barrier barrier_id(%barrier3A_73)
    %mul3A_74 = arith.constant 624 : i32
    %mul3A_75 = arith.muli %arg1, %mul3A_74 : i32
    %mul3A_76 = arith.constant 10000 : i32
    %mul3A_77 = arith.muli %arg0, %mul3A_76 : i32
    %mul3A_78 = arith.constant 624 : i32
    %mul3A_79 = arith.muli %arg1, %mul3A_78 : i32
    %add3A_80 = arith.addi %mul3A_77, %mul3A_79 : i32
    "tpu.region"() ({
      %run_scoped3A = tpu.sem_alloc : memref<!tpu.dma_semaphore, #tpu.memory_space<semaphore_mem>>
      %dma_start3A_86 = arith.constant 0 : i32
      %dma_start3A_87 = tpu.memref_slice %arg5[%add3A_80, %dma_start3A_86] : memref<20000x128xf32, #tpu.memory_space<hbm>> -> memref<624x128xf32, #tpu.memory_space<hbm>>
      %dma_start3A_88 = arith.constant 0 : i32
      %dma_start3A_89 = tpu.memref_slice %arg12[%mul3A_75, %dma_start3A_88] : memref<10128x128xf32, #tpu.memory_space<vmem_shared>> -> memref<624x128xf32, #tpu.memory_space<vmem_shared>>
      tpu.enqueue_dma source(%dma_start3A_89 : memref<624x128xf32, #tpu.memory_space<vmem_shared>>) target(%dma_start3A_87 : memref<624x128xf32, #tpu.memory_space<hbm>>) target_semaphore(%run_scoped3A : memref<!tpu.dma_semaphore, #tpu.memory_space<semaphore_mem>>)
      %dma_wait3A_90 = arith.constant 0 : i32
      %dma_wait3A_91 = tpu.memref_slice %arg5[%add3A_80, %dma_wait3A_90] : memref<20000x128xf32, #tpu.memory_space<hbm>> -> memref<624x128xf32, #tpu.memory_space<hbm>>
      %dma_wait3A_92 = arith.constant 0 : i32
      %dma_wait3A_93 = tpu.memref_slice %arg12[%mul3A_75, %dma_wait3A_92] : memref<10128x128xf32, #tpu.memory_space<vmem_shared>> -> memref<624x128xf32, #tpu.memory_space<vmem_shared>>
      tpu.wait_dma2 semaphore(%run_scoped3A : memref<!tpu.dma_semaphore, #tpu.memory_space<semaphore_mem>>) src(%dma_wait3A_93 : memref<624x128xf32, #tpu.memory_space<vmem_shared>>) dst(%dma_wait3A_91 : memref<624x128xf32, #tpu.memory_space<hbm>>)
      tpu.yield
    }) : () -> ()
    %eq3A_81 = arith.constant 0 : i32
    %eq3A_82 = arith.cmpi eq, %arg1, %eq3A_81 : i32
    %convert_element_type3A_83 = arith.extui %eq3A_82 : i1 to i32
    %cond3A_84 = arith.constant 0 : i32
    %cond3A_85 = arith.cmpi ne, %convert_element_type3A_83, %cond3A_84 : i32
    scf.if %cond3A_85 {
      %mul3A_86 = arith.constant 10000 : i32
      %mul3A_87 = arith.muli %arg0, %mul3A_86 : i32
      %add3A_88 = arith.constant 9984 : i32
      %add3A_89 = arith.addi %mul3A_87, %add3A_88 : i32
      "tpu.region"() ({
        %run_scoped3A = tpu.sem_alloc : memref<!tpu.dma_semaphore, #tpu.memory_space<semaphore_mem>>
        %dma_start3A_90 = arith.constant 0 : i32
        %dma_start3A_91 = tpu.memref_slice %arg5[%add3A_89, %dma_start3A_90] : memref<20000x128xf32, #tpu.memory_space<hbm>> -> memref<16x128xf32, #tpu.memory_space<hbm>>
        %dma_start3A_92 = arith.constant 9984 : i32
        %dma_start3A_93 = arith.constant 0 : i32
        %dma_start3A_94 = tpu.memref_slice %arg12[%dma_start3A_92, %dma_start3A_93] : memref<10128x128xf32, #tpu.memory_space<vmem_shared>> -> memref<16x128xf32, #tpu.memory_space<vmem_shared>>
        tpu.enqueue_dma source(%dma_start3A_94 : memref<16x128xf32, #tpu.memory_space<vmem_shared>>) target(%dma_start3A_91 : memref<16x128xf32, #tpu.memory_space<hbm>>) target_semaphore(%run_scoped3A : memref<!tpu.dma_semaphore, #tpu.memory_space<semaphore_mem>>)
        %dma_wait3A_95 = arith.constant 0 : i32
        %dma_wait3A_96 = tpu.memref_slice %arg5[%add3A_89, %dma_wait3A_95] : memref<20000x128xf32, #tpu.memory_space<hbm>> -> memref<16x128xf32, #tpu.memory_space<hbm>>
        %dma_wait3A_97 = arith.constant 9984 : i32
        %dma_wait3A_98 = arith.constant 0 : i32
        %dma_wait3A_99 = tpu.memref_slice %arg12[%dma_wait3A_97, %dma_wait3A_98] : memref<10128x128xf32, #tpu.memory_space<vmem_shared>> -> memref<16x128xf32, #tpu.memory_space<vmem_shared>>
        tpu.wait_dma2 semaphore(%run_scoped3A : memref<!tpu.dma_semaphore, #tpu.memory_space<semaphore_mem>>) src(%dma_wait3A_99 : memref<16x128xf32, #tpu.memory_space<vmem_shared>>) dst(%dma_wait3A_96 : memref<16x128xf32, #tpu.memory_space<hbm>>)
        tpu.yield
      }) : () -> ()
    } else {
    }
    return
  }
}

module attributes {stable_mosaic.version = 14 : i64} {
  func.func @_tc_lin0_body(%arg0: i32, %arg1: memref<1000x256xf32, #tpu.memory_space<vmem>>, %arg2: memref<256x256xf32, #tpu.memory_space<vmem>>, %arg3: memref<256x256xf32, #tpu.memory_space<vmem>>, %arg4: memref<2x1000x128xf32, #tpu.memory_space<vmem>>, %arg5: memref<1000x256xf32, #tpu.memory_space<vmem>>) attributes {dimension_semantics = [#tpu.dimension_semantics<arbitrary>], iteration_bounds = array<i64: 10>, scalar_prefetch = 0 : i64, scratch_operands = 0 : i64, tpu.core_type = #tpu.core_type<tc>, window_params = [{transform_indices = @transform_0, window_bounds = array<i64: 1000, 256>}, {pipeline_mode = #tpu.pipeline_mode<synchronous>, transform_indices = @transform_1, window_bounds = array<i64: 256, 256>}, {pipeline_mode = #tpu.pipeline_mode<synchronous>, transform_indices = @transform_2, window_bounds = array<i64: 256, 256>}, {transform_indices = @transform_3, window_bounds = array<i64: 2, 1000, 128>}, {transform_indices = @transform_4, window_bounds = array<i64: 1000, 256>}]} {
    %get3A = arith.constant 0 : index
    %get3A_0 = arith.constant 0 : index
    %get3A_1 = vector.load %arg1[%get3A, %get3A_0] : memref<1000x256xf32, #tpu.memory_space<vmem>>, vector<1000x256xf32>
    %get3A_2 = arith.constant 0 : index
    %get3A_3 = arith.constant 0 : index
    %get3A_4 = vector.load %arg2[%get3A_2, %get3A_3] : memref<256x256xf32, #tpu.memory_space<vmem>>, vector<256x256xf32>
    %dot_general3A = arith.constant dense<0.000000e+00> : vector<1000x256xf32>
    %dot_general3A_5 = tpu.matmul %get3A_1, %get3A_4, %dot_general3A {dimension_numbers = #tpu.dot_dimension_numbers<[1], [0], [0], [1], [0, 0, 1, 1], [], []>, precision = #tpu.contract_precision<fp32>, transpose_lhs_hint = false} : vector<1000x256xf32>, vector<256x256xf32>, vector<1000x256xf32> -> vector<1000x256xf32>
    %slice3A = vector.extract_strided_slice %dot_general3A_5 {offsets = [0, 0], sizes = [1000, 128], strides = [1, 1]} : vector<1000x256xf32> to vector<1000x128xf32>
    %swap3A = arith.constant 0 : index
    %swap3A_6 = arith.constant 0 : index
    %swap3A_7 = arith.constant 0 : index
    %swap3A_8 = vector.load %arg4[%swap3A, %swap3A_6, %swap3A_7] : memref<2x1000x128xf32, #tpu.memory_space<vmem>>, vector<1x1000x128xf32>
    %swap3A_9 = vector.shape_cast %swap3A_8 : vector<1x1000x128xf32> to vector<1000x128xf32>
    %swap3A_10 = vector.shape_cast %slice3A : vector<1000x128xf32> to vector<1x1000x128xf32>
    tpu.vector_store %arg4[%swap3A, %swap3A_6, %swap3A_7], %swap3A_10 {strides = array<i32>} : memref<2x1000x128xf32, #tpu.memory_space<vmem>>, vector<1x1000x128xf32>,
    %slice3A_11 = vector.extract_strided_slice %dot_general3A_5 {offsets = [0, 128], sizes = [1000, 128], strides = [1, 1]} : vector<1000x256xf32> to vector<1000x128xf32>
    %swap3A_12 = arith.constant 1 : index
    %swap3A_13 = arith.constant 0 : index
    %swap3A_14 = arith.constant 0 : index
    %swap3A_15 = vector.load %arg4[%swap3A_12, %swap3A_13, %swap3A_14] : memref<2x1000x128xf32, #tpu.memory_space<vmem>>, vector<1x1000x128xf32>
    %swap3A_16 = vector.shape_cast %swap3A_15 : vector<1x1000x128xf32> to vector<1000x128xf32>
    %swap3A_17 = vector.shape_cast %slice3A_11 : vector<1000x128xf32> to vector<1x1000x128xf32>
    tpu.vector_store %arg4[%swap3A_12, %swap3A_13, %swap3A_14], %swap3A_17 {strides = array<i32>} : memref<2x1000x128xf32, #tpu.memory_space<vmem>>, vector<1x1000x128xf32>,
    %get3A_18 = arith.constant 0 : index
    %get3A_19 = arith.constant 0 : index
    %get3A_20 = vector.load %arg3[%get3A_18, %get3A_19] : memref<256x256xf32, #tpu.memory_space<vmem>>, vector<256x256xf32>
    %dot_general3A_21 = arith.constant dense<0.000000e+00> : vector<1000x256xf32>
    %dot_general3A_22 = tpu.matmul %get3A_1, %get3A_20, %dot_general3A_21 {dimension_numbers = #tpu.dot_dimension_numbers<[1], [0], [0], [1], [0, 0, 1, 1], [], []>, precision = #tpu.contract_precision<fp32>, transpose_lhs_hint = false} : vector<1000x256xf32>, vector<256x256xf32>, vector<1000x256xf32> -> vector<1000x256xf32>
    %swap3A_23 = arith.constant 0 : index
    %swap3A_24 = arith.constant 0 : index
    %swap3A_25 = vector.load %arg5[%swap3A_23, %swap3A_24] : memref<1000x256xf32, #tpu.memory_space<vmem>>, vector<1000x256xf32>
    tpu.vector_store %arg5[%swap3A_23, %swap3A_24], %dot_general3A_22 {strides = array<i32>} : memref<1000x256xf32, #tpu.memory_space<vmem>>, vector<1000x256xf32>,
    return
  }
  func.func @transform_0(%arg0: i32) -> (i32, i32) {
    %c0_i32 = arith.constant 0 : i32
    %c0_i32_0 = arith.constant 0 : i32
    return %arg0, %c0_i32 : i32, i32
  }
  func.func @transform_1(%arg0: i32) -> (i32, i32) {
    %c0_i32 = arith.constant 0 : i32
    %c0_i32_0 = arith.constant 0 : i32
    %c0_i32_1 = arith.constant 0 : i32
    return %c0_i32, %c0_i32_0 : i32, i32
  }
  func.func @transform_2(%arg0: i32) -> (i32, i32) {
    %c0_i32 = arith.constant 0 : i32
    %c0_i32_0 = arith.constant 0 : i32
    %c0_i32_1 = arith.constant 0 : i32
    return %c0_i32, %c0_i32_0 : i32, i32
  }
  func.func @transform_3(%arg0: i32) -> (i32, i32, i32) {
    %c0_i32 = arith.constant 0 : i32
    %c0_i32_0 = arith.constant 0 : i32
    %c0_i32_1 = arith.constant 0 : i32
    return %c0_i32, %arg0, %c0_i32_0 : i32, i32, i32
  }
  func.func @transform_4(%arg0: i32) -> (i32, i32) {
    %c0_i32 = arith.constant 0 : i32
    %c0_i32_0 = arith.constant 0 : i32
    return %arg0, %c0_i32 : i32, i32
  }
}

module attributes {stable_mosaic.version = 14 : i64} {
  func.func @_tc_mid_body(%arg0: i32, %arg1: memref<2x1000x128xf32, #tpu.memory_space<vmem>>, %arg2: memref<2x1000x128xf32, #tpu.memory_space<vmem>>, %arg3: memref<1x256xf32, #tpu.memory_space<vmem>>, %arg4: memref<1000x256xf32, #tpu.memory_space<vmem>>, %arg5: memref<256x256xf32, #tpu.memory_space<vmem>>, %arg6: memref<256x256xf32, #tpu.memory_space<vmem>>, %arg7: memref<2x1000x128xf32, #tpu.memory_space<vmem>>, %arg8: memref<1000x256xf32, #tpu.memory_space<vmem>>) attributes {dimension_semantics = [#tpu.dimension_semantics<arbitrary>], iteration_bounds = array<i64: 10>, scalar_prefetch = 0 : i64, scratch_operands = 0 : i64, tpu.core_type = #tpu.core_type<tc>, window_params = [{transform_indices = @transform_0, window_bounds = array<i64: 2, 1000, 128>}, {transform_indices = @transform_1, window_bounds = array<i64: 2, 1000, 128>}, {pipeline_mode = #tpu.pipeline_mode<synchronous>, transform_indices = @transform_2, window_bounds = array<i64: 1, 256>}, {transform_indices = @transform_3, window_bounds = array<i64: 1000, 256>}, {pipeline_mode = #tpu.pipeline_mode<synchronous>, transform_indices = @transform_4, window_bounds = array<i64: 256, 256>}, {pipeline_mode = #tpu.pipeline_mode<synchronous>, transform_indices = @transform_5, window_bounds = array<i64: 256, 256>}, {transform_indices = @transform_6, window_bounds = array<i64: 2, 1000, 128>}, {transform_indices = @transform_7, window_bounds = array<i64: 1000, 256>}]} {
    %get3A = arith.constant 0 : index
    %get3A_0 = arith.constant 0 : index
    %get3A_1 = arith.constant 0 : index
    %get3A_2 = vector.load %arg2[%get3A, %get3A_0, %get3A_1] : memref<2x1000x128xf32, #tpu.memory_space<vmem>>, vector<1x1000x1xf32>
    %get3A_3 = vector.shape_cast %get3A_2 : vector<1x1000x1xf32> to vector<1000x1xf32>
    %get3A_4 = arith.constant 1 : index
    %get3A_5 = arith.constant 0 : index
    %get3A_6 = arith.constant 0 : index
    %get3A_7 = vector.load %arg2[%get3A_4, %get3A_5, %get3A_6] : memref<2x1000x128xf32, #tpu.memory_space<vmem>>, vector<1x1000x1xf32>
    %get3A_8 = vector.shape_cast %get3A_7 : vector<1x1000x1xf32> to vector<1000x1xf32>
    %add3A = arith.addf %get3A_3, %get3A_8 : vector<1000x1xf32>
    %max3A = arith.constant 1.000000e+00 : f32
    %max3A_9 = vector.broadcast %max3A : f32 to vector<1000x1xf32>
    %max3A_10 = arith.maximumf %add3A, %max3A_9 : vector<1000x1xf32>
    %get3A_11 = arith.constant 0 : index
    %get3A_12 = arith.constant 0 : index
    %get3A_13 = arith.constant 0 : index
    %get3A_14 = vector.load %arg1[%get3A_11, %get3A_12, %get3A_13] : memref<2x1000x128xf32, #tpu.memory_space<vmem>>, vector<1x1000x128xf32>
    %get3A_15 = vector.shape_cast %get3A_14 : vector<1x1000x128xf32> to vector<1000x128xf32>
    %get3A_16 = arith.constant 1 : index
    %get3A_17 = arith.constant 0 : index
    %get3A_18 = arith.constant 0 : index
    %get3A_19 = vector.load %arg1[%get3A_16, %get3A_17, %get3A_18] : memref<2x1000x128xf32, #tpu.memory_space<vmem>>, vector<1x1000x128xf32>
    %get3A_20 = vector.shape_cast %get3A_19 : vector<1x1000x128xf32> to vector<1000x128xf32>
    %concatenate3A = tpu.concatenate %get3A_15, %get3A_20 in 1 : vector<1000x128xf32>, vector<1000x128xf32> -> vector<1000x256xf32>
    %div3A = vector.broadcast %max3A_10 : vector<1000x1xf32> to vector<1000x256xf32>
    %div3A_21 = arith.divf %concatenate3A, %div3A : vector<1000x256xf32>
    %get3A_22 = arith.constant 0 : index
    %get3A_23 = arith.constant 0 : index
    %get3A_24 = vector.load %arg3[%get3A_22, %get3A_23] : memref<1x256xf32, #tpu.memory_space<vmem>>, vector<1x256xf32>
    %add3A_25 = vector.broadcast %get3A_24 : vector<1x256xf32> to vector<1000x256xf32>
    %add3A_26 = arith.addf %div3A_21, %add3A_25 : vector<1000x256xf32>
    %get3A_27 = arith.constant 0 : index
    %get3A_28 = arith.constant 0 : index
    %get3A_29 = vector.load %arg4[%get3A_27, %get3A_28] : memref<1000x256xf32, #tpu.memory_space<vmem>>, vector<1000x256xf32>
    %add3A_30 = arith.addf %add3A_26, %get3A_29 : vector<1000x256xf32>
    %max3A_31 = arith.constant 0.000000e+00 : f32
    %max3A_32 = vector.broadcast %max3A_31 : f32 to vector<1000x256xf32>
    %max3A_33 = arith.maximumf %add3A_30, %max3A_32 : vector<1000x256xf32>
    %get3A_34 = arith.constant 0 : index
    %get3A_35 = arith.constant 0 : index
    %get3A_36 = vector.load %arg5[%get3A_34, %get3A_35] : memref<256x256xf32, #tpu.memory_space<vmem>>, vector<256x256xf32>
    %dot_general3A = arith.constant dense<0.000000e+00> : vector<1000x256xf32>
    %dot_general3A_37 = tpu.matmul %max3A_33, %get3A_36, %dot_general3A {dimension_numbers = #tpu.dot_dimension_numbers<[1], [0], [0], [1], [0, 0, 1, 1], [], []>, precision = #tpu.contract_precision<fp32>, transpose_lhs_hint = false} : vector<1000x256xf32>, vector<256x256xf32>, vector<1000x256xf32> -> vector<1000x256xf32>
    %slice3A = vector.extract_strided_slice %dot_general3A_37 {offsets = [0, 0], sizes = [1000, 128], strides = [1, 1]} : vector<1000x256xf32> to vector<1000x128xf32>
    %swap3A = arith.constant 0 : index
    %swap3A_38 = arith.constant 0 : index
    %swap3A_39 = arith.constant 0 : index
    %swap3A_40 = vector.load %arg7[%swap3A, %swap3A_38, %swap3A_39] : memref<2x1000x128xf32, #tpu.memory_space<vmem>>, vector<1x1000x128xf32>
    %swap3A_41 = vector.shape_cast %swap3A_40 : vector<1x1000x128xf32> to vector<1000x128xf32>
    %swap3A_42 = vector.shape_cast %slice3A : vector<1000x128xf32> to vector<1x1000x128xf32>
    tpu.vector_store %arg7[%swap3A, %swap3A_38, %swap3A_39], %swap3A_42 {strides = array<i32>} : memref<2x1000x128xf32, #tpu.memory_space<vmem>>, vector<1x1000x128xf32>,
    %slice3A_43 = vector.extract_strided_slice %dot_general3A_37 {offsets = [0, 128], sizes = [1000, 128], strides = [1, 1]} : vector<1000x256xf32> to vector<1000x128xf32>
    %swap3A_44 = arith.constant 1 : index
    %swap3A_45 = arith.constant 0 : index
    %swap3A_46 = arith.constant 0 : index
    %swap3A_47 = vector.load %arg7[%swap3A_44, %swap3A_45, %swap3A_46] : memref<2x1000x128xf32, #tpu.memory_space<vmem>>, vector<1x1000x128xf32>
    %swap3A_48 = vector.shape_cast %swap3A_47 : vector<1x1000x128xf32> to vector<1000x128xf32>
    %swap3A_49 = vector.shape_cast %slice3A_43 : vector<1000x128xf32> to vector<1x1000x128xf32>
    tpu.vector_store %arg7[%swap3A_44, %swap3A_45, %swap3A_46], %swap3A_49 {strides = array<i32>} : memref<2x1000x128xf32, #tpu.memory_space<vmem>>, vector<1x1000x128xf32>,
    %get3A_50 = arith.constant 0 : index
    %get3A_51 = arith.constant 0 : index
    %get3A_52 = vector.load %arg6[%get3A_50, %get3A_51] : memref<256x256xf32, #tpu.memory_space<vmem>>, vector<256x256xf32>
    %dot_general3A_53 = arith.constant dense<0.000000e+00> : vector<1000x256xf32>
    %dot_general3A_54 = tpu.matmul %max3A_33, %get3A_52, %dot_general3A_53 {dimension_numbers = #tpu.dot_dimension_numbers<[1], [0], [0], [1], [0, 0, 1, 1], [], []>, precision = #tpu.contract_precision<fp32>, transpose_lhs_hint = false} : vector<1000x256xf32>, vector<256x256xf32>, vector<1000x256xf32> -> vector<1000x256xf32>
    %swap3A_55 = arith.constant 0 : index
    %swap3A_56 = arith.constant 0 : index
    %swap3A_57 = vector.load %arg8[%swap3A_55, %swap3A_56] : memref<1000x256xf32, #tpu.memory_space<vmem>>, vector<1000x256xf32>
    tpu.vector_store %arg8[%swap3A_55, %swap3A_56], %dot_general3A_54 {strides = array<i32>} : memref<1000x256xf32, #tpu.memory_space<vmem>>, vector<1000x256xf32>,
    return
  }
  func.func @transform_0(%arg0: i32) -> (i32, i32, i32) {
    %c0_i32 = arith.constant 0 : i32
    %c0_i32_0 = arith.constant 0 : i32
    %c0_i32_1 = arith.constant 0 : i32
    return %c0_i32, %arg0, %c0_i32_0 : i32, i32, i32
  }
  func.func @transform_1(%arg0: i32) -> (i32, i32, i32) {
    %c0_i32 = arith.constant 0 : i32
    %c0_i32_0 = arith.constant 0 : i32
    %c0_i32_1 = arith.constant 0 : i32
    return %c0_i32, %arg0, %c0_i32_0 : i32, i32, i32
  }
  func.func @transform_2(%arg0: i32) -> (i32, i32) {
    %c0_i32 = arith.constant 0 : i32
    %c0_i32_0 = arith.constant 0 : i32
    %c0_i32_1 = arith.constant 0 : i32
    return %c0_i32, %c0_i32_0 : i32, i32
  }
  func.func @transform_3(%arg0: i32) -> (i32, i32) {
    %c0_i32 = arith.constant 0 : i32
    %c0_i32_0 = arith.constant 0 : i32
    return %arg0, %c0_i32 : i32, i32
  }
  func.func @transform_4(%arg0: i32) -> (i32, i32) {
    %c0_i32 = arith.constant 0 : i32
    %c0_i32_0 = arith.constant 0 : i32
    %c0_i32_1 = arith.constant 0 : i32
    return %c0_i32, %c0_i32_0 : i32, i32
  }
  func.func @transform_5(%arg0: i32) -> (i32, i32) {
    %c0_i32 = arith.constant 0 : i32
    %c0_i32_0 = arith.constant 0 : i32
    %c0_i32_1 = arith.constant 0 : i32
    return %c0_i32, %c0_i32_0 : i32, i32
  }
  func.func @transform_6(%arg0: i32) -> (i32, i32, i32) {
    %c0_i32 = arith.constant 0 : i32
    %c0_i32_0 = arith.constant 0 : i32
    %c0_i32_1 = arith.constant 0 : i32
    return %c0_i32, %arg0, %c0_i32_0 : i32, i32, i32
  }
  func.func @transform_7(%arg0: i32) -> (i32, i32) {
    %c0_i32 = arith.constant 0 : i32
    %c0_i32_0 = arith.constant 0 : i32
    return %arg0, %c0_i32 : i32, i32
  }
}

module attributes {stable_mosaic.version = 14 : i64} {
  func.func @_tc_out_body(%arg0: i32, %arg1: memref<2x1000x128xf32, #tpu.memory_space<vmem>>, %arg2: memref<2x1000x128xf32, #tpu.memory_space<vmem>>, %arg3: memref<1x256xf32, #tpu.memory_space<vmem>>, %arg4: memref<1000x256xf32, #tpu.memory_space<vmem>>, %arg5: memref<1000x256xf32, #tpu.memory_space<vmem>>) attributes {dimension_semantics = [#tpu.dimension_semantics<arbitrary>], iteration_bounds = array<i64: 10>, scalar_prefetch = 0 : i64, scratch_operands = 0 : i64, tpu.core_type = #tpu.core_type<tc>, window_params = [{transform_indices = @transform_0, window_bounds = array<i64: 2, 1000, 128>}, {transform_indices = @transform_1, window_bounds = array<i64: 2, 1000, 128>}, {pipeline_mode = #tpu.pipeline_mode<synchronous>, transform_indices = @transform_2, window_bounds = array<i64: 1, 256>}, {transform_indices = @transform_3, window_bounds = array<i64: 1000, 256>}, {transform_indices = @transform_4, window_bounds = array<i64: 1000, 256>}]} {
    %get3A = arith.constant 0 : index
    %get3A_0 = arith.constant 0 : index
    %get3A_1 = arith.constant 0 : index
    %get3A_2 = vector.load %arg2[%get3A, %get3A_0, %get3A_1] : memref<2x1000x128xf32, #tpu.memory_space<vmem>>, vector<1x1000x1xf32>
    %get3A_3 = vector.shape_cast %get3A_2 : vector<1x1000x1xf32> to vector<1000x1xf32>
    %get3A_4 = arith.constant 1 : index
    %get3A_5 = arith.constant 0 : index
    %get3A_6 = arith.constant 0 : index
    %get3A_7 = vector.load %arg2[%get3A_4, %get3A_5, %get3A_6] : memref<2x1000x128xf32, #tpu.memory_space<vmem>>, vector<1x1000x1xf32>
    %get3A_8 = vector.shape_cast %get3A_7 : vector<1x1000x1xf32> to vector<1000x1xf32>
    %add3A = arith.addf %get3A_3, %get3A_8 : vector<1000x1xf32>
    %max3A = arith.constant 1.000000e+00 : f32
    %max3A_9 = vector.broadcast %max3A : f32 to vector<1000x1xf32>
    %max3A_10 = arith.maximumf %add3A, %max3A_9 : vector<1000x1xf32>
    %get3A_11 = arith.constant 0 : index
    %get3A_12 = arith.constant 0 : index
    %get3A_13 = arith.constant 0 : index
    %get3A_14 = vector.load %arg1[%get3A_11, %get3A_12, %get3A_13] : memref<2x1000x128xf32, #tpu.memory_space<vmem>>, vector<1x1000x128xf32>
    %get3A_15 = vector.shape_cast %get3A_14 : vector<1x1000x128xf32> to vector<1000x128xf32>
    %get3A_16 = arith.constant 1 : index
    %get3A_17 = arith.constant 0 : index
    %get3A_18 = arith.constant 0 : index
    %get3A_19 = vector.load %arg1[%get3A_16, %get3A_17, %get3A_18] : memref<2x1000x128xf32, #tpu.memory_space<vmem>>, vector<1x1000x128xf32>
    %get3A_20 = vector.shape_cast %get3A_19 : vector<1x1000x128xf32> to vector<1000x128xf32>
    %concatenate3A = tpu.concatenate %get3A_15, %get3A_20 in 1 : vector<1000x128xf32>, vector<1000x128xf32> -> vector<1000x256xf32>
    %div3A = vector.broadcast %max3A_10 : vector<1000x1xf32> to vector<1000x256xf32>
    %div3A_21 = arith.divf %concatenate3A, %div3A : vector<1000x256xf32>
    %get3A_22 = arith.constant 0 : index
    %get3A_23 = arith.constant 0 : index
    %get3A_24 = vector.load %arg3[%get3A_22, %get3A_23] : memref<1x256xf32, #tpu.memory_space<vmem>>, vector<1x256xf32>
    %add3A_25 = vector.broadcast %get3A_24 : vector<1x256xf32> to vector<1000x256xf32>
    %add3A_26 = arith.addf %div3A_21, %add3A_25 : vector<1000x256xf32>
    %get3A_27 = arith.constant 0 : index
    %get3A_28 = arith.constant 0 : index
    %get3A_29 = vector.load %arg4[%get3A_27, %get3A_28] : memref<1000x256xf32, #tpu.memory_space<vmem>>, vector<1000x256xf32>
    %add3A_30 = arith.addf %add3A_26, %get3A_29 : vector<1000x256xf32>
    %reduce_max3A = arith.constant dense<0xFF800000> : vector<1000xf32>
    %reduce_max3A_31 = vector.multi_reduction <maximumf>, %add3A_30, %reduce_max3A [1] : vector<1000x256xf32> to vector<1000xf32>
    %broadcast_in_dim3A = vector.shape_cast %reduce_max3A_31 : vector<1000xf32> to vector<1000x1xf32>
    %sub3A = vector.broadcast %broadcast_in_dim3A : vector<1000x1xf32> to vector<1000x256xf32>
    %sub3A_32 = arith.subf %add3A_30, %sub3A : vector<1000x256xf32>
    %exp3A = math.exp %sub3A_32 : vector<1000x256xf32>
    %reduce_sum3A = arith.constant dense<0.000000e+00> : vector<1000xf32>
    %reduce_sum3A_33 = vector.multi_reduction <add>, %exp3A, %reduce_sum3A [1] : vector<1000x256xf32> to vector<1000xf32>
    %broadcast_in_dim3A_34 = vector.shape_cast %reduce_sum3A_33 : vector<1000xf32> to vector<1000x1xf32>
    %log3A = math.log %broadcast_in_dim3A_34 : vector<1000x1xf32>
    %add3A_35 = arith.addf %broadcast_in_dim3A, %log3A : vector<1000x1xf32>
    %sub3A_36 = vector.broadcast %add3A_35 : vector<1000x1xf32> to vector<1000x256xf32>
    %sub3A_37 = arith.subf %add3A_30, %sub3A_36 : vector<1000x256xf32>
    %swap3A = arith.constant 0 : index
    %swap3A_38 = arith.constant 0 : index
    %swap3A_39 = vector.load %arg5[%swap3A, %swap3A_38] : memref<1000x256xf32, #tpu.memory_space<vmem>>, vector<1000x256xf32>
    tpu.vector_store %arg5[%swap3A, %swap3A_38], %sub3A_37 {strides = array<i32>} : memref<1000x256xf32, #tpu.memory_space<vmem>>, vector<1000x256xf32>,
    return
  }
  func.func @transform_0(%arg0: i32) -> (i32, i32, i32) {
    %c0_i32 = arith.constant 0 : i32
    %c0_i32_0 = arith.constant 0 : i32
    %c0_i32_1 = arith.constant 0 : i32
    return %c0_i32, %arg0, %c0_i32_0 : i32, i32, i32
  }
  func.func @transform_1(%arg0: i32) -> (i32, i32, i32) {
    %c0_i32 = arith.constant 0 : i32
    %c0_i32_0 = arith.constant 0 : i32
    %c0_i32_1 = arith.constant 0 : i32
    return %c0_i32, %arg0, %c0_i32_0 : i32, i32, i32
  }
  func.func @transform_2(%arg0: i32) -> (i32, i32) {
    %c0_i32 = arith.constant 0 : i32
    %c0_i32_0 = arith.constant 0 : i32
    %c0_i32_1 = arith.constant 0 : i32
    return %c0_i32, %c0_i32_0 : i32, i32
  }
  func.func @transform_3(%arg0: i32) -> (i32, i32) {
    %c0_i32 = arith.constant 0 : i32
    %c0_i32_0 = arith.constant 0 : i32
    return %arg0, %c0_i32 : i32, i32
  }
  func.func @transform_4(%arg0: i32) -> (i32, i32) {
    %c0_i32 = arith.constant 0 : i32
    %c0_i32_0 = arith.constant 0 : i32
    return %arg0, %c0_i32 : i32, i32
  }
}

</mosaic_0001>

<sc_bundles>
// kernel: kernel.11.cloned.1.call-start
scs
__scs_entry_jumppad:
0x0: {  	(pc) =	sbr.rel $0x88, $3  }
0x1: {  	(tag) =	ssettag $0x0;
	lr =	simm.s32 $0x1  }
0x2: {  	[smem:$0x3F99] =	sst lr;
	_ =	strace $0xD0000000  }
0x3: {  	_ = 	snop  }
0x4: {  	_ = 	snop  }
0x5: {  	_ = 	snop  }
0x6: {  	_ = 	snop  }
0x7: {  	_ = 	snop  }
__scs_overlays_trampoline_lowered:
0x8: {  	[smem:$0x3FA8] =	sst s0  }
0x9: {  	[smem:$0x3FA9] =	sst s1  }
0xa: {  	[smem:$0x3FAA] =	sst s2  }
0xb: {  	[smem:$0x3FAB] =	sst s3  }
0xc: {  	[smem:$0x3FAC] =	sst s4  }
0xd: {  	[smem:$0x3FAD] =	sst s5  }
0xe: {  	[smem:$0x3FAE] =	sst s6  }
0xf: {  	[smem:$0x3FAF] =	sst s7  }
0x10: {  	[smem:$0x3FB0] =	sst s8  }
0x11: {  	[smem:$0x3FB1] =	sst s9;
	s0 =	simm.s32 @!p0 $0x0  }
0x12: {  	s1 =	sld [smem:$0x3F97];
	s0 =	simm.s32 @p0 $0x1  }
0x13: {  	[smem:$0x3FB2] =	sst s0;
	s0 =	simm.s32 @!p1 $0x0  }
0x14: {  	s2 =	sld [smem:$0x3F96];
	s0 =	simm.s32 @p1 $0x1  }
0x15: {  	[smem:$0x3FB3] =	sst s0;
	s0 =	simm.s32 @!p2 $0x0  }
0x16: {  	s3 =	sld [smem:$0x3FDB];
	s0 =	simm.s32 @p2 $0x1  }
0x17: {  	s4 =	simm.s32 $0x1BF5;
	[smem:$0x3FB5] =	sst s0  }
0x18: {  	s0 =	sld [smem:$0x3F98];
	_ =	swait.ge [sflag:s4], $0x0  }
0x19: {  	s7 =	sld [smem:$0x3F99]  }
0x1a: {  	s8 =	sadd.s32 $0xFFFFE003, lr  }
0x1b: {  	s9 =	sadd.s32 $0xFFFFFEF7, lr;
	s5 =	simm.s32 $0xFFFFFFFF;
	p2 =	slt.u32 s8, $0xFFFFF086  }
0x1c: {  	p1 =	slt.u32 s9, $0xF7A;
	s5 =	simm.s32 @!p2 $0x0  }
0x1d: {  	s5 =	simm.s32 @p1 $0x1;
	p0 =	seq.s32 s7, s2  }
0x1e: {  	s7 =	smul.u32 @!p0 $0xF7A, s2;
	p2 =	seq.s32 @!p0 s5, $0x0  }
0x1f: {  	s9 =	smul.u32 $0xF7A, s1;
	s8 =	simm.s32 @!p0 $0x1BF5;
	p2 =	por !p2, p0  }
0x20: {  	[sflag:s8] =	ssyncset.s32 @!p0 $0xFFFFF086;
	s6 =	sadd.s32 @!p0 s3, s7;
	s7 =	simm.s32 @!p0 $0x108  }
0x21: {  	s3 =	sadd.s32 s3, s9;
	s6 =	sadd.s32 @!p0 $0x88, s6;
	s7 =	simm.s32 @p2 $0x1082  }
0x22: {  	[simem:s7], [sflag:s8] =	dma.local @!p0 [hbm:s6], $0xF7A  }
0x23: {  	s9 =	sor.u32 $0xD0000000, s2;
	s6 =	simm.s32 $0x108;
	_ =	swait.ge @!p0 [sflag:s8], $0x0  }
0x24: {  	s3 =	sadd.s32 $0x88, s3;
	s6 =	simm.s32 @!p1 $0x1082;
	[sflag:s4] =	ssyncset.s32 $0xFFFFF086  }
0x25: {  	[simem:s6], [sflag:s4] =	dma.local [hbm:s3], $0xF7A  }
0x26: {  	[smem:$0x3F99] =	sst s1;
	(tag) =	ssettag s2;
	_ =	strace s9  }
0x27: {  	s1 =	sld [smem:$0x3FA9]  }
0x28: {  	s2 =	sld [smem:$0x3FAA]  }
0x29: {  	s4 =	sld [smem:$0x3FAC]  }
0x2a: {  	p0 =	seq.s32 s5, $0x0;
	s5 =	sld [smem:$0x3FAD]  }
0x2b: {  	s6 =	sld [smem:$0x3FAE]  }
0x2c: {  	s7 =	sld [smem:$0x3FAF]  }
0x2d: {  	s3 =	simm.s32 $0x108;
	s8 =	sld [smem:$0x3FB0]  }
0x2e: {  	s3 =	simm.s32 @!p0 $0x1082;
	s9 =	sld [smem:$0x3FB1]  }
0x2f: {  	lr =	sadd.s32 s0, s3;
	s0 =	sld [smem:$0x3FA8]  }
0x30: {  	s3 =	sld [smem:$0x3FAB]  }
0x31: {  	[smem:$0x3FB4] =	sst s10  }
0x32: {  	s10 =	sld [smem:$0x3FB2];
	_ =	sdelay $0x3  }
0x33: {  	p0 =	seq.s32 s10, $0x1;
	s10 =	sld [smem:$0x3FB4];
	_ =	sdelay $0x3  }
0x34: {  	[smem:$0x3FB4] =	sst s10  }
0x35: {  	s10 =	sld [smem:$0x3FB3];
	_ =	sdelay $0x3  }
0x36: {  	p1 =	seq.s32 s10, $0x1;
	s10 =	sld [smem:$0x3FB4];
	_ =	sdelay $0x3  }
0x37: {  	[smem:$0x3FB4] =	sst s10  }
0x38: {  	s10 =	sld [smem:$0x3FB5]  }
0x39: {  	_ = 	snop;
	(pc) =	sbr.ind lr, $3  }
0x3a: {  	_ = 	snop  }
0x3b: {  	_ = 	snop  }
0x3c: {  	p2 =	seq.s32 s10, $0x1;
	s10 =	sld [smem:$0x3FB4]  }
0x3d: {  	_ =	shalt  }
0x3e: {  	_ =	shalt  }
0x3f: {  	_ =	shalt  }
0x40: {  	_ =	shalt  }
0x41: {  	_ =	shalt  }
0x42: {  	_ =	shalt  }
0x43: {  	_ =	shalt  }
0x44: {  	_ =	shalt  }
0x45: {  	_ =	shalt  }
0x46: {  	_ =	shalt  }
0x47: {  	_ =	shalt  }
0x48: {  	_ =	shalt  }
0x49: {  	_ =	shalt  }
0x4a: {  	_ =	shalt  }
0x4b: {  	_ =	shalt  }
0x4c: {  	_ =	shalt  }
0x4d: {  	_ =	shalt  }
0x4e: {  	_ =	shalt  }
0x4f: {  	_ =	shalt  }
0x50: {  	_ =	shalt  }
0x51: {  	_ =	shalt  }
0x52: {  	_ =	shalt  }
0x53: {  	_ =	shalt  }
0x54: {  	_ =	shalt  }
0x55: {  	_ =	shalt  }
0x56: {  	_ =	shalt  }
0x57: {  	_ =	shalt  }
0x58: {  	_ =	shalt  }
0x59: {  	_ =	shalt  }
0x5a: {  	_ =	shalt  }
0x5b: {  	_ =	shalt  }
0x5c: {  	_ =	shalt  }
0x5d: {  	_ =	shalt  }
0x5e: {  	_ =	shalt  }
0x5f: {  	_ =	shalt  }
0x60: {  	_ =	shalt  }
0x61: {  	_ =	shalt  }
0x62: {  	_ =	shalt  }
0x63: {  	_ =	shalt  }
0x64: {  	_ =	shalt  }
0x65: {  	_ =	shalt  }
0x66: {  	_ =	shalt  }
0x67: {  	_ =	shalt  }
0x68: {  	_ =	shalt  }
0x69: {  	_ =	shalt  }
0x6a: {  	_ =	shalt  }
0x6b: {  	_ =	shalt  }
0x6c: {  	_ =	shalt  }
0x6d: {  	_ =	shalt  }
0x6e: {  	_ =	shalt  }
0x6f: {  	_ =	shalt  }
0x70: {  	_ =	shalt  }
0x71: {  	_ =	shalt  }
0x72: {  	_ =	shalt  }
0x73: {  	_ =	shalt  }
0x74: {  	_ =	shalt  }
0x75: {  	_ =	shalt  }
0x76: {  	_ =	shalt  }
0x77: {  	_ =	shalt  }
0x78: {  	_ =	shalt  }
0x79: {  	_ =	shalt  }
0x7a: {  	_ =	shalt  }
0x7b: {  	_ =	shalt  }
0x7c: {  	_ =	shalt  }
0x7d: {  	_ =	shalt  }
0x7e: {  	_ =	shalt  }
0x7f: {  	_ =	shalt  }
0x80: {  	_ =	shalt  }
0x81: {  	_ =	shalt  }
0x82: {  	_ =	shalt  }
0x83: {  	_ =	shalt  }
0x84: {  	_ =	shalt  }
0x85: {  	_ =	shalt  }
0x86: {  	_ =	shalt  }
0x87: {  	_ =	shalt  }
.Lfunc_end0:
.L_simem_size_0:
called_computation.1_lowered:
.L_overlay_start_0:
0x88: {  	s2 =	sld [smem:$0x3FD9]  }
0x89: {  	s3 =	sld [smem:$0x3FFE];
	_ =	sdelay $0x1  }
0x8a: {  	s1 =	srdreg.scid  }
0x8b: {  	s0 =	sand.u32 $0x1, s1  }
0x8c: {  	s17 =	sshll.u32 s0, $0xA;
	s2 =	sadd.s32 s3, s2  }
0x8d: {  	s2 =	sadd.s32 s2, s17  }
0x8e: {  	[smem:$0x3FC0] =	sst s2  }
0x8f: {  	_ = 	snop  }
0x90: {  	s18 =	sld [smem:$0x3FD0];
	(tm) =	ssettm $0x1  }
0x91: {  	s19 =	sld [smem:$0x3FFB];
	_ =	sdelay $0x3  }
0x92: {  	_ =	strace s19  }
0x93: {  	s2 =	sld [smem:$0x3FFC];
	_ =	sdelay $0x3  }
0x94: {  	_ =	strace s2  }
0x95: {  	s2 =	sld [smem:$0x3FFD];
	_ =	sdelay $0x3  }
0x96: {  	_ =	strace s2  }
0x97: {  	_ =	strace $0x8FFFFFFF  }
0x98: {  	s20 =	sld [smem:$0x3FDB];
	_ =	sdelay $0x1  }
0x99: {  	s4 =	simm.s32 $_scs_section_size  }
0x9a: {  	s5 =	simm.s32 $_size__tile_overlayer_lowered;
	s6 =	simm.s32 $_tile_overlayer_lowered  }
0x9b: {  	s7 =	simm.s32 $0x1BFF;
	s21 =	sshll.u32 s6, $0x1;
	s4 =	sadd.s32 s4, s20  }
0x9c: {  	s22 =	simm.s32 $0x0;
	s5 =	sshll.u32 s5, $0x1;
	s6 =	sadd.s32 s21, s4  }
0x9d: {  	[timem:s22], [sflag:s7] =	dma.local [hbm:s6], s5  }
0x9e: {  	_ =	swait.ge [sflag:s7], s5  }
0x9f: {  	s5 =	ssub.s32 $0x0, s5;
	[sflag:s7] =	ssyncset.done $0x0  }
0xa0: {  	[sflag:s7] =	ssyncadd.s32 s5;
	_ =	sdelay $0x1  }
0xa1: {  	s23 =	simm.s32 $0x1B8B  }
0xa2: {  	_ =	swait.ge [sflag:s23], $0x1  }
0xa3: {  	[sflag:s23] =	ssyncset.done $0x0  }
0xa4: {  	[sflag:s23] =	ssyncadd.s32 $0xFFFFFFFF  }
0xa5: {  	s5 =	sld [smem:$0x0]  }
0xa6: {  	s6 =	sand.u32 $0xFFFFFFFE, s1  }
0xa7: {  	p0 =	sne.s32 s1, s6  }
0xa8: {  	s6 =	sshll.u32 @p0 s6, $0xE  }
0xa9: {  	s6 =	sadd.s32 @p0 $0x11B8D, s6;
	s7 =	sshll.u32 @p0 s5, $0x11  }
0xaa: {  	s6 =	sor.u32 @p0 s7, s6  }
0xab: {  	[sflag:s6] =	ssyncadd.remote.s32 @p0 $0x1;
	_ =	sdelay $0x1  }
0xac: {  	s6 =	simm.s32 @p0 $0x1B8D  }
0xad: {  	_ =	swait.eq @p0 [sflag:s6], $0x1  }
0xae: {  	[sflag:s6] =	ssyncadd.s32 @p0 $0xFFFFFFFF  }
0xaf: {  	s7 =	sshll.u32 @!p0 s1, $0xE  }
0xb0: {  	s7 =	sor.u32 @!p0 $0x4000, s7;
	s6 =	simm.s32 @!p0 $0x1B8D  }
0xb1: {  	s5 =	sshll.u32 @!p0 s5, $0x11;
	s7 =	sadd.s32 @!p0 $0x11B8D, s7;
	_ =	swait.eq @!p0 [sflag:s6], $0x1  }
0xb2: {  	s5 =	sor.u32 @!p0 s5, s7;
	[sflag:s6] =	ssyncadd.s32 @!p0 $0xFFFFFFFF  }
0xb3: {  	s25 =	simm.s32 $0x1B8E;
	s24 =	sld [smem:$0x3FFE];
	[sflag:s5] =	ssyncadd.remote.s32 @!p0 $0x1  }
0xb4: {  	s26 =	simm.s32 $execute0_lowered;
	[smem:$0x3FD2] =	sst s25  }
0xb5: {  	s6 =	sshll.u32 s26, $0x1;
	_ =	strace $0x80000049;
	[dreg:$0x1] =	wrdreg $0xFFFFFFFF  }
0xb6: {  	s28 =	simm.s32 $_size_execute0_lowered;
	s4 =	sadd.s32 s4, s6;
	[dreg:$0x0] =	wrdreg $0x0  }
0xb7: {  	s6 =	sshll.u32 s28, $0x1;
	[dreg:$0x2] =	wrdreg s4  }
0xb8: {  	[dreg:$0x3] =	wrdreg s6  }
0xb9: {  	[dreg:$0x4] =	wrdreg $0xC0  }
0xba: {  	_ =	task [dreg:s22], $0x5FFFF  }
0xbb: {  	[dreg:$0x1] =	wrdreg $0xFFFFFFFF  }
0xbc: {  	[dreg:$0x0] =	wrdreg $0x60  }
0xbd: {  	[dreg:$0x2] =	wrdreg s18  }
0xbe: {  	[dreg:$0x3] =	wrdreg s24  }
0xbf: {  	[dreg:$0x4] =	wrdreg $0x82000  }
0xc0: {  	[dreg:$0x5] =	wrdreg $0xA  }
0xc1: {  	_ =	task.clear_ibuf [dreg:s22], $0x6FFFF;
	_ =	strace $0x90000049  }
0xc2: {  	s29 =	simm.s32 $0xA;
	_ =	strace $0x8000004B  }
0xc3: {  	_ =	swait.ge [sflag:s29], $0x1  }
0xc4: {  	[sflag:s29] =	ssyncadd.s32 $0xFFFFFFFF  }
0xc5: {  	_ =	strace $0x9000004B  }
0xc6: {  	_ =	sfence  }
0xc7: {  	s30 =	sld [smem:$0x0];
	_ =	sdelay $0x2  }
0xc8: {  	s31 =	sshll.u32 s1, $0xD;
	s1 =	sshrl.u32 s1, $0x2  }
0xc9: {  	s4 =	sand.u32 $0x4000, s31;
	s1 =	sadd.s32 s1, s30  }
0xca: {  	s0 =	sor.u32 s4, s0;
	s1 =	sshll.u32 s1, $0x11  }
0xcb: {  	s0 =	sor.u32 s1, s0  }
0xcc: {  	s0 =	sadd.s32 $0x8F2B, s0  }
0xcd: {  	[sflag:s0] =	ssyncadd.remote.s32 $0x1  }
0xce: {  	_ =	sfence.sel $0xFFFF  }
0xcf: {  	[dreg:$0x0] =	wrdreg $0xFFFFFFFF;
	(pc) =	sbr.abs _section_cstart, $3  }
0xd0: {  	[dreg:$0x1] =	wrdreg $0xFFFFFFFF  }
0xd1: {  	_ =	task.clear_ibuf [dreg:s22], $0x2FFFF;
	_ =	strace $0x9FFFFFFF  }
0xd2: {  	(tm) =	ssettm $0x7FFFFFFF  }
0xd3: {  	_ =	shalt  }
tec
execute0_lowered:
.L_overlay_start_1:
0x0: {  	(tag) =	ssettag $0x1  }
0x1: {  	s1 =	rddreg [dreg:$0x0]  }
0x2: {  	s0 =	rddreg [dreg:$0x1]  }
0x3: {  	s2 =	rddreg [dreg:$0x2];
	s3 =	simm.s32 $0x0  }
0x4: {  	s26 =	stileid.u32;
	s4 =	srdreg.scid;
	s28 =	simm.s32 $0x3  }
0x5: {  	s29 =	simm.s32 $0x100;
	s30 =	simm.s32 $0x180;
	s31 =	simm.s32 $0x1  }
0x6: {  	[smem:$0x7FF] =	sst s3;
	s6 =	smul.u32 $0x4E000, s26;
	s5 =	sadd.s32 $0xA9000, s0  }
0x7: {  	s7 =	sadd.s32 $0x2C00, s0;
	s4 =	sand.u32 $0x1, s4;
	s0 =	sadd.s32 $0xB2E00, s0  }
0x8: {  	s10 =	smul.u32 $0x2700, s26;
	s17 =	sshll.u32 s26, $0x7;
	s15 =	sshll.u32 s26, $0x4  }
0x9: {  	p0 =	sne.s32 s26, $0x0;
	p1 =	sgt.u32 s26, $0x1;
	s6 =	sshrl.u32 s6, $0x2  }
0xa: {  	_ =	strace $0x8000004A;
	s25 =	smul.u32 $0x27100, s4;
	s6 =	sadd.s32 s6, s2  }
0xb: {  	s8 =	ssub.s32 $0x2, s4;
	s4 =	smul.u32 $0x138800, s4;
	s24 =	sadd.s32 $0x3400, s6  }
0xc: {  	s9 =	sshrl.u32 s8, $0x1;
	s11 =	sadd.s32 $0x6800, s6;
	[dreg:$0x4] =	wrdreg s24  }
0xd: {  	s8 =	ssub.s32 s8, s9;
	s16 =	sadd.s32 $0x9C00, s6;
	[dreg:$0x5] =	wrdreg s11  }
0xe: {  	s22 =	sadd.s32 s17, s25;
	s12 =	sadd.s32 $0xD000, s6;
	[dreg:$0x6] =	wrdreg s16  }
0xf: {  	s23 =	sadd.s32 s10, s25;
	s18 =	sadd.s32 $0x10400, s6;
	[dreg:$0x7] =	wrdreg s12  }
0x10: {  	s4 =	sshrl.u32 s4, $0x3;
	s13 =	sshrl.u32 s22, $0x3;
	[dreg:$0x8] =	wrdreg s18  }
0x11: {  	s12 =	sadd.s32 $0x138000, s2;
	s11 =	sor.u32 $0x800, s17;
	s13 =	sadd.s32 s5, s13  }
0x12: {  	s18 =	sor.u32 $0x4E0, s26;
	s24 =	sadd.s32 $0x1800, s22;
	s22 =	sadd.s32 $0x1000, s22  }
0x13: {  	s26 =	simm.s32 $0x80;
	[dreg:$0x9] =	wrdreg s13;
	s14 =	sadd.s32 s25, s11  }
0x14: {  	s17 =	sshll.u32 s18, $0x7;
	s11 =	sshrl.u32 s11, $0x3;
	s21 =	sshll.u32 s18, $0x4  }
0x15: {  	s16 =	sshrl.u32 s14, $0x3;
	s14 =	sadd.s32 s7, s15;
	s20 =	sadd.s32 s25, s17  }
0x16: {  	s18 =	sadd.s32 s7, s21;
	s21 =	smax.u32 s8, $0x1;
	s25 =	sshrl.u32 s24, $0x3  }
0x17: {  	s24 =	simm.s32 $0x200;
	s8 =	simm.s32 $0x0;
	s19 =	sadd.s32 s5, s16  }
0x18: {  	s17 =	sshrl.u32 s20, $0x3;
	s16 =	sadd.s32 s7, s11;
	s7 =	simm.s32 $0x2  }
0x19: {  	[dreg:$0xa] =	wrdreg s19;
	s17 =	sadd.s32 s5, s17;
	s19 =	sadd.s32 s0, s23  }
0x1a: {  	s0 =	sadd.s32 s0, s4;
	s23 =	sadd.s32 s25, s5;
	s25 =	simm.s32 $0x5  }
0x1b: {  	v0 =	vimm.f32 $0.0e+00;
	s4 =	simm.s32 $0x4200;
	s20 =	sadd.s32 $0x27000, s0;
	s0 =	simm.s32 $0x4  }
.LBB2_1:
0x1c: {  	s9 =	simm.s32 $0x0;
	s10 =	simm.s32 $0x200  }
.LBB2_2:
0x1d: {  	p2 =	sne.s32 s10, $0xCE00;
	[tilespmem:s9+$0x270] =	vst v0  }
0x1e: {  	[tilespmem:s9+$0x200] =	vst v0  }
0x1f: {  	[tilespmem:s9+$0x210] =	vst v0  }
.Ltmp0:
0x20: {  	[tilespmem:s9+$0x220] =	vst v0;
	(pc) =	sbr.rel @p2 .LBB2_2-.Ltmp0, $4  }
0x21: {  	[tilespmem:s9+$0x230] =	vst v0  }
0x22: {  	[tilespmem:s9+$0x240] =	vst v0  }
0x23: {  	[tilespmem:s9+$0x250] =	vst v0  }
0x24: {  	[tilespmem:s9+$0x260] =	vst v0;
	s9 =	sshra.s32 s10, $0x2;
	s10 =	sadd.s32 $0x200, s10  }
0x25: {  	[tilespmem:s9+$0x270] =	vst v0  }
0x26: {  	[tilespmem:s9+$0x200] =	vst v0  }
0x27: {  	[tilespmem:s9+$0x210] =	vst v0  }
0x28: {  	[tilespmem:s9+$0x220] =	vst v0  }
0x29: {  	[tilespmem:s9+$0x230] =	vst v0  }
0x2a: {  	[tilespmem:s9+$0x240] =	vst v0  }
0x2b: {  	[tilespmem:s9+$0x250] =	vst v0  }
0x2c: {  	[tilespmem:s9+$0x260] =	vst v0  }
0x2d: {  	[spmem:s6] =	stream.linear.scatter [tilespmem:s24], [sflag:$0x5], $0x3400, $0x38;
	[tilespmem:$0x1BE80] =	vst v63  }
0x2e: {  	_ =	swait.ge [sflag:s25], $0x3400  }
0x2f: {  	[sflag:s25] =	ssyncset.done $0x0  }
0x30: {  	s11 =	rddreg [dreg:$0x4];
	[sflag:s25] =	ssyncadd.s32 $0xFFFFCC00  }
0x31: {  	[spmem:s11] =	stream.linear.scatter [tilespmem:s24], [sflag:$0x5], $0x3400, $0x38;
	[tilespmem:$0x1BE80] =	vst v63  }
0x32: {  	_ =	swait.ge [sflag:s25], $0x3400  }
0x33: {  	[sflag:s25] =	ssyncset.done $0x0  }
0x34: {  	s13 =	rddreg [dreg:$0x5];
	[sflag:s25] =	ssyncadd.s32 $0xFFFFCC00  }
0x35: {  	[spmem:s13] =	stream.linear.scatter [tilespmem:s24], [sflag:$0x5], $0x3400, $0x38;
	[tilespmem:$0x1BE80] =	vst v63  }
0x36: {  	_ =	swait.ge [sflag:s25], $0x3400  }
0x37: {  	[sflag:s25] =	ssyncset.done $0x0  }
0x38: {  	s15 =	rddreg [dreg:$0x6];
	[sflag:s25] =	ssyncadd.s32 $0xFFFFCC00  }
0x39: {  	[spmem:s15] =	stream.linear.scatter [tilespmem:s24], [sflag:$0x5], $0x3400, $0x38;
	[tilespmem:$0x1BE80] =	vst v63  }
0x3a: {  	_ =	swait.ge [sflag:s25], $0x3400  }
0x3b: {  	[sflag:s25] =	ssyncset.done $0x0  }
0x3c: {  	s10 =	rddreg [dreg:$0x7];
	[sflag:s25] =	ssyncadd.s32 $0xFFFFCC00  }
0x3d: {  	[spmem:s10] =	stream.linear.scatter [tilespmem:s24], [sflag:$0x5], $0x3400, $0x38;
	[tilespmem:$0x1BE80] =	vst v63  }
0x3e: {  	_ =	swait.ge [sflag:s25], $0x3400  }
0x3f: {  	[sflag:s25] =	ssyncset.done $0x0  }
0x40: {  	s11 =	rddreg [dreg:$0x8];
	[sflag:s25] =	ssyncadd.s32 $0xFFFFCC00  }
0x41: {  	[spmem:s11] =	stream.linear.scatter [tilespmem:s24], [sflag:$0x5], $0x3400, $0x38;
	[tilespmem:$0x1BE80] =	vst v63  }
0x42: {  	_ =	swait.ge [sflag:s25], $0x3400  }
0x43: {  	[sflag:s25] =	ssyncset.done $0x0  }
0x44: {  	s9 =	simm.s32 @!p0 $0x200;
	[sflag:s25] =	ssyncadd.s32 $0xFFFFCC00  }
0x45: {  	[spmem:s12] =	stream.linear.scatter @!p0 [tilespmem:s9], [sflag:$0x5], $0x800, $0x38;
	[tilespmem:$0x1BE80] =	vst v63  }
0x46: {  	s9 =	simm.s32 @!p0 $0x5  }
0x47: {  	_ =	swait.ge @!p0 [sflag:s9], $0x800  }
0x48: {  	[sflag:s9] =	ssyncset.done @!p0 $0x0  }
0x49: {  	[sflag:s9] =	ssyncadd.s32 @!p0 $0xFFFFF800  }
0x4a: {  	[bflag:$0x0] =	sbarrier.arrive $0xFFFF  }
0x4b: {  	s13 =	simm.s32 $0x0;
	s10 =	rddreg [dreg:$0x9]  }
0x4c: {  	[tilespmem:s13], [sflag:$0x3] =	stream.linear.gather [hbm4b:s10+s13], $0x80, $0x38;
	[tilespmem:$0x1BE80] =	vst v63  }
0x4d: {  	_ = 	snop  }
0x4e: {  	[tilespmem:s26], [sflag:$0x3] =	stream.linear.gather [hbm4b:s14+s13], $0x80, $0x38;
	[tilespmem:$0x1BE80] =	vst v63  }
0x4f: {  	_ =	swait.ge [sflag:s28], $0x80  }
0x50: {  	[sflag:s28] =	ssyncset.done $0x0  }
0x51: {  	[sflag:s28] =	ssyncadd.s32 $0xFFFFFF80  }
0x52: {  	_ =	swait.ge [sflag:s28], $0x80  }
0x53: {  	[sflag:s28] =	ssyncset.done $0x0  }
0x54: {  	[sflag:s28] =	ssyncadd.s32 $0xFFFFFF80  }
0x55: {  	[tilespmem:s24], [sflag:$0x1] =	stream.indirect.gather [hbm4b:s1+s26], $0x80, s13, s26, $0xb8;
	[tilespmem:$0x1BE80] =	vst v63  }
0x56: {  	s15 =	rddreg [dreg:$0xa]  }
0x57: {  	[tilespmem:s29], [sflag:$0x4] =	stream.linear.gather [hbm4b:s15+s13], $0x80, $0x38;
	[tilespmem:$0x1BE80] =	vst v63  }
0x58: {  	_ = 	snop  }
0x59: {  	[tilespmem:s30], [sflag:$0x4] =	stream.linear.gather [hbm4b:s16+s13], $0x80, $0x38;
	[tilespmem:$0x1BE80] =	vst v63  }
0x5a: {  	_ =	swait.ge [sflag:s31], $0x4000  }
0x5b: {  	[sflag:s31] =	ssyncset.done $0x0  }
0x5c: {  	[sflag:s31] =	ssyncadd.s32 $0xFFFFC000  }
0x5d: {  	_ =	swait.ge [sflag:s0], $0x80  }
0x5e: {  	[sflag:s0] =	ssyncset.done $0x0  }
0x5f: {  	[sflag:s0] =	ssyncadd.s32 $0xFFFFFF80  }
0x60: {  	_ =	swait.ge [sflag:s0], $0x80  }
0x61: {  	[sflag:s0] =	ssyncset.done $0x0  }
0x62: {  	[sflag:s0] =	ssyncadd.s32 $0xFFFFFF80  }
0x63: {  	[tilespmem:s4], [sflag:$0x2] =	stream.indirect.gather [hbm4b:s1+s26], $0x80, s29, s26, $0xb8;
	[tilespmem:$0x1BE80] =	vst v63  }
0x64: {  	_ = 	snop  }
0x65: {  	[spmem:s2] =	stream.indirect.scatter.add.f32 [tilespmem:s24], [sflag:$0x5], $0x80, s26, s26, $0xb8;
	[tilespmem:$0x1BE80] =	vst v63  }
0x66: {  	_ =	swait.ge [sflag:s25], $0x4000  }
0x67: {  	s10 =	sshrl.u32 s22, $0x3;
	[sflag:s25] =	ssyncset.done $0x0  }
0x68: {  	s11 =	sadd.s32 $0x0, s14;
	s9 =	sadd.s32 s5, s10;
	[sflag:s25] =	ssyncadd.s32 $0xFFFFC000  }
0x69: {  	[tilespmem:s3], [sflag:$0x3] =	stream.linear.gather [hbm4b:s9+s3], $0x80, $0x38;
	[tilespmem:$0x1BE80] =	vst v63  }
0x6a: {  	s13 =	sadd.s32 $0x200, s11  }
0x6b: {  	[tilespmem:s26], [sflag:$0x3] =	stream.linear.gather [hbm4b:s13+s3], $0x80, $0x38;
	[tilespmem:$0x1BE80] =	vst v63  }
0x6c: {  	_ =	swait.ge [sflag:s28], $0x80  }
0x6d: {  	[sflag:s28] =	ssyncset.done $0x0  }
0x6e: {  	[sflag:s28] =	ssyncadd.s32 $0xFFFFFF80  }
0x6f: {  	_ =	swait.ge [sflag:s28], $0x80  }
0x70: {  	[sflag:s28] =	ssyncset.done $0x0  }
0x71: {  	[sflag:s28] =	ssyncadd.s32 $0xFFFFFF80  }
0x72: {  	[tilespmem:s24], [sflag:$0x1] =	stream.indirect.gather [hbm4b:s1+s26], $0x80, s3, s26, $0xb8;
	[tilespmem:$0x1BE80] =	vst v63  }
0x73: {  	_ =	swait.ge [sflag:s7], $0x4000  }
0x74: {  	[sflag:s7] =	ssyncset.done $0x0  }
0x75: {  	[sflag:s7] =	ssyncadd.s32 $0xFFFFC000  }
0x76: {  	[spmem:s2] =	stream.indirect.scatter.add.f32 [tilespmem:s4], [sflag:$0x5], $0x80, s30, s26, $0xb8;
	[tilespmem:$0x1BE80] =	vst v63  }
0x77: {  	_ =	swait.ge [sflag:s25], $0x4000  }
0x78: {  	s10 =	sadd.s32 $0x1000, s22;
	s15 =	sadd.s32 $0x0, s23;
	[sflag:s25] =	ssyncset.done $0x0  }
0x79: {  	s11 =	sadd.s32 $0x300, s11;
	s9 =	simm.s32 $0x200;
	[sflag:s25] =	ssyncadd.s32 $0xFFFFC000  }
0x7a: {  	[tilespmem:s29], [sflag:$0x4] =	stream.linear.gather [hbm4b:s15+s3], $0x80, $0x38;
	[tilespmem:$0x1BE80] =	vst v63  }
.LBB2_4:
0x7b: {  	[tilespmem:s30], [sflag:$0x4] =	stream.linear.gather [hbm4b:s11+s3], $0x80, $0x38;
	[tilespmem:$0x1BE80] =	vst v63  }
0x7c: {  	s11 =	smov.u32 s9  }
0x7d: {  	p2 =	sne.s32 s9, $0x4A00;
	s9 =	sadd.s32 $0x200, s9;
	_ =	swait.ge [sflag:s31], $0x4000  }
0x7e: {  	[sflag:s31] =	ssyncset.done $0x0  }
0x7f: {  	[sflag:s31] =	ssyncadd.s32 $0xFFFFC000  }
0x80: {  	_ =	swait.ge [sflag:s0], $0x80  }
0x81: {  	[sflag:s0] =	ssyncset.done $0x0  }
0x82: {  	[sflag:s0] =	ssyncadd.s32 $0xFFFFFF80  }
0x83: {  	_ =	swait.ge [sflag:s0], $0x80  }
0x84: {  	[sflag:s0] =	ssyncset.done $0x0  }
0x85: {  	[sflag:s0] =	ssyncadd.s32 $0xFFFFFF80  }
0x86: {  	[tilespmem:s4], [sflag:$0x2] =	stream.indirect.gather [hbm4b:s1+s26], $0x80, s29, s26, $0xb8;
	[tilespmem:$0x1BE80] =	vst v63  }
0x87: {  	_ = 	snop  }
0x88: {  	[spmem:s2] =	stream.indirect.scatter.add.f32 [tilespmem:s24], [sflag:$0x5], $0x80, s26, s26, $0xb8;
	[tilespmem:$0x1BE80] =	vst v63  }
0x89: {  	_ =	swait.ge [sflag:s25], $0x4000  }
0x8a: {  	s13 =	sshrl.u32 s10, $0x3;
	[sflag:s25] =	ssyncset.done $0x0  }
0x8b: {  	s13 =	sadd.s32 s5, s13;
	s15 =	sadd.s32 s11, s14;
	[sflag:s25] =	ssyncadd.s32 $0xFFFFC000  }
0x8c: {  	[tilespmem:s3], [sflag:$0x3] =	stream.linear.gather [hbm4b:s13+s3], $0x80, $0x38;
	[tilespmem:$0x1BE80] =	vst v63  }
0x8d: {  	s13 =	sadd.s32 $0x200, s15  }
0x8e: {  	[tilespmem:s26], [sflag:$0x3] =	stream.linear.gather [hbm4b:s13+s3], $0x80, $0x38;
	[tilespmem:$0x1BE80] =	vst v63  }
0x8f: {  	_ =	swait.ge [sflag:s28], $0x80  }
0x90: {  	[sflag:s28] =	ssyncset.done $0x0  }
0x91: {  	[sflag:s28] =	ssyncadd.s32 $0xFFFFFF80  }
0x92: {  	_ =	swait.ge [sflag:s28], $0x80  }
0x93: {  	[sflag:s28] =	ssyncset.done $0x0  }
0x94: {  	[sflag:s28] =	ssyncadd.s32 $0xFFFFFF80  }
0x95: {  	[tilespmem:s24], [sflag:$0x1] =	stream.indirect.gather [hbm4b:s1+s26], $0x80, s3, s26, $0xb8;
	[tilespmem:$0x1BE80] =	vst v63  }
0x96: {  	_ =	swait.ge [sflag:s7], $0x4000  }
0x97: {  	[sflag:s7] =	ssyncset.done $0x0  }
0x98: {  	[sflag:s7] =	ssyncadd.s32 $0xFFFFC000  }
0x99: {  	[spmem:s2] =	stream.indirect.scatter.add.f32 [tilespmem:s4], [sflag:$0x5], $0x80, s30, s26, $0xb8;
	[tilespmem:$0x1BE80] =	vst v63  }
.Ltmp1:
0x9a: {  	_ =	swait.ge [sflag:s25], $0x4000;
	(pc) =	sbr.rel @p2 .LBB2_4-.Ltmp1, $4  }
0x9b: {  	[sflag:s25] =	ssyncset.done $0x0  }
0x9c: {  	s11 =	sadd.s32 s11, s23;
	[sflag:s25] =	ssyncadd.s32 $0xFFFFC000  }
0x9d: {  	[tilespmem:s29], [sflag:$0x4] =	stream.linear.gather [hbm4b:s11+s3], $0x80, $0x38;
	[tilespmem:$0x1BE80] =	vst v63  }
0x9e: {  	s10 =	sadd.s32 $0x1000, s10;
	s11 =	sadd.s32 $0x300, s15  }
0x9f: {  	[tilespmem:s30], [sflag:$0x4] =	stream.linear.gather [hbm4b:s11+s3], $0x80, $0x38;
	[tilespmem:$0x1BE80] =	vst v63  }
0xa0: {  	_ =	swait.ge [sflag:s31], $0x4000  }
0xa1: {  	[sflag:s31] =	ssyncset.done $0x0  }
0xa2: {  	[sflag:s31] =	ssyncadd.s32 $0xFFFFC000  }
0xa3: {  	_ =	swait.ge [sflag:s0], $0x80  }
0xa4: {  	[sflag:s0] =	ssyncset.done $0x0  }
0xa5: {  	[sflag:s0] =	ssyncadd.s32 $0xFFFFFF80  }
0xa6: {  	_ =	swait.ge [sflag:s0], $0x80  }
0xa7: {  	[sflag:s0] =	ssyncset.done $0x0  }
0xa8: {  	[sflag:s0] =	ssyncadd.s32 $0xFFFFFF80  }
0xa9: {  	[tilespmem:s4], [sflag:$0x2] =	stream.indirect.gather [hbm4b:s1+s26], $0x80, s29, s26, $0xb8;
	[tilespmem:$0x1BE80] =	vst v63  }
0xaa: {  	_ = 	snop  }
0xab: {  	[spmem:s2] =	stream.indirect.scatter.add.f32 [tilespmem:s24], [sflag:$0x5], $0x80, s26, s26, $0xb8;
	[tilespmem:$0x1BE80] =	vst v63  }
0xac: {  	_ =	swait.ge [sflag:s25], $0x4000  }
0xad: {  	[sflag:s25] =	ssyncset.done $0x0  }
0xae: {  	[sflag:s25] =	ssyncadd.s32 $0xFFFFC000  }
0xaf: {  	_ =	swait.ge [sflag:s7], $0x4000  }
0xb0: {  	[sflag:s7] =	ssyncset.done $0x0  }
0xb1: {  	[sflag:s7] =	ssyncadd.s32 $0xFFFFC000  }
0xb2: {  	[spmem:s2] =	stream.indirect.scatter.add.f32 [tilespmem:s4], [sflag:$0x5], $0x80, s30, s26, $0xb8;
	[tilespmem:$0x1BE80] =	vst v63  }
0xb3: {  	_ =	swait.ge [sflag:s25], $0x4000  }
0xb4: {  	[sflag:s25] =	ssyncset.done $0x0  }
0xb5: {  	s9 =	simm.s32 @!p1 $0x0;
	[sflag:s25] =	ssyncadd.s32 $0xFFFFC000  }
0xb6: {  	[tilespmem:s9], [sflag:$0x3] =	stream.linear.gather @!p1 [hbm4b:s17+s9], $0x80, $0x38;
	[tilespmem:$0x1BE80] =	vst v63  }
0xb7: {  	s10 =	simm.s32 @!p1 $0x80;
	s11 =	simm.s32 @!p1 $0x3  }
0xb8: {  	[tilespmem:s10], [sflag:$0x3] =	stream.linear.gather @!p1 [hbm4b:s18+s9], $0x80, $0x38;
	[tilespmem:$0x1BE80] =	vst v63  }
0xb9: {  	_ =	swait.ge @!p1 [sflag:s11], $0x80  }
0xba: {  	[sflag:s11] =	ssyncset.done @!p1 $0x0  }
0xbb: {  	[sflag:s11] =	ssyncadd.s32 @!p1 $0xFFFFFF80  }
0xbc: {  	_ =	swait.ge @!p1 [sflag:s11], $0x80  }
0xbd: {  	[sflag:s11] =	ssyncset.done @!p1 $0x0  }
0xbe: {  	[sflag:s11] =	ssyncadd.s32 @!p1 $0xFFFFFF80;
	s11 =	simm.s32 @!p1 $0x200  }
0xbf: {  	[tilespmem:s11], [sflag:$0x1] =	stream.indirect.gather @!p1 [hbm4b:s1+s10], $0x80, s9, s10, $0xb8;
	[tilespmem:$0x1BE80] =	vst v63  }
0xc0: {  	s9 =	simm.s32 @!p1 $0x1  }
0xc1: {  	_ =	swait.ge @!p1 [sflag:s9], $0x4000  }
0xc2: {  	[sflag:s9] =	ssyncset.done @!p1 $0x0  }
0xc3: {  	[sflag:s9] =	ssyncadd.s32 @!p1 $0xFFFFC000;
	s9 =	simm.s32 @!p1 $0x5  }
0xc4: {  	[spmem:s2] =	stream.indirect.scatter.add.f32 @!p1 [tilespmem:s11], [sflag:$0x5], $0x80, s10, s10, $0xb8;
	[tilespmem:$0x1BE80] =	vst v63  }
0xc5: {  	_ =	swait.ge @!p1 [sflag:s9], $0x4000  }
0xc6: {  	s13 =	stileid.u32;
	[sflag:s9] =	ssyncset.done @!p1 $0x0  }
0xc7: {  	[sflag:s9] =	ssyncadd.s32 @!p1 $0xFFFFC000;
	s9 =	sshll.u32 s13, $0x6  }
0xc8: {  	s15 =	sshrl.u32 s6, $0x3;
	[bflag:$0x0] =	sbarrier.arrive $0xFFFF;
	s9 =	sor.u32 $0x1C05, s9  }
0xc9: {  	[hbm:s19], [sflag:s9] =	dma.local [spmem:s15], $0x2700  }
0xca: {  	_ =	swait.ge [sflag:s25], $0x2700  }
0xcb: {  	s8 =	sadd.s32 $0x1, s8;
	[sflag:s25] =	ssyncset.done $0x0  }
0xcc: {  	p2 =	sne.s32 s8, s21;
	s10 =	sshrl.u32 @!p0 s12, $0x3;
	[sflag:s25] =	ssyncadd.s32 $0xFFFFD900  }
0xcd: {  	[hbm:s20], [sflag:s9] =	dma.local @!p0 [spmem:s10], $0x100  }
.Ltmp2:
0xce: {  	_ = 	snop;
	(pc) =	sbr.rel @p2 .LBB2_1-.Ltmp2, $4  }
0xcf: {  	s9 =	simm.s32 @!p0 $0x5  }
0xd0: {  	_ =	swait.ge @!p0 [sflag:s9], $0x100  }
0xd1: {  	[sflag:s9] =	ssyncset.done @!p0 $0x0  }
0xd2: {  	[sflag:s9] =	ssyncadd.s32 @!p0 $0xFFFFFF00  }
0xd3: {  	_ =	sfence.sel $0x180000  }
0xd4: {  	[bflag:$0x0] =	sbarrier.arrive $0xFFFF  }
0xd5: {  	_ =	strace $0x9000004A  }
0xd6: {  	[bflag:$0x2] =	sbarrier.arrive $0xFFFF  }
0xd7: {  	s0 =	rddreg [dreg:$0x3]  }
0xd8: {  	s0 =	sadd.s32 @!p0 $0x100000, s0  }
0xd9: {  	[sflag:s0] =	ssyncadd.tile.s32 @!p0 $0x1;
	_ =	shalt  }
.Lfunc_end2:
_tile_overlayer_lowered:
.L_overlay_start_2:
0xda: {  	(tag) =	ssettag $0x2  }
0xdb: {  	s0 =	rddreg [dreg:$0x0];
	s2 =	stileid.u32  }
0xdc: {  	s1 =	rddreg [dreg:$0x1];
	p0 =	sne.s32 s2, $0x0  }
0xdd: {  	s3 =	rddreg [dreg:$0x2];
	[bflag:$0x3] =	sbarrier.arrive $0xFFFF;
	s2 =	simm.s32 @!p0 $0x1C05  }
0xde: {  	[timem:s3], [sflag:s2] =	dma.local @!p0 [hbm:s0], s1  }
0xdf: {  	s0 =	simm.s32 @!p0 $0x5  }
0xe0: {  	_ =	swait.ge @!p0 [sflag:s0], s1  }
0xe1: {  	s1 =	ssub.s32 @!p0 $0x0, s1;
	[sflag:s0] =	ssyncset.done @!p0 $0x0  }
0xe2: {  	[sflag:s0] =	ssyncadd.s32 @!p0 s1  }
0xe3: {  	[bflag:$0x3] =	sbarrier.arrive $0xFFFF  }
0xe4: {  	_ =	shalt  }

// kernel: kernel.14.cloned.1.call-start
scs
__scs_entry_jumppad:
0x0: {  	(pc) =	sbr.rel $0x88, $3  }
0x1: {  	(tag) =	ssettag $0x0;
	lr =	simm.s32 $0x1  }
0x2: {  	[smem:$0x3F99] =	sst lr;
	_ =	strace $0xD0000000  }
0x3: {  	_ = 	snop  }
0x4: {  	_ = 	snop  }
0x5: {  	_ = 	snop  }
0x6: {  	_ = 	snop  }
0x7: {  	_ = 	snop  }
__scs_overlays_trampoline_lowered:
0x8: {  	[smem:$0x3FA8] =	sst s0  }
0x9: {  	[smem:$0x3FA9] =	sst s1  }
0xa: {  	[smem:$0x3FAA] =	sst s2  }
0xb: {  	[smem:$0x3FAB] =	sst s3  }
0xc: {  	[smem:$0x3FAC] =	sst s4  }
0xd: {  	[smem:$0x3FAD] =	sst s5  }
0xe: {  	[smem:$0x3FAE] =	sst s6  }
0xf: {  	[smem:$0x3FAF] =	sst s7  }
0x10: {  	[smem:$0x3FB0] =	sst s8  }
0x11: {  	[smem:$0x3FB1] =	sst s9;
	s0 =	simm.s32 @!p0 $0x0  }
0x12: {  	s1 =	sld [smem:$0x3F97];
	s0 =	simm.s32 @p0 $0x1  }
0x13: {  	[smem:$0x3FB2] =	sst s0;
	s0 =	simm.s32 @!p1 $0x0  }
0x14: {  	s2 =	sld [smem:$0x3F96];
	s0 =	simm.s32 @p1 $0x1  }
0x15: {  	[smem:$0x3FB3] =	sst s0;
	s0 =	simm.s32 @!p2 $0x0  }
0x16: {  	s3 =	sld [smem:$0x3FDB];
	s0 =	simm.s32 @p2 $0x1  }
0x17: {  	s4 =	simm.s32 $0x1BF5;
	[smem:$0x3FB5] =	sst s0  }
0x18: {  	s0 =	sld [smem:$0x3F98];
	_ =	swait.ge [sflag:s4], $0x0  }
0x19: {  	s7 =	sld [smem:$0x3F99]  }
0x1a: {  	s8 =	sadd.s32 $0xFFFFE003, lr  }
0x1b: {  	s9 =	sadd.s32 $0xFFFFFEF7, lr;
	s5 =	simm.s32 $0xFFFFFFFF;
	p2 =	slt.u32 s8, $0xFFFFF086  }
0x1c: {  	p1 =	slt.u32 s9, $0xF7A;
	s5 =	simm.s32 @!p2 $0x0  }
0x1d: {  	s5 =	simm.s32 @p1 $0x1;
	p0 =	seq.s32 s7, s2  }
0x1e: {  	s7 =	smul.u32 @!p0 $0xF7A, s2;
	p2 =	seq.s32 @!p0 s5, $0x0  }
0x1f: {  	s9 =	smul.u32 $0xF7A, s1;
	s8 =	simm.s32 @!p0 $0x1BF5;
	p2 =	por !p2, p0  }
0x20: {  	[sflag:s8] =	ssyncset.s32 @!p0 $0xFFFFF086;
	s6 =	sadd.s32 @!p0 s3, s7;
	s7 =	simm.s32 @!p0 $0x108  }
0x21: {  	s3 =	sadd.s32 s3, s9;
	s6 =	sadd.s32 @!p0 $0x88, s6;
	s7 =	simm.s32 @p2 $0x1082  }
0x22: {  	[simem:s7], [sflag:s8] =	dma.local @!p0 [hbm:s6], $0xF7A  }
0x23: {  	s9 =	sor.u32 $0xD0000000, s2;
	s6 =	simm.s32 $0x108;
	_ =	swait.ge @!p0 [sflag:s8], $0x0  }
0x24: {  	s3 =	sadd.s32 $0x88, s3;
	s6 =	simm.s32 @!p1 $0x1082;
	[sflag:s4] =	ssyncset.s32 $0xFFFFF086  }
0x25: {  	[simem:s6], [sflag:s4] =	dma.local [hbm:s3], $0xF7A  }
0x26: {  	[smem:$0x3F99] =	sst s1;
	(tag) =	ssettag s2;
	_ =	strace s9  }
0x27: {  	s1 =	sld [smem:$0x3FA9]  }
0x28: {  	s2 =	sld [smem:$0x3FAA]  }
0x29: {  	s4 =	sld [smem:$0x3FAC]  }
0x2a: {  	p0 =	seq.s32 s5, $0x0;
	s5 =	sld [smem:$0x3FAD]  }
0x2b: {  	s6 =	sld [smem:$0x3FAE]  }
0x2c: {  	s7 =	sld [smem:$0x3FAF]  }
0x2d: {  	s3 =	simm.s32 $0x108;
	s8 =	sld [smem:$0x3FB0]  }
0x2e: {  	s3 =	simm.s32 @!p0 $0x1082;
	s9 =	sld [smem:$0x3FB1]  }
0x2f: {  	lr =	sadd.s32 s0, s3;
	s0 =	sld [smem:$0x3FA8]  }
0x30: {  	s3 =	sld [smem:$0x3FAB]  }
0x31: {  	[smem:$0x3FB4] =	sst s10  }
0x32: {  	s10 =	sld [smem:$0x3FB2];
	_ =	sdelay $0x3  }
0x33: {  	p0 =	seq.s32 s10, $0x1;
	s10 =	sld [smem:$0x3FB4];
	_ =	sdelay $0x3  }
0x34: {  	[smem:$0x3FB4] =	sst s10  }
0x35: {  	s10 =	sld [smem:$0x3FB3];
	_ =	sdelay $0x3  }
0x36: {  	p1 =	seq.s32 s10, $0x1;
	s10 =	sld [smem:$0x3FB4];
	_ =	sdelay $0x3  }
0x37: {  	[smem:$0x3FB4] =	sst s10  }
0x38: {  	s10 =	sld [smem:$0x3FB5]  }
0x39: {  	_ = 	snop;
	(pc) =	sbr.ind lr, $3  }
0x3a: {  	_ = 	snop  }
0x3b: {  	_ = 	snop  }
0x3c: {  	p2 =	seq.s32 s10, $0x1;
	s10 =	sld [smem:$0x3FB4]  }
0x3d: {  	_ =	shalt  }
0x3e: {  	_ =	shalt  }
0x3f: {  	_ =	shalt  }
0x40: {  	_ =	shalt  }
0x41: {  	_ =	shalt  }
0x42: {  	_ =	shalt  }
0x43: {  	_ =	shalt  }
0x44: {  	_ =	shalt  }
0x45: {  	_ =	shalt  }
0x46: {  	_ =	shalt  }
0x47: {  	_ =	shalt  }
0x48: {  	_ =	shalt  }
0x49: {  	_ =	shalt  }
0x4a: {  	_ =	shalt  }
0x4b: {  	_ =	shalt  }
0x4c: {  	_ =	shalt  }
0x4d: {  	_ =	shalt  }
0x4e: {  	_ =	shalt  }
0x4f: {  	_ =	shalt  }
0x50: {  	_ =	shalt  }
0x51: {  	_ =	shalt  }
0x52: {  	_ =	shalt  }
0x53: {  	_ =	shalt  }
0x54: {  	_ =	shalt  }
0x55: {  	_ =	shalt  }
0x56: {  	_ =	shalt  }
0x57: {  	_ =	shalt  }
0x58: {  	_ =	shalt  }
0x59: {  	_ =	shalt  }
0x5a: {  	_ =	shalt  }
0x5b: {  	_ =	shalt  }
0x5c: {  	_ =	shalt  }
0x5d: {  	_ =	shalt  }
0x5e: {  	_ =	shalt  }
0x5f: {  	_ =	shalt  }
0x60: {  	_ =	shalt  }
0x61: {  	_ =	shalt  }
0x62: {  	_ =	shalt  }
0x63: {  	_ =	shalt  }
0x64: {  	_ =	shalt  }
0x65: {  	_ =	shalt  }
0x66: {  	_ =	shalt  }
0x67: {  	_ =	shalt  }
0x68: {  	_ =	shalt  }
0x69: {  	_ =	shalt  }
0x6a: {  	_ =	shalt  }
0x6b: {  	_ =	shalt  }
0x6c: {  	_ =	shalt  }
0x6d: {  	_ =	shalt  }
0x6e: {  	_ =	shalt  }
0x6f: {  	_ =	shalt  }
0x70: {  	_ =	shalt  }
0x71: {  	_ =	shalt  }
0x72: {  	_ =	shalt  }
0x73: {  	_ =	shalt  }
0x74: {  	_ =	shalt  }
0x75: {  	_ =	shalt  }
0x76: {  	_ =	shalt  }
0x77: {  	_ =	shalt  }
0x78: {  	_ =	shalt  }
0x79: {  	_ =	shalt  }
0x7a: {  	_ =	shalt  }
0x7b: {  	_ =	shalt  }
0x7c: {  	_ =	shalt  }
0x7d: {  	_ =	shalt  }
0x7e: {  	_ =	shalt  }
0x7f: {  	_ =	shalt  }
0x80: {  	_ =	shalt  }
0x81: {  	_ =	shalt  }
0x82: {  	_ =	shalt  }
0x83: {  	_ =	shalt  }
0x84: {  	_ =	shalt  }
0x85: {  	_ =	shalt  }
0x86: {  	_ =	shalt  }
0x87: {  	_ =	shalt  }
.Lfunc_end0:
.L_simem_size_0:
called_computation.2_lowered:
.L_overlay_start_0:
0x88: {  	s2 =	sld [smem:$0x3FD9]  }
0x89: {  	s3 =	sld [smem:$0x3FFE];
	_ =	sdelay $0x1  }
0x8a: {  	s1 =	srdreg.scid  }
0x8b: {  	s0 =	sand.u32 $0x1, s1  }
0x8c: {  	s17 =	sshll.u32 s0, $0xA;
	s2 =	sadd.s32 s3, s2  }
0x8d: {  	s2 =	sadd.s32 s2, s17  }
0x8e: {  	[smem:$0x3FC0] =	sst s2  }
0x8f: {  	_ = 	snop  }
0x90: {  	s2 =	sld [smem:$0x3FD0];
	(tm) =	ssettm $0x1  }
0x91: {  	s18 =	sld [smem:$0x3FFB];
	_ =	sdelay $0x3  }
0x92: {  	_ =	strace s18  }
0x93: {  	s3 =	sld [smem:$0x3FFC];
	_ =	sdelay $0x3  }
0x94: {  	_ =	strace s3  }
0x95: {  	s3 =	sld [smem:$0x3FFD];
	_ =	sdelay $0x3  }
0x96: {  	_ =	strace s3  }
0x97: {  	_ =	strace $0x8FFFFFFF  }
0x98: {  	s19 =	sld [smem:$0x3FDB];
	_ =	sdelay $0x1  }
0x99: {  	s4 =	simm.s32 $_scs_section_size  }
0x9a: {  	s5 =	simm.s32 $_size__tile_overlayer_lowered;
	s6 =	simm.s32 $_tile_overlayer_lowered  }
0x9b: {  	s22 =	simm.s32 $0x1BFF;
	s21 =	sshll.u32 s6, $0x1;
	s3 =	sadd.s32 s4, s19  }
0x9c: {  	s7 =	simm.s32 $0x0;
	s20 =	sshll.u32 s5, $0x1;
	s5 =	sadd.s32 s21, s3  }
0x9d: {  	[timem:s7], [sflag:s22] =	dma.local [hbm:s5], s20  }
0x9e: {  	_ =	swait.ge [sflag:s22], s20  }
0x9f: {  	s4 =	ssub.s32 $0x0, s20;
	[sflag:s22] =	ssyncset.done $0x0  }
0xa0: {  	[sflag:s22] =	ssyncadd.s32 s4;
	_ =	sdelay $0x1  }
0xa1: {  	s23 =	simm.s32 $0x1B8B  }
0xa2: {  	_ =	swait.ge [sflag:s23], $0x1  }
0xa3: {  	[sflag:s23] =	ssyncset.done $0x0  }
0xa4: {  	s25 =	simm.s32 $0x1B8E;
	s24 =	sld [smem:$0x3FFE];
	[sflag:s23] =	ssyncadd.s32 $0xFFFFFFFF  }
0xa5: {  	s26 =	simm.s32 $execute0_lowered;
	[smem:$0x3FD2] =	sst s25  }
0xa6: {  	s5 =	sshll.u32 s26, $0x1;
	_ =	strace $0x8000004C;
	[dreg:$0x1] =	wrdreg $0xFFFFFFFF  }
0xa7: {  	s28 =	simm.s32 $_size_execute0_lowered;
	s3 =	sadd.s32 s3, s5;
	[dreg:$0x0] =	wrdreg $0x0  }
0xa8: {  	s5 =	sshll.u32 s28, $0x1;
	[dreg:$0x2] =	wrdreg s3  }
0xa9: {  	[dreg:$0x3] =	wrdreg s5  }
0xaa: {  	[dreg:$0x4] =	wrdreg $0xC0  }
0xab: {  	_ =	task [dreg:s7], $0x5FFFF  }
0xac: {  	[dreg:$0x1] =	wrdreg $0xFFFFFFFF  }
0xad: {  	[dreg:$0x0] =	wrdreg $0x60  }
0xae: {  	[dreg:$0x2] =	wrdreg s2  }
0xaf: {  	[dreg:$0x3] =	wrdreg s24  }
0xb0: {  	[dreg:$0x4] =	wrdreg $0x82000  }
0xb1: {  	[dreg:$0x5] =	wrdreg $0x9  }
0xb2: {  	_ =	task.clear_ibuf [dreg:s7], $0x6FFFF;
	_ =	strace $0x9000004C  }
0xb3: {  	s29 =	simm.s32 $0x9;
	_ =	strace $0x8000004E  }
0xb4: {  	_ =	swait.ge [sflag:s29], $0x1  }
0xb5: {  	[sflag:s29] =	ssyncadd.s32 $0xFFFFFFFF  }
0xb6: {  	_ =	strace $0x9000004E  }
0xb7: {  	_ =	sfence  }
0xb8: {  	s30 =	sld [smem:$0x0];
	_ =	sdelay $0x2  }
0xb9: {  	s31 =	sshll.u32 s1, $0xD;
	s1 =	sshrl.u32 s1, $0x2  }
0xba: {  	s3 =	sand.u32 $0x4000, s31;
	s1 =	sadd.s32 s1, s30  }
0xbb: {  	s0 =	sor.u32 s3, s0;
	s1 =	sshll.u32 s1, $0x11  }
0xbc: {  	s0 =	sor.u32 s1, s0  }
0xbd: {  	s0 =	sadd.s32 $0x8F2B, s0  }
0xbe: {  	[sflag:s0] =	ssyncadd.remote.s32 $0x1  }
0xbf: {  	_ =	sfence.sel $0xFFFF  }
0xc0: {  	[dreg:$0x0] =	wrdreg $0xFFFFFFFF;
	(pc) =	sbr.abs _section_cstart, $3  }
0xc1: {  	[dreg:$0x1] =	wrdreg $0xFFFFFFFF  }
0xc2: {  	_ =	task.clear_ibuf [dreg:s7], $0x2FFFF;
	_ =	strace $0x9FFFFFFF  }
0xc3: {  	(tm) =	ssettm $0x7FFFFFFF  }
tec
execute0_lowered:
.L_overlay_start_1:
0x0: {  	(tag) =	ssettag $0x1  }
0x1: {  	s1 =	rddreg [dreg:$0x0]  }
0x2: {  	s0 =	rddreg [dreg:$0x1]  }
0x3: {  	s2 =	rddreg [dreg:$0x2];
	s3 =	simm.s32 $0x0  }
0x4: {  	s26 =	stileid.u32;
	s4 =	srdreg.scid;
	s28 =	simm.s32 $0x3  }
0x5: {  	s29 =	simm.s32 $0x100;
	s30 =	simm.s32 $0x180;
	s31 =	simm.s32 $0x1  }
0x6: {  	[smem:$0x7FF] =	sst s3;
	s6 =	smul.u32 $0x4E000, s26;
	s5 =	sadd.s32 $0xA9000, s0  }
0x7: {  	s7 =	sadd.s32 $0x2C00, s0;
	s4 =	sand.u32 $0x1, s4;
	s0 =	sadd.s32 $0xB2E00, s0  }
0x8: {  	s10 =	smul.u32 $0x2700, s26;
	s17 =	sshll.u32 s26, $0x7;
	s15 =	sshll.u32 s26, $0x4  }
0x9: {  	p0 =	sne.s32 s26, $0x0;
	p1 =	sgt.u32 s26, $0x1;
	s6 =	sshrl.u32 s6, $0x2  }
0xa: {  	_ =	strace $0x8000004D;
	s25 =	smul.u32 $0x27100, s4;
	s6 =	sadd.s32 s6, s2  }
0xb: {  	s8 =	ssub.s32 $0x2, s4;
	s4 =	smul.u32 $0x138800, s4;
	s24 =	sadd.s32 $0x3400, s6  }
0xc: {  	s9 =	sshrl.u32 s8, $0x1;
	s11 =	sadd.s32 $0x6800, s6;
	[dreg:$0x4] =	wrdreg s24  }
0xd: {  	s8 =	ssub.s32 s8, s9;
	s16 =	sadd.s32 $0x9C00, s6;
	[dreg:$0x5] =	wrdreg s11  }
0xe: {  	s22 =	sadd.s32 s17, s25;
	s12 =	sadd.s32 $0xD000, s6;
	[dreg:$0x6] =	wrdreg s16  }
0xf: {  	s23 =	sadd.s32 s10, s25;
	s18 =	sadd.s32 $0x10400, s6;
	[dreg:$0x7] =	wrdreg s12  }
0x10: {  	s4 =	sshrl.u32 s4, $0x3;
	s13 =	sshrl.u32 s22, $0x3;
	[dreg:$0x8] =	wrdreg s18  }
0x11: {  	s12 =	sadd.s32 $0x138000, s2;
	s11 =	sor.u32 $0x800, s17;
	s13 =	sadd.s32 s5, s13  }
0x12: {  	s18 =	sor.u32 $0x4E0, s26;
	s24 =	sadd.s32 $0x1800, s22;
	s22 =	sadd.s32 $0x1000, s22  }
0x13: {  	s26 =	simm.s32 $0x80;
	[dreg:$0x9] =	wrdreg s13;
	s14 =	sadd.s32 s25, s11  }
0x14: {  	s17 =	sshll.u32 s18, $0x7;
	s11 =	sshrl.u32 s11, $0x3;
	s21 =	sshll.u32 s18, $0x4  }
0x15: {  	s16 =	sshrl.u32 s14, $0x3;
	s14 =	sadd.s32 s7, s15;
	s20 =	sadd.s32 s25, s17  }
0x16: {  	s18 =	sadd.s32 s7, s21;
	s21 =	smax.u32 s8, $0x1;
	s25 =	sshrl.u32 s24, $0x3  }
0x17: {  	s24 =	simm.s32 $0x200;
	s8 =	simm.s32 $0x0;
	s19 =	sadd.s32 s5, s16  }
0x18: {  	s17 =	sshrl.u32 s20, $0x3;
	s16 =	sadd.s32 s7, s11;
	s7 =	simm.s32 $0x2  }
0x19: {  	[dreg:$0xa] =	wrdreg s19;
	s17 =	sadd.s32 s5, s17;
	s19 =	sadd.s32 s0, s23  }
0x1a: {  	s0 =	sadd.s32 s0, s4;
	s23 =	sadd.s32 s25, s5;
	s25 =	simm.s32 $0x5  }
0x1b: {  	v0 =	vimm.f32 $0.0e+00;
	s4 =	simm.s32 $0x4200;
	s20 =	sadd.s32 $0x27000, s0;
	s0 =	simm.s32 $0x4  }
.LBB2_1:
0x1c: {  	s9 =	simm.s32 $0x0;
	s10 =	simm.s32 $0x200  }
.LBB2_2:
0x1d: {  	p2 =	sne.s32 s10, $0xCE00;
	[tilespmem:s9+$0x270] =	vst v0  }
0x1e: {  	[tilespmem:s9+$0x200] =	vst v0  }
0x1f: {  	[tilespmem:s9+$0x210] =	vst v0  }
.Ltmp0:
0x20: {  	[tilespmem:s9+$0x220] =	vst v0;
	(pc) =	sbr.rel @p2 .LBB2_2-.Ltmp0, $4  }
0x21: {  	[tilespmem:s9+$0x230] =	vst v0  }
0x22: {  	[tilespmem:s9+$0x240] =	vst v0  }
0x23: {  	[tilespmem:s9+$0x250] =	vst v0  }
0x24: {  	[tilespmem:s9+$0x260] =	vst v0;
	s9 =	sshra.s32 s10, $0x2;
	s10 =	sadd.s32 $0x200, s10  }
0x25: {  	[tilespmem:s9+$0x270] =	vst v0  }
0x26: {  	[tilespmem:s9+$0x200] =	vst v0  }
0x27: {  	[tilespmem:s9+$0x210] =	vst v0  }
0x28: {  	[tilespmem:s9+$0x220] =	vst v0  }
0x29: {  	[tilespmem:s9+$0x230] =	vst v0  }
0x2a: {  	[tilespmem:s9+$0x240] =	vst v0  }
0x2b: {  	[tilespmem:s9+$0x250] =	vst v0  }
0x2c: {  	[tilespmem:s9+$0x260] =	vst v0  }
0x2d: {  	[spmem:s6] =	stream.linear.scatter [tilespmem:s24], [sflag:$0x5], $0x3400, $0x38;
	[tilespmem:$0x1BE80] =	vst v63  }
0x2e: {  	_ =	swait.ge [sflag:s25], $0x3400  }
0x2f: {  	[sflag:s25] =	ssyncset.done $0x0  }
0x30: {  	s11 =	rddreg [dreg:$0x4];
	[sflag:s25] =	ssyncadd.s32 $0xFFFFCC00  }
0x31: {  	[spmem:s11] =	stream.linear.scatter [tilespmem:s24], [sflag:$0x5], $0x3400, $0x38;
	[tilespmem:$0x1BE80] =	vst v63  }
0x32: {  	_ =	swait.ge [sflag:s25], $0x3400  }
0x33: {  	[sflag:s25] =	ssyncset.done $0x0  }
0x34: {  	s13 =	rddreg [dreg:$0x5];
	[sflag:s25] =	ssyncadd.s32 $0xFFFFCC00  }
0x35: {  	[spmem:s13] =	stream.linear.scatter [tilespmem:s24], [sflag:$0x5], $0x3400, $0x38;
	[tilespmem:$0x1BE80] =	vst v63  }
0x36: {  	_ =	swait.ge [sflag:s25], $0x3400  }
0x37: {  	[sflag:s25] =	ssyncset.done $0x0  }
0x38: {  	s15 =	rddreg [dreg:$0x6];
	[sflag:s25] =	ssyncadd.s32 $0xFFFFCC00  }
0x39: {  	[spmem:s15] =	stream.linear.scatter [tilespmem:s24], [sflag:$0x5], $0x3400, $0x38;
	[tilespmem:$0x1BE80] =	vst v63  }
0x3a: {  	_ =	swait.ge [sflag:s25], $0x3400  }
0x3b: {  	[sflag:s25] =	ssyncset.done $0x0  }
0x3c: {  	s10 =	rddreg [dreg:$0x7];
	[sflag:s25] =	ssyncadd.s32 $0xFFFFCC00  }
0x3d: {  	[spmem:s10] =	stream.linear.scatter [tilespmem:s24], [sflag:$0x5], $0x3400, $0x38;
	[tilespmem:$0x1BE80] =	vst v63  }
0x3e: {  	_ =	swait.ge [sflag:s25], $0x3400  }
0x3f: {  	[sflag:s25] =	ssyncset.done $0x0  }
0x40: {  	s11 =	rddreg [dreg:$0x8];
	[sflag:s25] =	ssyncadd.s32 $0xFFFFCC00  }
0x41: {  	[spmem:s11] =	stream.linear.scatter [tilespmem:s24], [sflag:$0x5], $0x3400, $0x38;
	[tilespmem:$0x1BE80] =	vst v63  }
0x42: {  	_ =	swait.ge [sflag:s25], $0x3400  }
0x43: {  	[sflag:s25] =	ssyncset.done $0x0  }
0x44: {  	s9 =	simm.s32 @!p0 $0x200;
	[sflag:s25] =	ssyncadd.s32 $0xFFFFCC00  }
0x45: {  	[spmem:s12] =	stream.linear.scatter @!p0 [tilespmem:s9], [sflag:$0x5], $0x800, $0x38;
	[tilespmem:$0x1BE80] =	vst v63  }
0x46: {  	s9 =	simm.s32 @!p0 $0x5  }
0x47: {  	_ =	swait.ge @!p0 [sflag:s9], $0x800  }
0x48: {  	[sflag:s9] =	ssyncset.done @!p0 $0x0  }
0x49: {  	[sflag:s9] =	ssyncadd.s32 @!p0 $0xFFFFF800  }
0x4a: {  	[bflag:$0x0] =	sbarrier.arrive $0xFFFF  }
0x4b: {  	s13 =	simm.s32 $0x0;
	s10 =	rddreg [dreg:$0x9]  }
0x4c: {  	[tilespmem:s13], [sflag:$0x3] =	stream.linear.gather [hbm4b:s10+s13], $0x80, $0x38;
	[tilespmem:$0x1BE80] =	vst v63  }
0x4d: {  	_ = 	snop  }
0x4e: {  	[tilespmem:s26], [sflag:$0x3] =	stream.linear.gather [hbm4b:s14+s13], $0x80, $0x38;
	[tilespmem:$0x1BE80] =	vst v63  }
0x4f: {  	_ =	swait.ge [sflag:s28], $0x80  }
0x50: {  	[sflag:s28] =	ssyncset.done $0x0  }
0x51: {  	[sflag:s28] =	ssyncadd.s32 $0xFFFFFF80  }
0x52: {  	_ =	swait.ge [sflag:s28], $0x80  }
0x53: {  	[sflag:s28] =	ssyncset.done $0x0  }
0x54: {  	[sflag:s28] =	ssyncadd.s32 $0xFFFFFF80  }
0x55: {  	[tilespmem:s24], [sflag:$0x1] =	stream.indirect.gather [hbm4b:s1+s26], $0x80, s13, s26, $0xb8;
	[tilespmem:$0x1BE80] =	vst v63  }
0x56: {  	s15 =	rddreg [dreg:$0xa]  }
0x57: {  	[tilespmem:s29], [sflag:$0x4] =	stream.linear.gather [hbm4b:s15+s13], $0x80, $0x38;
	[tilespmem:$0x1BE80] =	vst v63  }
0x58: {  	_ = 	snop  }
0x59: {  	[tilespmem:s30], [sflag:$0x4] =	stream.linear.gather [hbm4b:s16+s13], $0x80, $0x38;
	[tilespmem:$0x1BE80] =	vst v63  }
0x5a: {  	_ =	swait.ge [sflag:s31], $0x4000  }
0x5b: {  	[sflag:s31] =	ssyncset.done $0x0  }
0x5c: {  	[sflag:s31] =	ssyncadd.s32 $0xFFFFC000  }
0x5d: {  	_ =	swait.ge [sflag:s0], $0x80  }
0x5e: {  	[sflag:s0] =	ssyncset.done $0x0  }
0x5f: {  	[sflag:s0] =	ssyncadd.s32 $0xFFFFFF80  }
0x60: {  	_ =	swait.ge [sflag:s0], $0x80  }
0x61: {  	[sflag:s0] =	ssyncset.done $0x0  }
0x62: {  	[sflag:s0] =	ssyncadd.s32 $0xFFFFFF80  }
0x63: {  	[tilespmem:s4], [sflag:$0x2] =	stream.indirect.gather [hbm4b:s1+s26], $0x80, s29, s26, $0xb8;
	[tilespmem:$0x1BE80] =	vst v63  }
0x64: {  	_ = 	snop  }
0x65: {  	[spmem:s2] =	stream.indirect.scatter.add.f32 [tilespmem:s24], [sflag:$0x5], $0x80, s26, s26, $0xb8;
	[tilespmem:$0x1BE80] =	vst v63  }
0x66: {  	_ =	swait.ge [sflag:s25], $0x4000  }
0x67: {  	s10 =	sshrl.u32 s22, $0x3;
	[sflag:s25] =	ssyncset.done $0x0  }
0x68: {  	s11 =	sadd.s32 $0x0, s14;
	s9 =	sadd.s32 s5, s10;
	[sflag:s25] =	ssyncadd.s32 $0xFFFFC000  }
0x69: {  	[tilespmem:s3], [sflag:$0x3] =	stream.linear.gather [hbm4b:s9+s3], $0x80, $0x38;
	[tilespmem:$0x1BE80] =	vst v63  }
0x6a: {  	s13 =	sadd.s32 $0x200, s11  }
0x6b: {  	[tilespmem:s26], [sflag:$0x3] =	stream.linear.gather [hbm4b:s13+s3], $0x80, $0x38;
	[tilespmem:$0x1BE80] =	vst v63  }
0x6c: {  	_ =	swait.ge [sflag:s28], $0x80  }
0x6d: {  	[sflag:s28] =	ssyncset.done $0x0  }
0x6e: {  	[sflag:s28] =	ssyncadd.s32 $0xFFFFFF80  }
0x6f: {  	_ =	swait.ge [sflag:s28], $0x80  }
0x70: {  	[sflag:s28] =	ssyncset.done $0x0  }
0x71: {  	[sflag:s28] =	ssyncadd.s32 $0xFFFFFF80  }
0x72: {  	[tilespmem:s24], [sflag:$0x1] =	stream.indirect.gather [hbm4b:s1+s26], $0x80, s3, s26, $0xb8;
	[tilespmem:$0x1BE80] =	vst v63  }
0x73: {  	_ =	swait.ge [sflag:s7], $0x4000  }
0x74: {  	[sflag:s7] =	ssyncset.done $0x0  }
0x75: {  	[sflag:s7] =	ssyncadd.s32 $0xFFFFC000  }
0x76: {  	[spmem:s2] =	stream.indirect.scatter.add.f32 [tilespmem:s4], [sflag:$0x5], $0x80, s30, s26, $0xb8;
	[tilespmem:$0x1BE80] =	vst v63  }
0x77: {  	_ =	swait.ge [sflag:s25], $0x4000  }
0x78: {  	s10 =	sadd.s32 $0x1000, s22;
	s15 =	sadd.s32 $0x0, s23;
	[sflag:s25] =	ssyncset.done $0x0  }
0x79: {  	s11 =	sadd.s32 $0x300, s11;
	s9 =	simm.s32 $0x200;
	[sflag:s25] =	ssyncadd.s32 $0xFFFFC000  }
0x7a: {  	[tilespmem:s29], [sflag:$0x4] =	stream.linear.gather [hbm4b:s15+s3], $0x80, $0x38;
	[tilespmem:$0x1BE80] =	vst v63  }
.LBB2_4:
0x7b: {  	[tilespmem:s30], [sflag:$0x4] =	stream.linear.gather [hbm4b:s11+s3], $0x80, $0x38;
	[tilespmem:$0x1BE80] =	vst v63  }
0x7c: {  	s11 =	smov.u32 s9  }
0x7d: {  	p2 =	sne.s32 s9, $0x4A00;
	s9 =	sadd.s32 $0x200, s9;
	_ =	swait.ge [sflag:s31], $0x4000  }
0x7e: {  	[sflag:s31] =	ssyncset.done $0x0  }
0x7f: {  	[sflag:s31] =	ssyncadd.s32 $0xFFFFC000  }
0x80: {  	_ =	swait.ge [sflag:s0], $0x80  }
0x81: {  	[sflag:s0] =	ssyncset.done $0x0  }
0x82: {  	[sflag:s0] =	ssyncadd.s32 $0xFFFFFF80  }
0x83: {  	_ =	swait.ge [sflag:s0], $0x80  }
0x84: {  	[sflag:s0] =	ssyncset.done $0x0  }
0x85: {  	[sflag:s0] =	ssyncadd.s32 $0xFFFFFF80  }
0x86: {  	[tilespmem:s4], [sflag:$0x2] =	stream.indirect.gather [hbm4b:s1+s26], $0x80, s29, s26, $0xb8;
	[tilespmem:$0x1BE80] =	vst v63  }
0x87: {  	_ = 	snop  }
0x88: {  	[spmem:s2] =	stream.indirect.scatter.add.f32 [tilespmem:s24], [sflag:$0x5], $0x80, s26, s26, $0xb8;
	[tilespmem:$0x1BE80] =	vst v63  }
0x89: {  	_ =	swait.ge [sflag:s25], $0x4000  }
0x8a: {  	s13 =	sshrl.u32 s10, $0x3;
	[sflag:s25] =	ssyncset.done $0x0  }
0x8b: {  	s13 =	sadd.s32 s5, s13;
	s15 =	sadd.s32 s11, s14;
	[sflag:s25] =	ssyncadd.s32 $0xFFFFC000  }
0x8c: {  	[tilespmem:s3], [sflag:$0x3] =	stream.linear.gather [hbm4b:s13+s3], $0x80, $0x38;
	[tilespmem:$0x1BE80] =	vst v63  }
0x8d: {  	s13 =	sadd.s32 $0x200, s15  }
0x8e: {  	[tilespmem:s26], [sflag:$0x3] =	stream.linear.gather [hbm4b:s13+s3], $0x80, $0x38;
	[tilespmem:$0x1BE80] =	vst v63  }
0x8f: {  	_ =	swait.ge [sflag:s28], $0x80  }
0x90: {  	[sflag:s28] =	ssyncset.done $0x0  }
0x91: {  	[sflag:s28] =	ssyncadd.s32 $0xFFFFFF80  }
0x92: {  	_ =	swait.ge [sflag:s28], $0x80  }
0x93: {  	[sflag:s28] =	ssyncset.done $0x0  }
0x94: {  	[sflag:s28] =	ssyncadd.s32 $0xFFFFFF80  }
0x95: {  	[tilespmem:s24], [sflag:$0x1] =	stream.indirect.gather [hbm4b:s1+s26], $0x80, s3, s26, $0xb8;
	[tilespmem:$0x1BE80] =	vst v63  }
0x96: {  	_ =	swait.ge [sflag:s7], $0x4000  }
0x97: {  	[sflag:s7] =	ssyncset.done $0x0  }
0x98: {  	[sflag:s7] =	ssyncadd.s32 $0xFFFFC000  }
0x99: {  	[spmem:s2] =	stream.indirect.scatter.add.f32 [tilespmem:s4], [sflag:$0x5], $0x80, s30, s26, $0xb8;
	[tilespmem:$0x1BE80] =	vst v63  }
.Ltmp1:
0x9a: {  	_ =	swait.ge [sflag:s25], $0x4000;
	(pc) =	sbr.rel @p2 .LBB2_4-.Ltmp1, $4  }
0x9b: {  	[sflag:s25] =	ssyncset.done $0x0  }
0x9c: {  	s11 =	sadd.s32 s11, s23;
	[sflag:s25] =	ssyncadd.s32 $0xFFFFC000  }
0x9d: {  	[tilespmem:s29], [sflag:$0x4] =	stream.linear.gather [hbm4b:s11+s3], $0x80, $0x38;
	[tilespmem:$0x1BE80] =	vst v63  }
0x9e: {  	s10 =	sadd.s32 $0x1000, s10;
	s11 =	sadd.s32 $0x300, s15  }
0x9f: {  	[tilespmem:s30], [sflag:$0x4] =	stream.linear.gather [hbm4b:s11+s3], $0x80, $0x38;
	[tilespmem:$0x1BE80] =	vst v63  }
0xa0: {  	_ =	swait.ge [sflag:s31], $0x4000  }
0xa1: {  	[sflag:s31] =	ssyncset.done $0x0  }
0xa2: {  	[sflag:s31] =	ssyncadd.s32 $0xFFFFC000  }
0xa3: {  	_ =	swait.ge [sflag:s0], $0x80  }
0xa4: {  	[sflag:s0] =	ssyncset.done $0x0  }
0xa5: {  	[sflag:s0] =	ssyncadd.s32 $0xFFFFFF80  }
0xa6: {  	_ =	swait.ge [sflag:s0], $0x80  }
0xa7: {  	[sflag:s0] =	ssyncset.done $0x0  }
0xa8: {  	[sflag:s0] =	ssyncadd.s32 $0xFFFFFF80  }
0xa9: {  	[tilespmem:s4], [sflag:$0x2] =	stream.indirect.gather [hbm4b:s1+s26], $0x80, s29, s26, $0xb8;
	[tilespmem:$0x1BE80] =	vst v63  }
0xaa: {  	_ = 	snop  }
0xab: {  	[spmem:s2] =	stream.indirect.scatter.add.f32 [tilespmem:s24], [sflag:$0x5], $0x80, s26, s26, $0xb8;
	[tilespmem:$0x1BE80] =	vst v63  }
0xac: {  	_ =	swait.ge [sflag:s25], $0x4000  }
0xad: {  	[sflag:s25] =	ssyncset.done $0x0  }
0xae: {  	[sflag:s25] =	ssyncadd.s32 $0xFFFFC000  }
0xaf: {  	_ =	swait.ge [sflag:s7], $0x4000  }
0xb0: {  	[sflag:s7] =	ssyncset.done $0x0  }
0xb1: {  	[sflag:s7] =	ssyncadd.s32 $0xFFFFC000  }
0xb2: {  	[spmem:s2] =	stream.indirect.scatter.add.f32 [tilespmem:s4], [sflag:$0x5], $0x80, s30, s26, $0xb8;
	[tilespmem:$0x1BE80] =	vst v63  }
0xb3: {  	_ =	swait.ge [sflag:s25], $0x4000  }
0xb4: {  	[sflag:s25] =	ssyncset.done $0x0  }
0xb5: {  	s9 =	simm.s32 @!p1 $0x0;
	[sflag:s25] =	ssyncadd.s32 $0xFFFFC000  }
0xb6: {  	[tilespmem:s9], [sflag:$0x3] =	stream.linear.gather @!p1 [hbm4b:s17+s9], $0x80, $0x38;
	[tilespmem:$0x1BE80] =	vst v63  }
0xb7: {  	s10 =	simm.s32 @!p1 $0x80;
	s11 =	simm.s32 @!p1 $0x3  }
0xb8: {  	[tilespmem:s10], [sflag:$0x3] =	stream.linear.gather @!p1 [hbm4b:s18+s9], $0x80, $0x38;
	[tilespmem:$0x1BE80] =	vst v63  }
0xb9: {  	_ =	swait.ge @!p1 [sflag:s11], $0x80  }
0xba: {  	[sflag:s11] =	ssyncset.done @!p1 $0x0  }
0xbb: {  	[sflag:s11] =	ssyncadd.s32 @!p1 $0xFFFFFF80  }
0xbc: {  	_ =	swait.ge @!p1 [sflag:s11], $0x80  }
0xbd: {  	[sflag:s11] =	ssyncset.done @!p1 $0x0  }
0xbe: {  	[sflag:s11] =	ssyncadd.s32 @!p1 $0xFFFFFF80;
	s11 =	simm.s32 @!p1 $0x200  }
0xbf: {  	[tilespmem:s11], [sflag:$0x1] =	stream.indirect.gather @!p1 [hbm4b:s1+s10], $0x80, s9, s10, $0xb8;
	[tilespmem:$0x1BE80] =	vst v63  }
0xc0: {  	s9 =	simm.s32 @!p1 $0x1  }
0xc1: {  	_ =	swait.ge @!p1 [sflag:s9], $0x4000  }
0xc2: {  	[sflag:s9] =	ssyncset.done @!p1 $0x0  }
0xc3: {  	[sflag:s9] =	ssyncadd.s32 @!p1 $0xFFFFC000;
	s9 =	simm.s32 @!p1 $0x5  }
0xc4: {  	[spmem:s2] =	stream.indirect.scatter.add.f32 @!p1 [tilespmem:s11], [sflag:$0x5], $0x80, s10, s10, $0xb8;
	[tilespmem:$0x1BE80] =	vst v63  }
0xc5: {  	_ =	swait.ge @!p1 [sflag:s9], $0x4000  }
0xc6: {  	s13 =	stileid.u32;
	[sflag:s9] =	ssyncset.done @!p1 $0x0  }
0xc7: {  	[sflag:s9] =	ssyncadd.s32 @!p1 $0xFFFFC000;
	s9 =	sshll.u32 s13, $0x6  }
0xc8: {  	s15 =	sshrl.u32 s6, $0x3;
	[bflag:$0x0] =	sbarrier.arrive $0xFFFF;
	s9 =	sor.u32 $0x1C05, s9  }
0xc9: {  	[hbm:s19], [sflag:s9] =	dma.local [spmem:s15], $0x2700  }
0xca: {  	_ =	swait.ge [sflag:s25], $0x2700  }
0xcb: {  	s8 =	sadd.s32 $0x1, s8;
	[sflag:s25] =	ssyncset.done $0x0  }
0xcc: {  	p2 =	sne.s32 s8, s21;
	s10 =	sshrl.u32 @!p0 s12, $0x3;
	[sflag:s25] =	ssyncadd.s32 $0xFFFFD900  }
0xcd: {  	[hbm:s20], [sflag:s9] =	dma.local @!p0 [spmem:s10], $0x100  }
.Ltmp2:
0xce: {  	_ = 	snop;
	(pc) =	sbr.rel @p2 .LBB2_1-.Ltmp2, $4  }
0xcf: {  	s9 =	simm.s32 @!p0 $0x5  }
0xd0: {  	_ =	swait.ge @!p0 [sflag:s9], $0x100  }
0xd1: {  	[sflag:s9] =	ssyncset.done @!p0 $0x0  }
0xd2: {  	[sflag:s9] =	ssyncadd.s32 @!p0 $0xFFFFFF00  }
0xd3: {  	_ =	sfence.sel $0x180000  }
0xd4: {  	[bflag:$0x0] =	sbarrier.arrive $0xFFFF  }
0xd5: {  	_ =	strace $0x9000004D  }
0xd6: {  	[bflag:$0x2] =	sbarrier.arrive $0xFFFF  }
0xd7: {  	s0 =	rddreg [dreg:$0x3]  }
0xd8: {  	s0 =	sadd.s32 @!p0 $0x100000, s0  }
0xd9: {  	[sflag:s0] =	ssyncadd.tile.s32 @!p0 $0x1;
	_ =	shalt  }
.Lfunc_end2:
_tile_overlayer_lowered:
.L_overlay_start_2:
0xda: {  	(tag) =	ssettag $0x2  }
0xdb: {  	s0 =	rddreg [dreg:$0x0];
	s2 =	stileid.u32  }
0xdc: {  	s1 =	rddreg [dreg:$0x1];
	p0 =	sne.s32 s2, $0x0  }
0xdd: {  	s3 =	rddreg [dreg:$0x2];
	[bflag:$0x3] =	sbarrier.arrive $0xFFFF;
	s2 =	simm.s32 @!p0 $0x1C05  }
0xde: {  	[timem:s3], [sflag:s2] =	dma.local @!p0 [hbm:s0], s1  }
0xdf: {  	s0 =	simm.s32 @!p0 $0x5  }
0xe0: {  	_ =	swait.ge @!p0 [sflag:s0], s1  }
0xe1: {  	s1 =	ssub.s32 @!p0 $0x0, s1;
	[sflag:s0] =	ssyncset.done @!p0 $0x0  }
0xe2: {  	[sflag:s0] =	ssyncadd.s32 @!p0 s1  }
0xe3: {  	[bflag:$0x3] =	sbarrier.arrive $0xFFFF  }
0xe4: {  	_ =	shalt  }

// kernel: kernel.8.cloned.1.call-start
scs
__scs_entry_jumppad:
0x0: {  	(pc) =	sbr.rel $0x88, $3  }
0x1: {  	(tag) =	ssettag $0x0;
	lr =	simm.s32 $0x1  }
0x2: {  	[smem:$0x3F99] =	sst lr;
	_ =	strace $0xD0000000  }
0x3: {  	_ = 	snop  }
0x4: {  	_ = 	snop  }
0x5: {  	_ = 	snop  }
0x6: {  	_ = 	snop  }
0x7: {  	_ = 	snop  }
__scs_overlays_trampoline_lowered:
0x8: {  	[smem:$0x3FA8] =	sst s0  }
0x9: {  	[smem:$0x3FA9] =	sst s1  }
0xa: {  	[smem:$0x3FAA] =	sst s2  }
0xb: {  	[smem:$0x3FAB] =	sst s3  }
0xc: {  	[smem:$0x3FAC] =	sst s4  }
0xd: {  	[smem:$0x3FAD] =	sst s5  }
0xe: {  	[smem:$0x3FAE] =	sst s6  }
0xf: {  	[smem:$0x3FAF] =	sst s7  }
0x10: {  	[smem:$0x3FB0] =	sst s8  }
0x11: {  	[smem:$0x3FB1] =	sst s9;
	s0 =	simm.s32 @!p0 $0x0  }
0x12: {  	s1 =	sld [smem:$0x3F97];
	s0 =	simm.s32 @p0 $0x1  }
0x13: {  	[smem:$0x3FB2] =	sst s0;
	s0 =	simm.s32 @!p1 $0x0  }
0x14: {  	s2 =	sld [smem:$0x3F96];
	s0 =	simm.s32 @p1 $0x1  }
0x15: {  	[smem:$0x3FB3] =	sst s0;
	s0 =	simm.s32 @!p2 $0x0  }
0x16: {  	s3 =	sld [smem:$0x3FDB];
	s0 =	simm.s32 @p2 $0x1  }
0x17: {  	s4 =	simm.s32 $0x1BF5;
	[smem:$0x3FB5] =	sst s0  }
0x18: {  	s0 =	sld [smem:$0x3F98];
	_ =	swait.ge [sflag:s4], $0x0  }
0x19: {  	s7 =	sld [smem:$0x3F99]  }
0x1a: {  	s8 =	sadd.s32 $0xFFFFE003, lr  }
0x1b: {  	s9 =	sadd.s32 $0xFFFFFEF7, lr;
	s5 =	simm.s32 $0xFFFFFFFF;
	p2 =	slt.u32 s8, $0xFFFFF086  }
0x1c: {  	p1 =	slt.u32 s9, $0xF7A;
	s5 =	simm.s32 @!p2 $0x0  }
0x1d: {  	s5 =	simm.s32 @p1 $0x1;
	p0 =	seq.s32 s7, s2  }
0x1e: {  	s7 =	smul.u32 @!p0 $0xF7A, s2;
	p2 =	seq.s32 @!p0 s5, $0x0  }
0x1f: {  	s9 =	smul.u32 $0xF7A, s1;
	s8 =	simm.s32 @!p0 $0x1BF5;
	p2 =	por !p2, p0  }
0x20: {  	[sflag:s8] =	ssyncset.s32 @!p0 $0xFFFFF086;
	s6 =	sadd.s32 @!p0 s3, s7;
	s7 =	simm.s32 @!p0 $0x108  }
0x21: {  	s3 =	sadd.s32 s3, s9;
	s6 =	sadd.s32 @!p0 $0x88, s6;
	s7 =	simm.s32 @p2 $0x1082  }
0x22: {  	[simem:s7], [sflag:s8] =	dma.local @!p0 [hbm:s6], $0xF7A  }
0x23: {  	s9 =	sor.u32 $0xD0000000, s2;
	s6 =	simm.s32 $0x108;
	_ =	swait.ge @!p0 [sflag:s8], $0x0  }
0x24: {  	s3 =	sadd.s32 $0x88, s3;
	s6 =	simm.s32 @!p1 $0x1082;
	[sflag:s4] =	ssyncset.s32 $0xFFFFF086  }
0x25: {  	[simem:s6], [sflag:s4] =	dma.local [hbm:s3], $0xF7A  }
0x26: {  	[smem:$0x3F99] =	sst s1;
	(tag) =	ssettag s2;
	_ =	strace s9  }
0x27: {  	s1 =	sld [smem:$0x3FA9]  }
0x28: {  	s2 =	sld [smem:$0x3FAA]  }
0x29: {  	s4 =	sld [smem:$0x3FAC]  }
0x2a: {  	p0 =	seq.s32 s5, $0x0;
	s5 =	sld [smem:$0x3FAD]  }
0x2b: {  	s6 =	sld [smem:$0x3FAE]  }
0x2c: {  	s7 =	sld [smem:$0x3FAF]  }
0x2d: {  	s3 =	simm.s32 $0x108;
	s8 =	sld [smem:$0x3FB0]  }
0x2e: {  	s3 =	simm.s32 @!p0 $0x1082;
	s9 =	sld [smem:$0x3FB1]  }
0x2f: {  	lr =	sadd.s32 s0, s3;
	s0 =	sld [smem:$0x3FA8]  }
0x30: {  	s3 =	sld [smem:$0x3FAB]  }
0x31: {  	[smem:$0x3FB4] =	sst s10  }
0x32: {  	s10 =	sld [smem:$0x3FB2];
	_ =	sdelay $0x3  }
0x33: {  	p0 =	seq.s32 s10, $0x1;
	s10 =	sld [smem:$0x3FB4];
	_ =	sdelay $0x3  }
0x34: {  	[smem:$0x3FB4] =	sst s10  }
0x35: {  	s10 =	sld [smem:$0x3FB3];
	_ =	sdelay $0x3  }
0x36: {  	p1 =	seq.s32 s10, $0x1;
	s10 =	sld [smem:$0x3FB4];
	_ =	sdelay $0x3  }
0x37: {  	[smem:$0x3FB4] =	sst s10  }
0x38: {  	s10 =	sld [smem:$0x3FB5]  }
0x39: {  	_ = 	snop;
	(pc) =	sbr.ind lr, $3  }
0x3a: {  	_ = 	snop  }
0x3b: {  	_ = 	snop  }
0x3c: {  	p2 =	seq.s32 s10, $0x1;
	s10 =	sld [smem:$0x3FB4]  }
0x3d: {  	_ =	shalt  }
0x3e: {  	_ =	shalt  }
0x3f: {  	_ =	shalt  }
0x40: {  	_ =	shalt  }
0x41: {  	_ =	shalt  }
0x42: {  	_ =	shalt  }
0x43: {  	_ =	shalt  }
0x44: {  	_ =	shalt  }
0x45: {  	_ =	shalt  }
0x46: {  	_ =	shalt  }
0x47: {  	_ =	shalt  }
0x48: {  	_ =	shalt  }
0x49: {  	_ =	shalt  }
0x4a: {  	_ =	shalt  }
0x4b: {  	_ =	shalt  }
0x4c: {  	_ =	shalt  }
0x4d: {  	_ =	shalt  }
0x4e: {  	_ =	shalt  }
0x4f: {  	_ =	shalt  }
0x50: {  	_ =	shalt  }
0x51: {  	_ =	shalt  }
0x52: {  	_ =	shalt  }
0x53: {  	_ =	shalt  }
0x54: {  	_ =	shalt  }
0x55: {  	_ =	shalt  }
0x56: {  	_ =	shalt  }
0x57: {  	_ =	shalt  }
0x58: {  	_ =	shalt  }
0x59: {  	_ =	shalt  }
0x5a: {  	_ =	shalt  }
0x5b: {  	_ =	shalt  }
0x5c: {  	_ =	shalt  }
0x5d: {  	_ =	shalt  }
0x5e: {  	_ =	shalt  }
0x5f: {  	_ =	shalt  }
0x60: {  	_ =	shalt  }
0x61: {  	_ =	shalt  }
0x62: {  	_ =	shalt  }
0x63: {  	_ =	shalt  }
0x64: {  	_ =	shalt  }
0x65: {  	_ =	shalt  }
0x66: {  	_ =	shalt  }
0x67: {  	_ =	shalt  }
0x68: {  	_ =	shalt  }
0x69: {  	_ =	shalt  }
0x6a: {  	_ =	shalt  }
0x6b: {  	_ =	shalt  }
0x6c: {  	_ =	shalt  }
0x6d: {  	_ =	shalt  }
0x6e: {  	_ =	shalt  }
0x6f: {  	_ =	shalt  }
0x70: {  	_ =	shalt  }
0x71: {  	_ =	shalt  }
0x72: {  	_ =	shalt  }
0x73: {  	_ =	shalt  }
0x74: {  	_ =	shalt  }
0x75: {  	_ =	shalt  }
0x76: {  	_ =	shalt  }
0x77: {  	_ =	shalt  }
0x78: {  	_ =	shalt  }
0x79: {  	_ =	shalt  }
0x7a: {  	_ =	shalt  }
0x7b: {  	_ =	shalt  }
0x7c: {  	_ =	shalt  }
0x7d: {  	_ =	shalt  }
0x7e: {  	_ =	shalt  }
0x7f: {  	_ =	shalt  }
0x80: {  	_ =	shalt  }
0x81: {  	_ =	shalt  }
0x82: {  	_ =	shalt  }
0x83: {  	_ =	shalt  }
0x84: {  	_ =	shalt  }
0x85: {  	_ =	shalt  }
0x86: {  	_ =	shalt  }
0x87: {  	_ =	shalt  }
.Lfunc_end0:
.L_simem_size_0:
called_computation_lowered:
.L_overlay_start_0:
0x88: {  	s2 =	sld [smem:$0x3FD9]  }
0x89: {  	s3 =	sld [smem:$0x3FFE];
	_ =	sdelay $0x1  }
0x8a: {  	s1 =	srdreg.scid  }
0x8b: {  	s0 =	sand.u32 $0x1, s1  }
0x8c: {  	s16 =	sshll.u32 s0, $0xA;
	s2 =	sadd.s32 s3, s2  }
0x8d: {  	s2 =	sadd.s32 s2, s16  }
0x8e: {  	[smem:$0x3FC0] =	sst s2  }
0x8f: {  	_ = 	snop  }
0x90: {  	(tm) =	ssettm $0x1  }
0x91: {  	s17 =	sld [smem:$0x3FFB];
	_ =	sdelay $0x3  }
0x92: {  	_ =	strace s17  }
0x93: {  	s2 =	sld [smem:$0x3FFC];
	_ =	sdelay $0x3  }
0x94: {  	_ =	strace s2  }
0x95: {  	s2 =	sld [smem:$0x3FFD];
	_ =	sdelay $0x3  }
0x96: {  	_ =	strace s2  }
0x97: {  	_ =	strace $0x8FFFFFFF  }
0x98: {  	s18 =	sld [smem:$0x3FDB];
	_ =	sdelay $0x1  }
0x99: {  	s19 =	simm.s32 $_scs_section_size  }
0x9a: {  	s4 =	simm.s32 $_size__tile_overlayer_lowered;
	s5 =	simm.s32 $_tile_overlayer_lowered  }
0x9b: {  	s22 =	simm.s32 $0x1BFF;
	s21 =	sshll.u32 s5, $0x1;
	s2 =	sadd.s32 s19, s18  }
0x9c: {  	s6 =	simm.s32 $0x0;
	s20 =	sshll.u32 s4, $0x1;
	s4 =	sadd.s32 s21, s2  }
0x9d: {  	[timem:s6], [sflag:s22] =	dma.local [hbm:s4], s20  }
0x9e: {  	_ =	swait.ge [sflag:s22], s20  }
0x9f: {  	s3 =	ssub.s32 $0x0, s20;
	[sflag:s22] =	ssyncset.done $0x0  }
0xa0: {  	[sflag:s22] =	ssyncadd.s32 s3;
	_ =	sdelay $0x1  }
0xa1: {  	s23 =	simm.s32 $0x1B8B  }
0xa2: {  	_ =	swait.ge [sflag:s23], $0x1  }
0xa3: {  	[sflag:s23] =	ssyncset.done $0x0  }
0xa4: {  	s25 =	simm.s32 $0x1B8E;
	s24 =	sld [smem:$0x3FFE];
	[sflag:s23] =	ssyncadd.s32 $0xFFFFFFFF  }
0xa5: {  	s26 =	simm.s32 $execute0_lowered;
	[smem:$0x3FD2] =	sst s25  }
0xa6: {  	s4 =	sshll.u32 s26, $0x1;
	_ =	strace $0x80000046;
	[dreg:$0x1] =	wrdreg $0xFFFFFFFF  }
0xa7: {  	s28 =	simm.s32 $_size_execute0_lowered;
	s2 =	sadd.s32 s2, s4;
	[dreg:$0x0] =	wrdreg $0x0  }
0xa8: {  	s4 =	sshll.u32 s28, $0x1;
	[dreg:$0x2] =	wrdreg s2  }
0xa9: {  	[dreg:$0x3] =	wrdreg s4  }
0xaa: {  	[dreg:$0x4] =	wrdreg $0xC0  }
0xab: {  	_ =	task [dreg:s6], $0x5FFFF  }
0xac: {  	[dreg:$0x1] =	wrdreg $0xFFFFFFFF  }
0xad: {  	[dreg:$0x0] =	wrdreg $0x60  }
0xae: {  	[dreg:$0x2] =	wrdreg s24  }
0xaf: {  	[dreg:$0x3] =	wrdreg $0x54000  }
0xb0: {  	[dreg:$0x4] =	wrdreg $0x9  }
0xb1: {  	_ =	task.clear_ibuf [dreg:s6], $0x5FFFF;
	_ =	strace $0x90000046  }
0xb2: {  	s29 =	simm.s32 $0x9;
	_ =	strace $0x80000048  }
0xb3: {  	_ =	swait.ge [sflag:s29], $0x1  }
0xb4: {  	[sflag:s29] =	ssyncadd.s32 $0xFFFFFFFF  }
0xb5: {  	_ =	strace $0x90000048  }
0xb6: {  	_ =	sfence  }
0xb7: {  	s30 =	sld [smem:$0x0];
	_ =	sdelay $0x2  }
0xb8: {  	s31 =	sshll.u32 s1, $0xD;
	s1 =	sshrl.u32 s1, $0x2  }
0xb9: {  	s3 =	sand.u32 $0x4000, s31;
	s1 =	sadd.s32 s1, s30  }
0xba: {  	s0 =	sor.u32 s3, s0;
	s1 =	sshll.u32 s1, $0x11  }
0xbb: {  	s0 =	sor.u32 s1, s0  }
0xbc: {  	s0 =	sadd.s32 $0x8F2B, s0  }
0xbd: {  	[sflag:s0] =	ssyncadd.remote.s32 $0x1  }
0xbe: {  	_ =	sfence.sel $0xFFFF  }
0xbf: {  	[dreg:$0x0] =	wrdreg $0xFFFFFFFF;
	(pc) =	sbr.abs _section_cstart, $3  }
0xc0: {  	[dreg:$0x1] =	wrdreg $0xFFFFFFFF  }
0xc1: {  	_ =	task.clear_ibuf [dreg:s6], $0x2FFFF;
	_ =	strace $0x9FFFFFFF  }
0xc2: {  	(tm) =	ssettm $0x7FFFFFFF  }
0xc3: {  	_ =	shalt  }
tec
execute0_lowered:
.L_overlay_start_1:
0x0: {  	(tag) =	ssettag $0x1  }
0x1: {  	s0 =	srdreg.scid;
	s1 =	rddreg [dreg:$0x0]  }
0x2: {  	s15 =	stileid.u32;
	s2 =	rddreg [dreg:$0x1]  }
0x3: {  	s16 =	simm.s32 $0x2;
	s17 =	simm.s32 $0x80;
	s24 =	simm.s32 $0x1  }
0x4: {  	s18 =	simm.s32 $0xE80;
	s19 =	simm.s32 $0xF00;
	s20 =	simm.s32 $0xF80  }
0x5: {  	s21 =	simm.s32 $0x1080;
	s22 =	simm.s32 $0x1100;
	s23 =	simm.s32 $0x1180  }
0x6: {  	s25 =	simm.s32 $0x1200;
	s28 =	simm.s32 $0x1300;
	s29 =	simm.s32 $0x1380  }
0x7: {  	s30 =	simm.s32 $0x0;
	s0 =	sand.u32 $0x1, s0;
	s5 =	smul.u32 $0x4E000, s15  }
0x8: {  	s3 =	sshll.u32 s15, $0x1;
	s12 =	smul.u32 $0x2700, s15;
	p0 =	sne.s32 s15, $0x0  }
0x9: {  	s15 =	simm.s32 $0x1400;
	s4 =	sor.u32 s0, s3;
	s10 =	smul.u32 $0x138800, s0  }
0xa: {  	s3 =	simm.s32 $0x0;
	s6 =	ssub.s32 $0x2, s0;
	s0 =	smul.u32 $0x27100, s0  }
0xb: {  	s4 =	smul.u32 $0x280, s4;
	[smem:$0x7FF] =	sst s3;
	s31 =	sshrl.u32 s6, $0x1  }
0xc: {  	s26 =	sshrl.u32 s5, $0x2;
	_ =	strace $0x80000047;
	s14 =	ssub.s32 s6, s31  }
0xd: {  	s13 =	sshrl.u32 s10, $0x3;
	s10 =	sadd.s32 $0x138000, s2;
	s0 =	sadd.s32 s12, s0  }
0xe: {  	s11 =	sadd.s32 s4, s1;
	s1 =	sadd.s32 $0xCC00, s1;
	s4 =	sadd.s32 s26, s2  }
0xf: {  	s14 =	smax.u32 s14, $0x1;
	s26 =	simm.s32 $0x1280;
	s5 =	sadd.s32 $0x3400, s4  }
0x10: {  	s6 =	sadd.s32 $0x6800, s4;
	s7 =	sadd.s32 $0x9C00, s4;
	s8 =	sadd.s32 $0xD000, s4  }
0x11: {  	s9 =	sadd.s32 $0x10400, s4;
	s13 =	sadd.s32 s1, s13;
	s11 =	sadd.s32 $0x7C00, s11  }
0x12: {  	v0 =	vimm.f32 $0.0e+00;
	v1 =	vimm.f32 $1.000000000e+00;
	s12 =	sadd.s32 s1, s0;
	s0 =	simm.s32 $0x1000;
	s13 =	sadd.s32 $0x27000, s13  }
.LBB2_1:
0x13: {  	s31 =	simm.s32 $0x0;
	s1 =	simm.s32 $0x200  }
.LBB2_2:
0x14: {  	p1 =	sne.s32 s1, $0xCE00;
	[tilespmem:s31+$0x1470] =	vst v0  }
0x15: {  	[tilespmem:s31+$0x1400] =	vst v0  }
0x16: {  	[tilespmem:s31+$0x1410] =	vst v0  }
.Ltmp0:
0x17: {  	[tilespmem:s31+$0x1420] =	vst v0;
	(pc) =	sbr.rel @p1 .LBB2_2-.Ltmp0, $4  }
0x18: {  	[tilespmem:s31+$0x1430] =	vst v0  }
0x19: {  	[tilespmem:s31+$0x1440] =	vst v0  }
0x1a: {  	[tilespmem:s31+$0x1450] =	vst v0  }
0x1b: {  	[tilespmem:s31+$0x1460] =	vst v0;
	s31 =	sshra.s32 s1, $0x2;
	s1 =	sadd.s32 $0x200, s1  }
0x1c: {  	[tilespmem:s31+$0x1470] =	vst v0  }
0x1d: {  	[tilespmem:s31+$0x1400] =	vst v0  }
0x1e: {  	[tilespmem:s31+$0x1410] =	vst v0  }
0x1f: {  	[tilespmem:s31+$0x1420] =	vst v0  }
0x20: {  	[tilespmem:s31+$0x1430] =	vst v0  }
0x21: {  	[tilespmem:s31+$0x1440] =	vst v0  }
0x22: {  	[tilespmem:s31+$0x1450] =	vst v0  }
0x23: {  	[tilespmem:s31+$0x1460] =	vst v0  }
0x24: {  	[spmem:s4] =	stream.linear.scatter [tilespmem:s15], [sflag:$0x2], $0x3400, $0x38;
	[tilespmem:$0x19080] =	vst v63  }
0x25: {  	_ =	swait.ge [sflag:s16], $0x3400  }
0x26: {  	[sflag:s16] =	ssyncset.done $0x0  }
0x27: {  	[sflag:s16] =	ssyncadd.s32 $0xFFFFCC00  }
0x28: {  	[spmem:s5] =	stream.linear.scatter [tilespmem:s15], [sflag:$0x2], $0x3400, $0x38;
	[tilespmem:$0x19080] =	vst v63  }
0x29: {  	_ =	swait.ge [sflag:s16], $0x3400  }
0x2a: {  	[sflag:s16] =	ssyncset.done $0x0  }
0x2b: {  	[sflag:s16] =	ssyncadd.s32 $0xFFFFCC00  }
0x2c: {  	[spmem:s6] =	stream.linear.scatter [tilespmem:s15], [sflag:$0x2], $0x3400, $0x38;
	[tilespmem:$0x19080] =	vst v63  }
0x2d: {  	_ =	swait.ge [sflag:s16], $0x3400  }
0x2e: {  	[sflag:s16] =	ssyncset.done $0x0  }
0x2f: {  	[sflag:s16] =	ssyncadd.s32 $0xFFFFCC00  }
0x30: {  	[spmem:s7] =	stream.linear.scatter [tilespmem:s15], [sflag:$0x2], $0x3400, $0x38;
	[tilespmem:$0x19080] =	vst v63  }
0x31: {  	_ =	swait.ge [sflag:s16], $0x3400  }
0x32: {  	[sflag:s16] =	ssyncset.done $0x0  }
0x33: {  	[sflag:s16] =	ssyncadd.s32 $0xFFFFCC00  }
0x34: {  	[spmem:s8] =	stream.linear.scatter [tilespmem:s15], [sflag:$0x2], $0x3400, $0x38;
	[tilespmem:$0x19080] =	vst v63  }
0x35: {  	_ =	swait.ge [sflag:s16], $0x3400  }
0x36: {  	[sflag:s16] =	ssyncset.done $0x0  }
0x37: {  	[sflag:s16] =	ssyncadd.s32 $0xFFFFCC00  }
0x38: {  	[spmem:s9] =	stream.linear.scatter [tilespmem:s15], [sflag:$0x2], $0x3400, $0x38;
	[tilespmem:$0x19080] =	vst v63  }
0x39: {  	_ =	swait.ge [sflag:s16], $0x3400  }
0x3a: {  	[sflag:s16] =	ssyncset.done $0x0  }
0x3b: {  	s1 =	simm.s32 @!p0 $0x1400;
	[sflag:s16] =	ssyncadd.s32 $0xFFFFCC00  }
0x3c: {  	[spmem:s10] =	stream.linear.scatter @!p0 [tilespmem:s1], [sflag:$0x2], $0x800, $0x38;
	[tilespmem:$0x19080] =	vst v63  }
0x3d: {  	s1 =	simm.s32 @!p0 $0x2  }
0x3e: {  	_ =	swait.ge @!p0 [sflag:s1], $0x800  }
0x3f: {  	[sflag:s1] =	ssyncset.done @!p0 $0x0  }
0x40: {  	s31 =	simm.s32 $0x0;
	[sflag:s1] =	ssyncadd.s32 @!p0 $0xFFFFF800;
	s1 =	simm.s32 $0x200  }
.LBB2_4:
0x41: {  	p1 =	sne.s32 s1, $0xFE00;
	[tilespmem:s31+$0x1470] =	vst v1  }
0x42: {  	[tilespmem:s31+$0x1400] =	vst v1  }
0x43: {  	[tilespmem:s31+$0x1410] =	vst v1  }
.Ltmp1:
0x44: {  	[tilespmem:s31+$0x1420] =	vst v1;
	(pc) =	sbr.rel @p1 .LBB2_4-.Ltmp1, $4  }
0x45: {  	[tilespmem:s31+$0x1430] =	vst v1  }
0x46: {  	[tilespmem:s31+$0x1440] =	vst v1  }
0x47: {  	[tilespmem:s31+$0x1450] =	vst v1  }
0x48: {  	[tilespmem:s31+$0x1460] =	vst v1;
	s31 =	sshra.s32 s1, $0x2;
	s1 =	sadd.s32 $0x200, s1  }
0x49: {  	[tilespmem:s31+$0x1470] =	vst v1  }
0x4a: {  	[tilespmem:s31+$0x1400] =	vst v1  }
0x4b: {  	[tilespmem:s31+$0x1410] =	vst v1  }
0x4c: {  	[tilespmem:s31+$0x1420] =	vst v1  }
0x4d: {  	[tilespmem:s31+$0x1430] =	vst v1  }
0x4e: {  	[tilespmem:s31+$0x1440] =	vst v1  }
0x4f: {  	[tilespmem:s31+$0x1450] =	vst v1  }
0x50: {  	[tilespmem:s31+$0x1460] =	vst v1  }
0x51: {  	[tilespmem:s3], [sflag:$0x2] =	stream.linear.gather [hbm4b:s11+s3], $0x1400, $0x38;
	[tilespmem:$0x19080] =	vst v63  }
0x52: {  	_ =	swait.ge [sflag:s16], $0x1400  }
0x53: {  	[sflag:s16] =	ssyncset.done $0x0  }
0x54: {  	[sflag:s16] =	ssyncadd.s32 $0xFFFFEC00  }
0x55: {  	[bflag:$0x0] =	sbarrier.arrive $0xFFFF  }
0x56: {  	[spmem:s2] =	stream.indirect.scatter.add.f32 [tilespmem:s15], [sflag:$0x1], $0x80, s3, s17, $0xb8;
	[tilespmem:$0x19080] =	vst v63  }
0x57: {  	_ = 	snop  }
0x58: {  	[spmem:s2] =	stream.indirect.scatter.add.f32 [tilespmem:s15], [sflag:$0x1], $0x80, s17, s17, $0xb8;
	[tilespmem:$0x19080] =	vst v63  }
0x59: {  	s1 =	simm.s32 $0x100  }
0x5a: {  	[spmem:s2] =	stream.indirect.scatter.add.f32 [tilespmem:s15], [sflag:$0x1], $0x80, s1, s17, $0xb8;
	[tilespmem:$0x19080] =	vst v63  }
0x5b: {  	s31 =	simm.s32 $0x180  }
0x5c: {  	[spmem:s2] =	stream.indirect.scatter.add.f32 [tilespmem:s15], [sflag:$0x1], $0x80, s31, s17, $0xb8;
	[tilespmem:$0x19080] =	vst v63  }
0x5d: {  	s31 =	simm.s32 $0x200  }
0x5e: {  	[spmem:s2] =	stream.indirect.scatter.add.f32 [tilespmem:s15], [sflag:$0x1], $0x80, s31, s17, $0xb8;
	[tilespmem:$0x19080] =	vst v63  }
0x5f: {  	s31 =	simm.s32 $0x280  }
0x60: {  	[spmem:s2] =	stream.indirect.scatter.add.f32 [tilespmem:s15], [sflag:$0x1], $0x80, s31, s17, $0xb8;
	[tilespmem:$0x19080] =	vst v63  }
0x61: {  	s31 =	simm.s32 $0x300  }
0x62: {  	[spmem:s2] =	stream.indirect.scatter.add.f32 [tilespmem:s15], [sflag:$0x1], $0x80, s31, s17, $0xb8;
	[tilespmem:$0x19080] =	vst v63  }
0x63: {  	s31 =	simm.s32 $0x380  }
0x64: {  	[spmem:s2] =	stream.indirect.scatter.add.f32 [tilespmem:s15], [sflag:$0x1], $0x80, s31, s17, $0xb8;
	[tilespmem:$0x19080] =	vst v63  }
0x65: {  	_ =	swait.ge [sflag:s24], $0x4000  }
0x66: {  	[sflag:s24] =	ssyncset.done $0x0  }
0x67: {  	[sflag:s24] =	ssyncadd.s32 $0xFFFFC000  }
0x68: {  	_ =	swait.ge [sflag:s24], $0x4000  }
0x69: {  	[sflag:s24] =	ssyncset.done $0x0  }
0x6a: {  	[sflag:s24] =	ssyncadd.s32 $0xFFFFC000  }
0x6b: {  	_ =	swait.ge [sflag:s24], $0x4000  }
0x6c: {  	[sflag:s24] =	ssyncset.done $0x0  }
0x6d: {  	[sflag:s24] =	ssyncadd.s32 $0xFFFFC000  }
0x6e: {  	_ =	swait.ge [sflag:s24], $0x4000  }
0x6f: {  	[sflag:s24] =	ssyncset.done $0x0  }
0x70: {  	[sflag:s24] =	ssyncadd.s32 $0xFFFFC000  }
0x71: {  	_ =	swait.ge [sflag:s24], $0x4000  }
0x72: {  	[sflag:s24] =	ssyncset.done $0x0  }
0x73: {  	[sflag:s24] =	ssyncadd.s32 $0xFFFFC000  }
0x74: {  	_ =	swait.ge [sflag:s24], $0x4000  }
0x75: {  	[sflag:s24] =	ssyncset.done $0x0  }
0x76: {  	[sflag:s24] =	ssyncadd.s32 $0xFFFFC000  }
0x77: {  	_ =	swait.ge [sflag:s24], $0x4000  }
0x78: {  	[sflag:s24] =	ssyncset.done $0x0  }
0x79: {  	[sflag:s24] =	ssyncadd.s32 $0xFFFFC000  }
0x7a: {  	_ =	swait.ge [sflag:s24], $0x4000  }
0x7b: {  	[sflag:s24] =	ssyncset.done $0x0  }
0x7c: {  	s31 =	simm.s32 $0x400;
	[sflag:s24] =	ssyncadd.s32 $0xFFFFC000  }
0x7d: {  	[spmem:s2] =	stream.indirect.scatter.add.f32 [tilespmem:s15], [sflag:$0x1], $0x80, s31, s17, $0xb8;
	[tilespmem:$0x19080] =	vst v63  }
0x7e: {  	s31 =	simm.s32 $0x480  }
0x7f: {  	[spmem:s2] =	stream.indirect.scatter.add.f32 [tilespmem:s15], [sflag:$0x1], $0x80, s31, s17, $0xb8;
	[tilespmem:$0x19080] =	vst v63  }
0x80: {  	s31 =	simm.s32 $0x500  }
0x81: {  	[spmem:s2] =	stream.indirect.scatter.add.f32 [tilespmem:s15], [sflag:$0x1], $0x80, s31, s17, $0xb8;
	[tilespmem:$0x19080] =	vst v63  }
0x82: {  	s31 =	simm.s32 $0x580  }
0x83: {  	[spmem:s2] =	stream.indirect.scatter.add.f32 [tilespmem:s15], [sflag:$0x1], $0x80, s31, s17, $0xb8;
	[tilespmem:$0x19080] =	vst v63  }
0x84: {  	s31 =	simm.s32 $0x600  }
0x85: {  	[spmem:s2] =	stream.indirect.scatter.add.f32 [tilespmem:s15], [sflag:$0x1], $0x80, s31, s17, $0xb8;
	[tilespmem:$0x19080] =	vst v63  }
0x86: {  	s31 =	simm.s32 $0x680  }
0x87: {  	[spmem:s2] =	stream.indirect.scatter.add.f32 [tilespmem:s15], [sflag:$0x1], $0x80, s31, s17, $0xb8;
	[tilespmem:$0x19080] =	vst v63  }
0x88: {  	s31 =	simm.s32 $0x700  }
0x89: {  	[spmem:s2] =	stream.indirect.scatter.add.f32 [tilespmem:s15], [sflag:$0x1], $0x80, s31, s17, $0xb8;
	[tilespmem:$0x19080] =	vst v63  }
0x8a: {  	s31 =	simm.s32 $0x780  }
0x8b: {  	[spmem:s2] =	stream.indirect.scatter.add.f32 [tilespmem:s15], [sflag:$0x1], $0x80, s31, s17, $0xb8;
	[tilespmem:$0x19080] =	vst v63  }
0x8c: {  	_ =	swait.ge [sflag:s24], $0x4000  }
0x8d: {  	[sflag:s24] =	ssyncset.done $0x0  }
0x8e: {  	[sflag:s24] =	ssyncadd.s32 $0xFFFFC000  }
0x8f: {  	_ =	swait.ge [sflag:s24], $0x4000  }
0x90: {  	[sflag:s24] =	ssyncset.done $0x0  }
0x91: {  	[sflag:s24] =	ssyncadd.s32 $0xFFFFC000  }
0x92: {  	_ =	swait.ge [sflag:s24], $0x4000  }
0x93: {  	[sflag:s24] =	ssyncset.done $0x0  }
0x94: {  	[sflag:s24] =	ssyncadd.s32 $0xFFFFC000  }
0x95: {  	_ =	swait.ge [sflag:s24], $0x4000  }
0x96: {  	[sflag:s24] =	ssyncset.done $0x0  }
0x97: {  	[sflag:s24] =	ssyncadd.s32 $0xFFFFC000  }
0x98: {  	_ =	swait.ge [sflag:s24], $0x4000  }
0x99: {  	[sflag:s24] =	ssyncset.done $0x0  }
0x9a: {  	[sflag:s24] =	ssyncadd.s32 $0xFFFFC000  }
0x9b: {  	_ =	swait.ge [sflag:s24], $0x4000  }
0x9c: {  	[sflag:s24] =	ssyncset.done $0x0  }
0x9d: {  	[sflag:s24] =	ssyncadd.s32 $0xFFFFC000  }
0x9e: {  	_ =	swait.ge [sflag:s24], $0x4000  }
0x9f: {  	[sflag:s24] =	ssyncset.done $0x0  }
0xa0: {  	[sflag:s24] =	ssyncadd.s32 $0xFFFFC000  }
0xa1: {  	_ =	swait.ge [sflag:s24], $0x4000  }
0xa2: {  	[sflag:s24] =	ssyncset.done $0x0  }
0xa3: {  	s31 =	simm.s32 $0x800;
	[sflag:s24] =	ssyncadd.s32 $0xFFFFC000  }
0xa4: {  	[spmem:s2] =	stream.indirect.scatter.add.f32 [tilespmem:s15], [sflag:$0x1], $0x80, s31, s17, $0xb8;
	[tilespmem:$0x19080] =	vst v63  }
0xa5: {  	s31 =	simm.s32 $0x880  }
0xa6: {  	[spmem:s2] =	stream.indirect.scatter.add.f32 [tilespmem:s15], [sflag:$0x1], $0x80, s31, s17, $0xb8;
	[tilespmem:$0x19080] =	vst v63  }
0xa7: {  	s31 =	simm.s32 $0x900  }
0xa8: {  	[spmem:s2] =	stream.indirect.scatter.add.f32 [tilespmem:s15], [sflag:$0x1], $0x80, s31, s17, $0xb8;
	[tilespmem:$0x19080] =	vst v63  }
0xa9: {  	s31 =	simm.s32 $0x980  }
0xaa: {  	[spmem:s2] =	stream.indirect.scatter.add.f32 [tilespmem:s15], [sflag:$0x1], $0x80, s31, s17, $0xb8;
	[tilespmem:$0x19080] =	vst v63  }
0xab: {  	s31 =	simm.s32 $0xA00  }
0xac: {  	[spmem:s2] =	stream.indirect.scatter.add.f32 [tilespmem:s15], [sflag:$0x1], $0x80, s31, s17, $0xb8;
	[tilespmem:$0x19080] =	vst v63  }
0xad: {  	s31 =	simm.s32 $0xA80  }
0xae: {  	[spmem:s2] =	stream.indirect.scatter.add.f32 [tilespmem:s15], [sflag:$0x1], $0x80, s31, s17, $0xb8;
	[tilespmem:$0x19080] =	vst v63  }
0xaf: {  	s31 =	simm.s32 $0xB00  }
0xb0: {  	[spmem:s2] =	stream.indirect.scatter.add.f32 [tilespmem:s15], [sflag:$0x1], $0x80, s31, s17, $0xb8;
	[tilespmem:$0x19080] =	vst v63  }
0xb1: {  	s31 =	simm.s32 $0xB80  }
0xb2: {  	[spmem:s2] =	stream.indirect.scatter.add.f32 [tilespmem:s15], [sflag:$0x1], $0x80, s31, s17, $0xb8;
	[tilespmem:$0x19080] =	vst v63  }
0xb3: {  	_ =	swait.ge [sflag:s24], $0x4000  }
0xb4: {  	[sflag:s24] =	ssyncset.done $0x0  }
0xb5: {  	[sflag:s24] =	ssyncadd.s32 $0xFFFFC000  }
0xb6: {  	_ =	swait.ge [sflag:s24], $0x4000  }
0xb7: {  	[sflag:s24] =	ssyncset.done $0x0  }
0xb8: {  	[sflag:s24] =	ssyncadd.s32 $0xFFFFC000  }
0xb9: {  	_ =	swait.ge [sflag:s24], $0x4000  }
0xba: {  	[sflag:s24] =	ssyncset.done $0x0  }
0xbb: {  	[sflag:s24] =	ssyncadd.s32 $0xFFFFC000  }
0xbc: {  	_ =	swait.ge [sflag:s24], $0x4000  }
0xbd: {  	[sflag:s24] =	ssyncset.done $0x0  }
0xbe: {  	[sflag:s24] =	ssyncadd.s32 $0xFFFFC000  }
0xbf: {  	_ =	swait.ge [sflag:s24], $0x4000  }
0xc0: {  	[sflag:s24] =	ssyncset.done $0x0  }
0xc1: {  	[sflag:s24] =	ssyncadd.s32 $0xFFFFC000  }
0xc2: {  	_ =	swait.ge [sflag:s24], $0x4000  }
0xc3: {  	[sflag:s24] =	ssyncset.done $0x0  }
0xc4: {  	[sflag:s24] =	ssyncadd.s32 $0xFFFFC000  }
0xc5: {  	_ =	swait.ge [sflag:s24], $0x4000  }
0xc6: {  	[sflag:s24] =	ssyncset.done $0x0  }
0xc7: {  	[sflag:s24] =	ssyncadd.s32 $0xFFFFC000  }
0xc8: {  	_ =	swait.ge [sflag:s24], $0x4000  }
0xc9: {  	[sflag:s24] =	ssyncset.done $0x0  }
0xca: {  	s31 =	simm.s32 $0xC00;
	[sflag:s24] =	ssyncadd.s32 $0xFFFFC000  }
0xcb: {  	[spmem:s2] =	stream.indirect.scatter.add.f32 [tilespmem:s15], [sflag:$0x1], $0x80, s31, s17, $0xb8;
	[tilespmem:$0x19080] =	vst v63  }
0xcc: {  	s31 =	simm.s32 $0xC80  }
0xcd: {  	[spmem:s2] =	stream.indirect.scatter.add.f32 [tilespmem:s15], [sflag:$0x1], $0x80, s31, s17, $0xb8;
	[tilespmem:$0x19080] =	vst v63  }
0xce: {  	s31 =	simm.s32 $0xD00  }
0xcf: {  	[spmem:s2] =	stream.indirect.scatter.add.f32 [tilespmem:s15], [sflag:$0x1], $0x80, s31, s17, $0xb8;
	[tilespmem:$0x19080] =	vst v63  }
0xd0: {  	s31 =	simm.s32 $0xD80  }
0xd1: {  	[spmem:s2] =	stream.indirect.scatter.add.f32 [tilespmem:s15], [sflag:$0x1], $0x80, s31, s17, $0xb8;
	[tilespmem:$0x19080] =	vst v63  }
0xd2: {  	s31 =	simm.s32 $0xE00  }
0xd3: {  	[spmem:s2] =	stream.indirect.scatter.add.f32 [tilespmem:s15], [sflag:$0x1], $0x80, s31, s17, $0xb8;
	[tilespmem:$0x19080] =	vst v63  }
0xd4: {  	_ = 	snop  }
0xd5: {  	[spmem:s2] =	stream.indirect.scatter.add.f32 [tilespmem:s15], [sflag:$0x1], $0x80, s18, s17, $0xb8;
	[tilespmem:$0x19080] =	vst v63  }
0xd6: {  	_ = 	snop  }
0xd7: {  	[spmem:s2] =	stream.indirect.scatter.add.f32 [tilespmem:s15], [sflag:$0x1], $0x80, s19, s17, $0xb8;
	[tilespmem:$0x19080] =	vst v63  }
0xd8: {  	_ = 	snop  }
0xd9: {  	[spmem:s2] =	stream.indirect.scatter.add.f32 [tilespmem:s15], [sflag:$0x1], $0x80, s20, s17, $0xb8;
	[tilespmem:$0x19080] =	vst v63  }
0xda: {  	_ =	swait.ge [sflag:s24], $0x4000  }
0xdb: {  	[sflag:s24] =	ssyncset.done $0x0  }
0xdc: {  	[sflag:s24] =	ssyncadd.s32 $0xFFFFC000  }
0xdd: {  	_ =	swait.ge [sflag:s24], $0x4000  }
0xde: {  	[sflag:s24] =	ssyncset.done $0x0  }
0xdf: {  	[sflag:s24] =	ssyncadd.s32 $0xFFFFC000  }
0xe0: {  	_ =	swait.ge [sflag:s24], $0x4000  }
0xe1: {  	[sflag:s24] =	ssyncset.done $0x0  }
0xe2: {  	[sflag:s24] =	ssyncadd.s32 $0xFFFFC000  }
0xe3: {  	_ =	swait.ge [sflag:s24], $0x4000  }
0xe4: {  	[sflag:s24] =	ssyncset.done $0x0  }
0xe5: {  	[sflag:s24] =	ssyncadd.s32 $0xFFFFC000  }
0xe6: {  	_ =	swait.ge [sflag:s24], $0x4000  }
0xe7: {  	[sflag:s24] =	ssyncset.done $0x0  }
0xe8: {  	[sflag:s24] =	ssyncadd.s32 $0xFFFFC000  }
0xe9: {  	_ =	swait.ge [sflag:s24], $0x4000  }
0xea: {  	[sflag:s24] =	ssyncset.done $0x0  }
0xeb: {  	[sflag:s24] =	ssyncadd.s32 $0xFFFFC000  }
0xec: {  	_ =	swait.ge [sflag:s24], $0x4000  }
0xed: {  	[sflag:s24] =	ssyncset.done $0x0  }
0xee: {  	[sflag:s24] =	ssyncadd.s32 $0xFFFFC000  }
0xef: {  	_ =	swait.ge [sflag:s24], $0x4000  }
0xf0: {  	[sflag:s24] =	ssyncset.done $0x0  }
0xf1: {  	[sflag:s24] =	ssyncadd.s32 $0xFFFFC000  }
0xf2: {  	[spmem:s2] =	stream.indirect.scatter.add.f32 [tilespmem:s15], [sflag:$0x1], $0x80, s0, s17, $0xb8;
	[tilespmem:$0x19080] =	vst v63  }
0xf3: {  	_ = 	snop  }
0xf4: {  	[spmem:s2] =	stream.indirect.scatter.add.f32 [tilespmem:s15], [sflag:$0x1], $0x80, s21, s17, $0xb8;
	[tilespmem:$0x19080] =	vst v63  }
0xf5: {  	_ = 	snop  }
0xf6: {  	[spmem:s2] =	stream.indirect.scatter.add.f32 [tilespmem:s15], [sflag:$0x1], $0x80, s22, s17, $0xb8;
	[tilespmem:$0x19080] =	vst v63  }
0xf7: {  	_ = 	snop  }
0xf8: {  	[spmem:s2] =	stream.indirect.scatter.add.f32 [tilespmem:s15], [sflag:$0x1], $0x80, s23, s17, $0xb8;
	[tilespmem:$0x19080] =	vst v63  }
0xf9: {  	_ = 	snop  }
0xfa: {  	[spmem:s2] =	stream.indirect.scatter.add.f32 [tilespmem:s15], [sflag:$0x1], $0x80, s25, s17, $0xb8;
	[tilespmem:$0x19080] =	vst v63  }
0xfb: {  	_ = 	snop  }
0xfc: {  	[spmem:s2] =	stream.indirect.scatter.add.f32 [tilespmem:s15], [sflag:$0x1], $0x80, s26, s17, $0xb8;
	[tilespmem:$0x19080] =	vst v63  }
0xfd: {  	_ = 	snop  }
0xfe: {  	[spmem:s2] =	stream.indirect.scatter.add.f32 [tilespmem:s15], [sflag:$0x1], $0x80, s28, s17, $0xb8;
	[tilespmem:$0x19080] =	vst v63  }
0xff: {  	_ = 	snop  }
0x100: {  	[spmem:s2] =	stream.indirect.scatter.add.f32 [tilespmem:s15], [sflag:$0x1], $0x80, s29, s17, $0xb8;
	[tilespmem:$0x19080] =	vst v63  }
0x101: {  	_ =	swait.ge [sflag:s24], $0x4000  }
0x102: {  	[sflag:s24] =	ssyncset.done $0x0  }
0x103: {  	[sflag:s24] =	ssyncadd.s32 $0xFFFFC000  }
0x104: {  	_ =	swait.ge [sflag:s24], $0x4000  }
0x105: {  	[sflag:s24] =	ssyncset.done $0x0  }
0x106: {  	[sflag:s24] =	ssyncadd.s32 $0xFFFFC000  }
0x107: {  	_ =	swait.ge [sflag:s24], $0x4000  }
0x108: {  	[sflag:s24] =	ssyncset.done $0x0  }
0x109: {  	[sflag:s24] =	ssyncadd.s32 $0xFFFFC000  }
0x10a: {  	_ =	swait.ge [sflag:s24], $0x4000  }
0x10b: {  	[sflag:s24] =	ssyncset.done $0x0  }
0x10c: {  	[sflag:s24] =	ssyncadd.s32 $0xFFFFC000  }
0x10d: {  	_ =	swait.ge [sflag:s24], $0x4000  }
0x10e: {  	[sflag:s24] =	ssyncset.done $0x0  }
0x10f: {  	[sflag:s24] =	ssyncadd.s32 $0xFFFFC000  }
0x110: {  	_ =	swait.ge [sflag:s24], $0x4000  }
0x111: {  	[sflag:s24] =	ssyncset.done $0x0  }
0x112: {  	[sflag:s24] =	ssyncadd.s32 $0xFFFFC000  }
0x113: {  	_ =	swait.ge [sflag:s24], $0x4000  }
0x114: {  	[sflag:s24] =	ssyncset.done $0x0  }
0x115: {  	[sflag:s24] =	ssyncadd.s32 $0xFFFFC000  }
0x116: {  	_ =	swait.ge [sflag:s24], $0x4000  }
0x117: {  	s31 =	stileid.u32;
	[sflag:s24] =	ssyncset.done $0x0  }
0x118: {  	s1 =	sshll.u32 s31, $0x6;
	[sflag:s24] =	ssyncadd.s32 $0xFFFFC000  }
0x119: {  	s31 =	sshrl.u32 s4, $0x3;
	s1 =	sor.u32 $0x1C02, s1;
	[bflag:$0x0] =	sbarrier.arrive $0xFFFF  }
0x11a: {  	[hbm:s12], [sflag:s1] =	dma.local [spmem:s31], $0x2700  }
0x11b: {  	_ =	swait.ge [sflag:s16], $0x2700  }
0x11c: {  	s30 =	sadd.s32 $0x1, s30;
	[sflag:s16] =	ssyncset.done $0x0  }
0x11d: {  	p1 =	sne.s32 s30, s14;
	s31 =	sshrl.u32 @!p0 s10, $0x3;
	[sflag:s16] =	ssyncadd.s32 $0xFFFFD900  }
0x11e: {  	[hbm:s13], [sflag:s1] =	dma.local @!p0 [spmem:s31], $0x100  }
.Ltmp2:
0x11f: {  	_ = 	snop;
	(pc) =	sbr.rel @p1 .LBB2_1-.Ltmp2, $4  }
0x120: {  	s1 =	simm.s32 @!p0 $0x2  }
0x121: {  	_ =	swait.ge @!p0 [sflag:s1], $0x100  }
0x122: {  	[sflag:s1] =	ssyncset.done @!p0 $0x0  }
0x123: {  	[sflag:s1] =	ssyncadd.s32 @!p0 $0xFFFFFF00  }
0x124: {  	_ =	sfence.sel $0x180000  }
0x125: {  	[bflag:$0x0] =	sbarrier.arrive $0xFFFF  }
0x126: {  	_ =	strace $0x90000047  }
0x127: {  	[bflag:$0x2] =	sbarrier.arrive $0xFFFF  }
0x128: {  	s0 =	rddreg [dreg:$0x2]  }
0x129: {  	s0 =	sadd.s32 @!p0 $0x100000, s0  }
0x12a: {  	[sflag:s0] =	ssyncadd.tile.s32 @!p0 $0x1;
	_ =	shalt  }
.Lfunc_end2:
_tile_overlayer_lowered:
.L_overlay_start_2:
0x12b: {  	(tag) =	ssettag $0x2  }
0x12c: {  	s0 =	rddreg [dreg:$0x0];
	s2 =	stileid.u32  }
0x12d: {  	s1 =	rddreg [dreg:$0x1];
	p0 =	sne.s32 s2, $0x0  }
0x12e: {  	s3 =	rddreg [dreg:$0x2];
	[bflag:$0x3] =	sbarrier.arrive $0xFFFF;
	s2 =	simm.s32 @!p0 $0x1C02  }
0x12f: {  	[timem:s3], [sflag:s2] =	dma.local @!p0 [hbm:s0], s1  }
0x130: {  	s0 =	simm.s32 @!p0 $0x2  }
0x131: {  	_ =	swait.ge @!p0 [sflag:s0], s1  }
0x132: {  	s1 =	ssub.s32 @!p0 $0x0, s1;
	[sflag:s0] =	ssyncset.done @!p0 $0x0  }
0x133: {  	[sflag:s0] =	ssyncadd.s32 @!p0 s1  }
0x134: {  	[bflag:$0x3] =	sbarrier.arrive $0xFFFF  }
0x135: {  	_ =	shalt  }

</sc_bundles>
